<compile_context>
chip_gen: v7x
topology: tpu7x:2x2x1
jax: 0.10.2.dev20260603
libtpu: 0.0.44.dev20260713+nightly
codegen_flags: <defaults>
</compile_context>

<pallas_src>
import functools

import jax
import jax.numpy as jnp
from jax import lax
from jax.experimental import pallas as pl
from jax.experimental.pallas import tpu as pltpu
from jax.experimental.pallas import tpu_sc as plsc

N_NODES = 10000
N_EDGES = 320000
D_IN = 128
D_HID = 128
N_CLASSES = 40

NP = 10240
DW = 16
NF = NP * DW // 128

NCORE = 2
NSUB = 16
CH = 128
CPT = 79
EPT = CPT * CH
EP = NCORE * NSUB * EPT

BR = 512
GRID = NP // BR


@functools.lru_cache(maxsize=None)
def _make_deg():
    mesh = plsc.VectorSubcoreMesh(
        core_axis_name="c", subcore_axis_name="s",
        num_cores=NCORE, num_subcores=NSUB)
    rows_per_tile = NP // NSUB
    frows_per_tile = rows_per_tile * DW // 128

    out_type = [jax.ShapeDtypeStruct((NCORE, NF, 128), jnp.float32)]
    scratch = [
        pltpu.VMEM((CH,), jnp.int32),
        pltpu.VMEM((CH, DW), jnp.float32),
        pltpu.VMEM((DW, 128), jnp.float32),
        pltpu.VMEM_SHARED((NP, DW), jnp.float32),
    ]

    def degk(dst_hbm, degf_hbm, didx, ones, stage, dacc):
        cid = lax.axis_index("c")
        sid = lax.axis_index("s")
        row0 = sid * rows_per_tile
        zv = jnp.zeros((16,), jnp.float32)
        ov = jnp.ones((16,), jnp.float32)

        def z16(i, _):
            ones[i, pl.ds(0, 16)] = zv
            return 0
        lax.fori_loop(0, CH, z16, 0)

        def dzr(r, _):
            pltpu.sync_copy(ones.at[pl.ds(0, CH)],
                            dacc.at[pl.ds(row0 + r * CH, CH)])
            return 0
        lax.fori_loop(0, rows_per_tile // CH, dzr, 0)

        def o16(i, _):
            ones[i, pl.ds(0, 16)] = ov
            return 0
        lax.fori_loop(0, CH, o16, 0)
        plsc.subcore_barrier()

        base = (cid * NSUB + sid) * EPT

        def body(i, _):
            pltpu.sync_copy(dst_hbm.at[pl.ds(base + i * CH, CH)], didx)
            pltpu.sync_copy(ones, dacc.at[didx], add=True)
            return 0
        lax.fori_loop(0, CPT, body, 0)
        plsc.subcore_barrier()

        def dp(p, _):
            pltpu.sync_copy(dacc.at[pl.ds(row0 + p * CH, CH)], ones)

            def di(i, _):
                stage[i // 8, pl.ds((i % 8) * 16, 16)] = ones[i, pl.ds(0, 16)]
                return 0
            lax.fori_loop(0, CH, di, 0)
            pltpu.sync_copy(
                stage,
                degf_hbm.at[cid, pl.ds(sid * frows_per_tile + p * DW, DW)])
            return 0
        lax.fori_loop(0, rows_per_tile // CH, dp, 0)

    return pl.kernel(
        degk, out_type=out_type, mesh=mesh, scratch_types=scratch,
        compiler_params=pltpu.CompilerParams(use_tc_tiling_on_sc=False))


@functools.lru_cache(maxsize=None)
def _make_segsum():
    d = D_HID
    mesh = plsc.VectorSubcoreMesh(
        core_axis_name="c", subcore_axis_name="s",
        num_cores=NCORE, num_subcores=NSUB)
    rows_per_tile = NP // NSUB
    zrows = 32
    nz = rows_per_tile // zrows

    out_type = [jax.ShapeDtypeStruct((NCORE, NP, d), jnp.float32)]
    scratch = [
        pltpu.VMEM((CH,), jnp.int32),
        pltpu.VMEM((CH,), jnp.int32),
        pltpu.VMEM((CH,), jnp.int32),
        pltpu.VMEM((CH,), jnp.int32),
        pltpu.VMEM((CH, d), jnp.float32),
        pltpu.VMEM((CH, d), jnp.float32),
        pltpu.VMEM_SHARED((NP, d), jnp.float32),
        pltpu.SemaphoreType.DMA,
        pltpu.SemaphoreType.DMA,
    ]

    def seg(src_hbm, dst_hbm, table_hbm, out_hbm,
            sidx0, sidx1, didx0, didx1, rows0, rows1, acc, gsem0, gsem1):
        sidx = (sidx0, sidx1)
        didx = (didx0, didx1)
        rows = (rows0, rows1)
        gsem = (gsem0, gsem1)
        cid = lax.axis_index("c")
        sid = lax.axis_index("s")
        zslice = rows0.at[pl.ds(0, zrows)]
        zv = jnp.zeros((16,), jnp.float32)
        row0 = sid * rows_per_tile

        def zi(i, _):
            def zj(j, _):
                rows0[i, pl.ds(j * 16, 16)] = zv
                return 0
            return lax.fori_loop(0, d // 16, zj, 0)
        lax.fori_loop(0, zrows, zi, 0)

        def zr(r, _):
            pltpu.sync_copy(zslice, acc.at[pl.ds(row0 + r * zrows, zrows)])
            return 0
        lax.fori_loop(0, nz, zr, 0)

        base = (cid * NSUB + sid) * EPT
        pltpu.sync_copy(src_hbm.at[pl.ds(base, CH)], sidx0)
        pltpu.sync_copy(dst_hbm.at[pl.ds(base, CH)], didx0)
        pltpu.async_copy(table_hbm.at[sidx0], rows0, gsem0)
        plsc.subcore_barrier()

        def it_body(it, _):
            for b in range(2):
                i = 2 * it + b
                nxt = 1 - b

                @pl.when(i < CPT)
                def _proc():
                    @pl.when(i + 1 < CPT)
                    def _prefetch():
                        off = base + (i + 1) * CH
                        pltpu.sync_copy(src_hbm.at[pl.ds(off, CH)], sidx[nxt])
                        pltpu.sync_copy(dst_hbm.at[pl.ds(off, CH)], didx[nxt])
                        pltpu.async_copy(table_hbm.at[sidx[nxt]], rows[nxt],
                                         gsem[nxt])

                    pltpu.make_async_copy(table_hbm.at[sidx[b]], rows[b],
                                          gsem[b]).wait()
                    pltpu.sync_copy(rows[b], acc.at[didx[b]], add=True)
            return 0
        lax.fori_loop(0, (CPT + 1) // 2, it_body, 0)
        plsc.subcore_barrier()

        def co(r, _):
            rr = row0 + r * zrows
            pltpu.sync_copy(acc.at[pl.ds(rr, zrows)], zslice)
            pltpu.sync_copy(zslice, out_hbm.at[cid, pl.ds(rr, zrows)])
            return 0
        lax.fori_loop(0, nz, co, 0)

    return pl.kernel(seg, out_type=out_type, mesh=mesh, scratch_types=scratch)


def _rdeg_from_flat(dv):
    f = dv[0] + dv[1]
    fr = f.shape[0]
    ci = lax.broadcasted_iota(jnp.int32, (128, 8), 0)
    gi = lax.broadcasted_iota(jnp.int32, (128, 8), 1)
    g = jnp.where(ci // 16 == gi, 1.0 / 16.0, 0.0)
    d8 = jnp.dot(f, g, preferred_element_type=jnp.float32)
    ni = lax.broadcasted_iota(jnp.int32, (8 * fr, fr), 0)
    ri = lax.broadcasted_iota(jnp.int32, (8 * fr, fr), 1)
    a = jnp.where(ni // 8 == ri, 1.0, 0.0)
    dn8 = jnp.dot(a, d8, preferred_element_type=jnp.float32)
    n2 = lax.broadcasted_iota(jnp.int32, (8 * fr, 8), 0)
    c2 = lax.broadcasted_iota(jnp.int32, (8 * fr, 8), 1)
    sel = jnp.where(n2 % 8 == c2, 1.0, 0.0)
    deg = jnp.sum(dn8 * sel, axis=1, keepdims=True)
    return 1.0 / jnp.maximum(deg, 1.0)


def _mm1_body(x_ref, w_ref, y_ref):
    y_ref[...] = jnp.dot(x_ref[...], w_ref[...],
                         preferred_element_type=jnp.float32)


def _mm1(xp, w1):
    return pl.pallas_call(
        _mm1_body,
        grid=(GRID,),
        in_specs=[
            pl.BlockSpec((BR, D_IN), lambda i: (i, 0)),
            pl.BlockSpec((D_IN, D_HID), lambda i: (0, 0)),
        ],
        out_specs=pl.BlockSpec((BR, D_HID), lambda i: (i, 0)),
        out_shape=jax.ShapeDtypeStruct((NP, D_HID), jnp.float32),
    )(xp, w1)


def _fused_body(acc_ref, degf_ref, b_ref, w_ref, y_ref):
    v = acc_ref[...]
    rdeg = _rdeg_from_flat(degf_ref[...])
    h = jnp.maximum((v[0] + v[1]) * rdeg + b_ref[0:1, :], 0.0)
    y_ref[...] = jnp.dot(h, w_ref[...], preferred_element_type=jnp.float32)


def _fused(acc, degf, bb, w):
    return pl.pallas_call(
        _fused_body,
        grid=(GRID,),
        in_specs=[
            pl.BlockSpec((NCORE, BR, D_HID), lambda i: (0, i, 0)),
            pl.BlockSpec((NCORE, BR // 8, 128), lambda i: (0, i, 0)),
            pl.BlockSpec((8, D_HID), lambda i: (0, 0)),
            pl.BlockSpec((D_HID, D_HID), lambda i: (0, 0)),
        ],
        out_specs=pl.BlockSpec((BR, D_HID), lambda i: (i, 0)),
        out_shape=jax.ShapeDtypeStruct((NP, D_HID), jnp.float32),
    )(acc, degf, bb, w)


def _final_body(acc_ref, degf_ref, b_ref, y_ref):
    v = acc_ref[...]
    rdeg = _rdeg_from_flat(degf_ref[...])
    y_ref[...] = (v[0] + v[1]) * rdeg + b_ref[0:1, :]


def _final(acc3, degf, b3b):
    return pl.pallas_call(
        _final_body,
        grid=(GRID,),
        in_specs=[
            pl.BlockSpec((NCORE, BR, D_HID), lambda i: (0, i, 0)),
            pl.BlockSpec((NCORE, BR // 8, 128), lambda i: (0, i, 0)),
            pl.BlockSpec((8, D_HID), lambda i: (0, 0)),
        ],
        out_specs=pl.BlockSpec((BR, D_HID), lambda i: (i, 0)),
        out_shape=jax.ShapeDtypeStruct((NP, D_HID), jnp.float32),
    )(acc3, degf, b3b)


def kernel(graph, features, W1, b1, W2, b2, W3, b3):
    src = graph[0].astype(jnp.int32)
    dst = graph[1].astype(jnp.int32)
    pad = EP - N_EDGES
    src_p = jnp.concatenate([src, jnp.zeros((pad,), jnp.int32)])
    dst_p = jnp.concatenate([dst, jnp.full((pad,), N_NODES, jnp.int32)])

    xp = jnp.pad(features, ((0, NP - N_NODES), (0, 0)))
    w3p = jnp.pad(W3, ((0, 0), (0, D_HID - N_CLASSES)))
    b1b = jnp.broadcast_to(b1, (8, D_HID))
    b2b = jnp.broadcast_to(b2, (8, D_HID))
    b3b = jnp.broadcast_to(jnp.pad(b3, (0, D_HID - N_CLASSES)), (8, D_HID))

    degf, = _make_deg()(dst_p)
    y1 = _mm1(xp, W1)
    acc1, = _make_segsum()(src_p, dst_p, y1)
    y2 = _fused(acc1, degf, b1b, W2)
    acc2, = _make_segsum()(src_p, dst_p, y2)
    y3 = _fused(acc2, degf, b2b, w3p)
    acc3, = _make_segsum()(src_p, dst_p, y3)
    out = _final(acc3, degf, b3b)
    return out[:N_NODES, :N_CLASSES]

# --- scband reference (transcript-rebuilt; emitter-appended) ---
"""Pipeline reference for scband-our-network-41927470744128 (READ-ONLY COPY).

The authoritative reference and input builder live on the scoring server;
editing this copy changes nothing except your own understanding.
"""

import jax, jax.numpy as jnp
import numpy as np

N_NODES = 10000
N_EDGES = 320000
D_IN = 128
D_HID = 128
N_CLASSES = 40


def setup_inputs(seed: int = 0) -> dict:
    key = jax.random.key(seed)
    ks = jax.random.split(key, 8)
    features = jax.random.normal(ks[0], (N_NODES, D_IN), dtype=jnp.float32)
    graph = jax.random.randint(ks[1], (2, N_EDGES), 0, N_NODES)
    W1 = jax.random.normal(ks[2], (D_IN, D_HID), dtype=jnp.float32) * 0.05
    b1 = jnp.zeros((D_HID,), dtype=jnp.float32)
    W2 = jax.random.normal(ks[3], (D_HID, D_HID), dtype=jnp.float32) * 0.05
    b2 = jnp.zeros((D_HID,), dtype=jnp.float32)
    W3 = jax.random.normal(ks[4], (D_HID, N_CLASSES), dtype=jnp.float32) * 0.05
    b3 = jnp.zeros((N_CLASSES,), dtype=jnp.float32)
    return {"graph": graph, "features": features, "W1": W1, "b1": b1,
            "W2": W2, "b2": b2, "W3": W3, "b3": b3}


def reference(graph, features, W1, b1, W2, b2, W3, b3):
    # OurLayer assumed to be a mean-aggregation message-passing layer:
    #   m_v = mean_{u in N(v)} h_u ; h'_v = act(m_v @ W + b)
    # use_intermediate_embedding=False, use_linear_comb=False path.
    # Dropout is identity at inference.
    src = graph[0]
    dst = graph[1]
    deg = jnp.zeros((N_NODES,), dtype=jnp.float32).at[dst].add(1.0)
    deg = jnp.maximum(deg, 1.0)

    def layer(h, W, b, act):
        msg = jax.ops.segment_sum(h[src], dst, num_segments=N_NODES)
        msg = msg / deg[:, None]
        out = msg @ W + b
        if act:
            out = jax.nn.relu(out)
        return out

    h = layer(features, W1, b1, True)
    h = layer(h, W2, b2, True)
    h = layer(h, W3, b3, False)
    return h

if __name__ == "__main__":
    import jax
    _d = setup_inputs()
    print(jax.jit(kernel)(*tuple(_d.values())))

</pallas_src>

<mosaic_0001>
#map = affine_map<(d0, d1) -> (0)>
#map1 = affine_map<(d0, d1) -> (0, 0)>
#map2 = affine_map<(d0, d1) -> (0, 0, 0)>
module attributes {stable_mosaic.version = 14 : i64} {
  func.func @seg(%arg0: i32, %arg1: i32, %arg2: memref<323584xi32, #tpu.memory_space<hbm>>, %arg3: memref<323584xi32, #tpu.memory_space<hbm>>, %arg4: memref<10240x128xf32, #tpu.memory_space<hbm>>, %arg5: memref<2x10240x128xf32, #tpu.memory_space<hbm>>, %arg6: memref<128xi32, #tpu.memory_space<vmem>>, %arg7: memref<128xi32, #tpu.memory_space<vmem>>, %arg8: memref<128xi32, #tpu.memory_space<vmem>>, %arg9: memref<128xi32, #tpu.memory_space<vmem>>, %arg10: memref<128x128xf32, #tpu.memory_space<vmem>>, %arg11: memref<128x128xf32, #tpu.memory_space<vmem>>, %arg12: memref<10240x128xf32, #tpu.memory_space<vmem_shared>>, %arg13: memref<!tpu.dma_semaphore, #tpu.memory_space<semaphore_mem>>, %arg14: memref<!tpu.dma_semaphore, #tpu.memory_space<semaphore_mem>>) attributes {dimension_semantics = [#tpu.dimension_semantics<core_parallel>, #tpu.dimension_semantics<subcore_parallel>], iteration_bounds = array<i64: 2, 16>, scalar_prefetch = 0 : i64, scratch_operands = 9 : i64, tpu.core_type = #tpu.core_type<sc_vector_subcore>, window_params = [{transform_indices = #map}, {transform_indices = #map}, {transform_indices = #map1}, {transform_indices = #map2}]} {
    %broadcast_in_dim3A = arith.constant 0.000000e+00 : f32
    %broadcast_in_dim3A_0 = vector.broadcast %broadcast_in_dim3A : f32 to vector<16xf32>
    %mul3A = arith.constant 640 : i32
    %mul3A_1 = arith.muli %arg1, %mul3A : i32
    %scan3A = arith.constant 0 : i32
    %scan3A_2 = arith.constant 0 : i32
    %scan3A_3 = arith.constant 32 : i32
    %scan3A_4 = arith.addi %scan3A_2, %scan3A_3 : i32
    %scan3A_5 = arith.constant 1 : i32
    %scan3A_6 = scf.for %scan3A_36 = %scan3A_2 to %scan3A_4 step %scan3A_5 iter_args(%scan3A_37 = %scan3A) -> (i32)  : i32 {
      %scan3A_38 = arith.constant 0 : i32
      %scan3A_39 = arith.constant 0 : i32
      %scan3A_40 = arith.constant 8 : i32
      %scan3A_41 = arith.addi %scan3A_39, %scan3A_40 : i32
      %scan3A_42 = arith.constant 1 : i32
      %scan3A_43 = scf.for %scan3A_45 = %scan3A_39 to %scan3A_41 step %scan3A_42 iter_args(%scan3A_46 = %scan3A_38) -> (i32)  : i32 {
        %mul3A_47 = arith.constant 16 : i32
        %mul3A_48 = arith.muli %scan3A_45, %mul3A_47 : i32
        %swap3A = arith.index_cast %scan3A_36 : i32 to index
        %swap3A_49 = arith.index_cast %mul3A_48 : i32 to index
        %swap3A_50 = tpu.vector_load %arg10[%swap3A, %swap3A_49] {strides = array<i32>} : memref<128x128xf32, #tpu.memory_space<vmem>>, vector<1x16xf32>,
        %swap3A_51 = vector.shape_cast %swap3A_50 : vector<1x16xf32> to vector<16xf32>
        %swap3A_52 = vector.shape_cast %broadcast_in_dim3A_0 : vector<16xf32> to vector<1x16xf32>
        tpu.vector_store %arg10[%swap3A, %swap3A_49], %swap3A_52 {strides = array<i32>} : memref<128x128xf32, #tpu.memory_space<vmem>>, vector<1x16xf32>,
        %scan3A_53 = arith.constant 0 : i32
        scf.yield %scan3A_53 : i32
      }
      %scan3A_44 = arith.constant 8 : i32
      scf.yield %scan3A_43 : i32
    }
    %scan3A_7 = arith.constant 32 : i32
    %scan3A_8 = arith.constant 0 : i32
    %scan3A_9 = arith.constant 0 : i32
    %scan3A_10 = arith.constant 20 : i32
    %scan3A_11 = arith.addi %scan3A_9, %scan3A_10 : i32
    %scan3A_12 = arith.constant 1 : i32
    %scan3A_13 = scf.for %scan3A_36 = %scan3A_9 to %scan3A_11 step %scan3A_12 iter_args(%scan3A_37 = %scan3A_8) -> (i32)  : i32 {
      %mul3A_38 = arith.constant 32 : i32
      %mul3A_39 = arith.muli %scan3A_36, %mul3A_38 : i32
      %add3A_40 = arith.addi %mul3A_1, %mul3A_39 : i32
      "tpu.region"() ({
        %run_scoped3A = tpu.sem_alloc : memref<!tpu.dma_semaphore, #tpu.memory_space<semaphore_mem>>
        %dma_start3A_42 = arith.constant 0 : i32
        %dma_start3A_43 = arith.constant 0 : i32
        %dma_start3A_44 = tpu.memref_slice %arg10[%dma_start3A_42, %dma_start3A_43] : memref<128x128xf32, #tpu.memory_space<vmem>> -> memref<32x128xf32, #tpu.memory_space<vmem>>
        %dma_start3A_45 = arith.constant 0 : i32
        %dma_start3A_46 = tpu.memref_slice %arg12[%add3A_40, %dma_start3A_45] : memref<10240x128xf32, #tpu.memory_space<vmem_shared>> -> memref<32x128xf32, #tpu.memory_space<vmem_shared>>
        %dma_start3A_47 = arith.constant 0 : i32
        %dma_start3A_48 = tpu.memref_slice %arg12[%add3A_40, %dma_start3A_47] : memref<10240x128xf32, #tpu.memory_space<vmem_shared>> -> memref<32x128xf32, #tpu.memory_space<vmem_shared>>
        %dma_start3A_49 = arith.constant 0 : i32
        %dma_start3A_50 = arith.constant 0 : i32
        %dma_start3A_51 = tpu.memref_slice %arg10[%dma_start3A_49, %dma_start3A_50] : memref<128x128xf32, #tpu.memory_space<vmem>> -> memref<32x128xf32, #tpu.memory_space<vmem>>
        tpu.enqueue_dma source(%dma_start3A_51 : memref<32x128xf32, #tpu.memory_space<vmem>>) target(%dma_start3A_48 : memref<32x128xf32, #tpu.memory_space<vmem_shared>>) target_semaphore(%run_scoped3A : memref<!tpu.dma_semaphore, #tpu.memory_space<semaphore_mem>>)
        %dma_wait3A = arith.constant 0 : i32
        %dma_wait3A_52 = arith.constant 0 : i32
        %dma_wait3A_53 = tpu.memref_slice %arg10[%dma_wait3A, %dma_wait3A_52] : memref<128x128xf32, #tpu.memory_space<vmem>> -> memref<32x128xf32, #tpu.memory_space<vmem>>
        %dma_wait3A_54 = arith.constant 0 : i32
        %dma_wait3A_55 = tpu.memref_slice %arg12[%add3A_40, %dma_wait3A_54] : memref<10240x128xf32, #tpu.memory_space<vmem_shared>> -> memref<32x128xf32, #tpu.memory_space<vmem_shared>>
        %dma_wait3A_56 = arith.constant 0 : i32
        %dma_wait3A_57 = tpu.memref_slice %arg12[%add3A_40, %dma_wait3A_56] : memref<10240x128xf32, #tpu.memory_space<vmem_shared>> -> memref<32x128xf32, #tpu.memory_space<vmem_shared>>
        %dma_wait3A_58 = arith.constant 0 : i32
        %dma_wait3A_59 = arith.constant 0 : i32
        %dma_wait3A_60 = tpu.memref_slice %arg10[%dma_wait3A_58, %dma_wait3A_59] : memref<128x128xf32, #tpu.memory_space<vmem>> -> memref<32x128xf32, #tpu.memory_space<vmem>>
        tpu.wait_dma2 semaphore(%run_scoped3A : memref<!tpu.dma_semaphore, #tpu.memory_space<semaphore_mem>>) src(%dma_wait3A_60 : memref<32x128xf32, #tpu.memory_space<vmem>>) dst(%dma_wait3A_57 : memref<32x128xf32, #tpu.memory_space<vmem_shared>>)
        tpu.yield
      }) : () -> ()
      %scan3A_41 = arith.constant 0 : i32
      scf.yield %scan3A_41 : i32
    }
    %scan3A_14 = arith.constant 20 : i32
    %mul3A_15 = arith.constant 16 : i32
    %mul3A_16 = arith.muli %arg0, %mul3A_15 : i32
    %add3A = arith.addi %mul3A_16, %arg1 : i32
    %mul3A_17 = arith.constant 10112 : i32
    %mul3A_18 = arith.muli %add3A, %mul3A_17 : i32
    "tpu.region"() ({
      %run_scoped3A = tpu.sem_alloc : memref<!tpu.dma_semaphore, #tpu.memory_space<semaphore_mem>>
      %dma_start3A_36 = tpu.memref_slice %arg2[%mul3A_18] : memref<323584xi32, #tpu.memory_space<hbm>> -> memref<128xi32, #tpu.memory_space<hbm>>
      %dma_start3A_37 = tpu.memref_slice %arg2[%mul3A_18] : memref<323584xi32, #tpu.memory_space<hbm>> -> memref<128xi32, #tpu.memory_space<hbm>>
      tpu.enqueue_dma source(%dma_start3A_37 : memref<128xi32, #tpu.memory_space<hbm>>) target(%arg6 : memref<128xi32, #tpu.memory_space<vmem>>) target_semaphore(%run_scoped3A : memref<!tpu.dma_semaphore, #tpu.memory_space<semaphore_mem>>)
      %dma_wait3A = tpu.memref_slice %arg2[%mul3A_18] : memref<323584xi32, #tpu.memory_space<hbm>> -> memref<128xi32, #tpu.memory_space<hbm>>
      %dma_wait3A_38 = tpu.memref_slice %arg2[%mul3A_18] : memref<323584xi32, #tpu.memory_space<hbm>> -> memref<128xi32, #tpu.memory_space<hbm>>
      tpu.wait_dma2 semaphore(%run_scoped3A : memref<!tpu.dma_semaphore, #tpu.memory_space<semaphore_mem>>) src(%dma_wait3A_38 : memref<128xi32, #tpu.memory_space<hbm>>) dst(%arg6 : memref<128xi32, #tpu.memory_space<vmem>>)
      tpu.yield
    }) : () -> ()
    "tpu.region"() ({
      %run_scoped3A = tpu.sem_alloc : memref<!tpu.dma_semaphore, #tpu.memory_space<semaphore_mem>>
      %dma_start3A_36 = tpu.memref_slice %arg3[%mul3A_18] : memref<323584xi32, #tpu.memory_space<hbm>> -> memref<128xi32, #tpu.memory_space<hbm>>
      %dma_start3A_37 = tpu.memref_slice %arg3[%mul3A_18] : memref<323584xi32, #tpu.memory_space<hbm>> -> memref<128xi32, #tpu.memory_space<hbm>>
      tpu.enqueue_dma source(%dma_start3A_37 : memref<128xi32, #tpu.memory_space<hbm>>) target(%arg8 : memref<128xi32, #tpu.memory_space<vmem>>) target_semaphore(%run_scoped3A : memref<!tpu.dma_semaphore, #tpu.memory_space<semaphore_mem>>)
      %dma_wait3A = tpu.memref_slice %arg3[%mul3A_18] : memref<323584xi32, #tpu.memory_space<hbm>> -> memref<128xi32, #tpu.memory_space<hbm>>
      %dma_wait3A_38 = tpu.memref_slice %arg3[%mul3A_18] : memref<323584xi32, #tpu.memory_space<hbm>> -> memref<128xi32, #tpu.memory_space<hbm>>
      tpu.wait_dma2 semaphore(%run_scoped3A : memref<!tpu.dma_semaphore, #tpu.memory_space<semaphore_mem>>) src(%dma_wait3A_38 : memref<128xi32, #tpu.memory_space<hbm>>) dst(%arg8 : memref<128xi32, #tpu.memory_space<vmem>>)
      tpu.yield
    }) : () -> ()
    %dma_start3A = arith.constant 0 : i32
    %dma_start3A_19 = arith.constant 0 : i32
    %dma_start3A_20 = tpu.memref_slice %arg4[%dma_start3A, %dma_start3A_19] : memref<10240x128xf32, #tpu.memory_space<hbm>> -> memref<10240x128xf32, #tpu.memory_space<hbm>>
    tpu.enqueue_indirect_dma source(%dma_start3A_20 : memref<10240x128xf32, #tpu.memory_space<hbm>>) target(%arg10 : memref<128x128xf32, #tpu.memory_space<vmem>>) offsets(%arg6 : memref<128xi32, #tpu.memory_space<vmem>>) semaphore(%arg13 : memref<!tpu.dma_semaphore, #tpu.memory_space<semaphore_mem>>)
    %barrier3A = arith.constant 0 : index
    tpu.barrier barrier_id(%barrier3A)
    %scan3A_21 = arith.constant 0 : i32
    %scan3A_22 = arith.constant 0 : i32
    %scan3A_23 = arith.constant 40 : i32
    %scan3A_24 = arith.addi %scan3A_22, %scan3A_23 : i32
    %scan3A_25 = arith.constant 1 : i32
    %scan3A_26 = scf.for %scan3A_36 = %scan3A_22 to %scan3A_24 step %scan3A_25 iter_args(%scan3A_37 = %scan3A_21) -> (i32)  : i32 {
      %mul3A_38 = arith.constant 2 : i32
      %mul3A_39 = arith.muli %mul3A_38, %scan3A_36 : i32
      %add3A_40 = arith.constant 0 : i32
      %add3A_41 = arith.addi %mul3A_39, %add3A_40 : i32
      %lt3A = arith.constant 79 : i32
      %lt3A_42 = arith.cmpi slt, %add3A_41, %lt3A : i32
      %convert_element_type3A = arith.extui %lt3A_42 : i1 to i32
      %cond3A = arith.constant 0 : i32
      %cond3A_43 = arith.cmpi ne, %convert_element_type3A, %cond3A : i32
      scf.if %cond3A_43 {
        %add3A_54 = arith.constant 1 : i32
        %add3A_55 = arith.addi %add3A_41, %add3A_54 : i32
        %lt3A_56 = arith.constant 79 : i32
        %lt3A_57 = arith.cmpi slt, %add3A_55, %lt3A_56 : i32
        %convert_element_type3A_58 = arith.extui %lt3A_57 : i1 to i32
        %cond3A_59 = arith.constant 0 : i32
        %cond3A_60 = arith.cmpi ne, %convert_element_type3A_58, %cond3A_59 : i32
        scf.if %cond3A_60 {
          %add3A_63 = arith.constant 1 : i32
          %add3A_64 = arith.addi %add3A_41, %add3A_63 : i32
          %mul3A_65 = arith.constant 128 : i32
          %mul3A_66 = arith.muli %add3A_64, %mul3A_65 : i32
          %add3A_67 = arith.addi %mul3A_18, %mul3A_66 : i32
          "tpu.region"() ({
            %run_scoped3A = tpu.sem_alloc : memref<!tpu.dma_semaphore, #tpu.memory_space<semaphore_mem>>
            %dma_start3A_71 = tpu.memref_slice %arg2[%add3A_67] : memref<323584xi32, #tpu.memory_space<hbm>> -> memref<128xi32, #tpu.memory_space<hbm>>
            %dma_start3A_72 = tpu.memref_slice %arg2[%add3A_67] : memref<323584xi32, #tpu.memory_space<hbm>> -> memref<128xi32, #tpu.memory_space<hbm>>
            tpu.enqueue_dma source(%dma_start3A_72 : memref<128xi32, #tpu.memory_space<hbm>>) target(%arg7 : memref<128xi32, #tpu.memory_space<vmem>>) target_semaphore(%run_scoped3A : memref<!tpu.dma_semaphore, #tpu.memory_space<semaphore_mem>>)
            %dma_wait3A_73 = tpu.memref_slice %arg2[%add3A_67] : memref<323584xi32, #tpu.memory_space<hbm>> -> memref<128xi32, #tpu.memory_space<hbm>>
            %dma_wait3A_74 = tpu.memref_slice %arg2[%add3A_67] : memref<323584xi32, #tpu.memory_space<hbm>> -> memref<128xi32, #tpu.memory_space<hbm>>
            tpu.wait_dma2 semaphore(%run_scoped3A : memref<!tpu.dma_semaphore, #tpu.memory_space<semaphore_mem>>) src(%dma_wait3A_74 : memref<128xi32, #tpu.memory_space<hbm>>) dst(%arg7 : memref<128xi32, #tpu.memory_space<vmem>>)
            tpu.yield
          }) : () -> ()
          "tpu.region"() ({
            %run_scoped3A = tpu.sem_alloc : memref<!tpu.dma_semaphore, #tpu.memory_space<semaphore_mem>>
            %dma_start3A_71 = tpu.memref_slice %arg3[%add3A_67] : memref<323584xi32, #tpu.memory_space<hbm>> -> memref<128xi32, #tpu.memory_space<hbm>>
            %dma_start3A_72 = tpu.memref_slice %arg3[%add3A_67] : memref<323584xi32, #tpu.memory_space<hbm>> -> memref<128xi32, #tpu.memory_space<hbm>>
            tpu.enqueue_dma source(%dma_start3A_72 : memref<128xi32, #tpu.memory_space<hbm>>) target(%arg9 : memref<128xi32, #tpu.memory_space<vmem>>) target_semaphore(%run_scoped3A : memref<!tpu.dma_semaphore, #tpu.memory_space<semaphore_mem>>)
            %dma_wait3A_73 = tpu.memref_slice %arg3[%add3A_67] : memref<323584xi32, #tpu.memory_space<hbm>> -> memref<128xi32, #tpu.memory_space<hbm>>
            %dma_wait3A_74 = tpu.memref_slice %arg3[%add3A_67] : memref<323584xi32, #tpu.memory_space<hbm>> -> memref<128xi32, #tpu.memory_space<hbm>>
            tpu.wait_dma2 semaphore(%run_scoped3A : memref<!tpu.dma_semaphore, #tpu.memory_space<semaphore_mem>>) src(%dma_wait3A_74 : memref<128xi32, #tpu.memory_space<hbm>>) dst(%arg9 : memref<128xi32, #tpu.memory_space<vmem>>)
            tpu.yield
          }) : () -> ()
          %dma_start3A_68 = arith.constant 0 : i32
          %dma_start3A_69 = arith.constant 0 : i32
          %dma_start3A_70 = tpu.memref_slice %arg4[%dma_start3A_68, %dma_start3A_69] : memref<10240x128xf32, #tpu.memory_space<hbm>> -> memref<10240x128xf32, #tpu.memory_space<hbm>>
          tpu.enqueue_indirect_dma source(%dma_start3A_70 : memref<10240x128xf32, #tpu.memory_space<hbm>>) target(%arg11 : memref<128x128xf32, #tpu.memory_space<vmem>>) offsets(%arg7 : memref<128xi32, #tpu.memory_space<vmem>>) semaphore(%arg14 : memref<!tpu.dma_semaphore, #tpu.memory_space<semaphore_mem>>)
        } else {
        }
        %dma_wait3A = arith.constant 0 : i32
        %dma_wait3A_61 = arith.constant 0 : i32
        %dma_wait3A_62 = tpu.memref_slice %arg4[%dma_wait3A, %dma_wait3A_61] : memref<10240x128xf32, #tpu.memory_space<hbm>> -> memref<10240x128xf32, #tpu.memory_space<hbm>>
        tpu.wait_indirect_dma semaphore(%arg13 : memref<!tpu.dma_semaphore, #tpu.memory_space<semaphore_mem>>) src(%dma_wait3A_62 : memref<10240x128xf32, #tpu.memory_space<hbm>>) dst(%arg10 : memref<128x128xf32, #tpu.memory_space<vmem>>)
        "tpu.region"() ({
          %run_scoped3A = tpu.sem_alloc : memref<!tpu.dma_semaphore, #tpu.memory_space<semaphore_mem>>
          %dma_start3A_63 = arith.constant 0 : i32
          %dma_start3A_64 = arith.constant 0 : i32
          %dma_start3A_65 = tpu.memref_slice %arg12[%dma_start3A_63, %dma_start3A_64] : memref<10240x128xf32, #tpu.memory_space<vmem_shared>> -> memref<10240x128xf32, #tpu.memory_space<vmem_shared>>
          tpu.enqueue_indirect_dma source(%arg10 : memref<128x128xf32, #tpu.memory_space<vmem>>) target(%dma_start3A_65 : memref<10240x128xf32, #tpu.memory_space<vmem_shared>>) offsets(%arg8 : memref<128xi32, #tpu.memory_space<vmem>>) semaphore(%run_scoped3A : memref<!tpu.dma_semaphore, #tpu.memory_space<semaphore_mem>>) {add = true}
          %dma_wait3A_66 = arith.constant 0 : i32
          %dma_wait3A_67 = arith.constant 0 : i32
          %dma_wait3A_68 = tpu.memref_slice %arg12[%dma_wait3A_66, %dma_wait3A_67] : memref<10240x128xf32, #tpu.memory_space<vmem_shared>> -> memref<10240x128xf32, #tpu.memory_space<vmem_shared>>
          tpu.wait_indirect_dma semaphore(%run_scoped3A : memref<!tpu.dma_semaphore, #tpu.memory_space<semaphore_mem>>) src(%arg10 : memref<128x128xf32, #tpu.memory_space<vmem>>) dst(%dma_wait3A_68 : memref<10240x128xf32, #tpu.memory_space<vmem_shared>>)
          tpu.yield
        }) : () -> ()
      } else {
      }
      %mul3A_44 = arith.constant 2 : i32
      %mul3A_45 = arith.muli %mul3A_44, %scan3A_36 : i32
      %add3A_46 = arith.constant 1 : i32
      %add3A_47 = arith.addi %mul3A_45, %add3A_46 : i32
      %lt3A_48 = arith.constant 79 : i32
      %lt3A_49 = arith.cmpi slt, %add3A_47, %lt3A_48 : i32
      %convert_element_type3A_50 = arith.extui %lt3A_49 : i1 to i32
      %cond3A_51 = arith.constant 0 : i32
      %cond3A_52 = arith.cmpi ne, %convert_element_type3A_50, %cond3A_51 : i32
      scf.if %cond3A_52 {
        %add3A_54 = arith.constant 1 : i32
        %add3A_55 = arith.addi %add3A_47, %add3A_54 : i32
        %lt3A_56 = arith.constant 79 : i32
        %lt3A_57 = arith.cmpi slt, %add3A_55, %lt3A_56 : i32
        %convert_element_type3A_58 = arith.extui %lt3A_57 : i1 to i32
        %cond3A_59 = arith.constant 0 : i32
        %cond3A_60 = arith.cmpi ne, %convert_element_type3A_58, %cond3A_59 : i32
        scf.if %cond3A_60 {
          %add3A_63 = arith.constant 1 : i32
          %add3A_64 = arith.addi %add3A_47, %add3A_63 : i32
          %mul3A_65 = arith.constant 128 : i32
          %mul3A_66 = arith.muli %add3A_64, %mul3A_65 : i32
          %add3A_67 = arith.addi %mul3A_18, %mul3A_66 : i32
          "tpu.region"() ({
            %run_scoped3A = tpu.sem_alloc : memref<!tpu.dma_semaphore, #tpu.memory_space<semaphore_mem>>
            %dma_start3A_71 = tpu.memref_slice %arg2[%add3A_67] : memref<323584xi32, #tpu.memory_space<hbm>> -> memref<128xi32, #tpu.memory_space<hbm>>
            %dma_start3A_72 = tpu.memref_slice %arg2[%add3A_67] : memref<323584xi32, #tpu.memory_space<hbm>> -> memref<128xi32, #tpu.memory_space<hbm>>
            tpu.enqueue_dma source(%dma_start3A_72 : memref<128xi32, #tpu.memory_space<hbm>>) target(%arg6 : memref<128xi32, #tpu.memory_space<vmem>>) target_semaphore(%run_scoped3A : memref<!tpu.dma_semaphore, #tpu.memory_space<semaphore_mem>>)
            %dma_wait3A_73 = tpu.memref_slice %arg2[%add3A_67] : memref<323584xi32, #tpu.memory_space<hbm>> -> memref<128xi32, #tpu.memory_space<hbm>>
            %dma_wait3A_74 = tpu.memref_slice %arg2[%add3A_67] : memref<323584xi32, #tpu.memory_space<hbm>> -> memref<128xi32, #tpu.memory_space<hbm>>
            tpu.wait_dma2 semaphore(%run_scoped3A : memref<!tpu.dma_semaphore, #tpu.memory_space<semaphore_mem>>) src(%dma_wait3A_74 : memref<128xi32, #tpu.memory_space<hbm>>) dst(%arg6 : memref<128xi32, #tpu.memory_space<vmem>>)
            tpu.yield
          }) : () -> ()
          "tpu.region"() ({
            %run_scoped3A = tpu.sem_alloc : memref<!tpu.dma_semaphore, #tpu.memory_space<semaphore_mem>>
            %dma_start3A_71 = tpu.memref_slice %arg3[%add3A_67] : memref<323584xi32, #tpu.memory_space<hbm>> -> memref<128xi32, #tpu.memory_space<hbm>>
            %dma_start3A_72 = tpu.memref_slice %arg3[%add3A_67] : memref<323584xi32, #tpu.memory_space<hbm>> -> memref<128xi32, #tpu.memory_space<hbm>>
            tpu.enqueue_dma source(%dma_start3A_72 : memref<128xi32, #tpu.memory_space<hbm>>) target(%arg8 : memref<128xi32, #tpu.memory_space<vmem>>) target_semaphore(%run_scoped3A : memref<!tpu.dma_semaphore, #tpu.memory_space<semaphore_mem>>)
            %dma_wait3A_73 = tpu.memref_slice %arg3[%add3A_67] : memref<323584xi32, #tpu.memory_space<hbm>> -> memref<128xi32, #tpu.memory_space<hbm>>
            %dma_wait3A_74 = tpu.memref_slice %arg3[%add3A_67] : memref<323584xi32, #tpu.memory_space<hbm>> -> memref<128xi32, #tpu.memory_space<hbm>>
            tpu.wait_dma2 semaphore(%run_scoped3A : memref<!tpu.dma_semaphore, #tpu.memory_space<semaphore_mem>>) src(%dma_wait3A_74 : memref<128xi32, #tpu.memory_space<hbm>>) dst(%arg8 : memref<128xi32, #tpu.memory_space<vmem>>)
            tpu.yield
          }) : () -> ()
          %dma_start3A_68 = arith.constant 0 : i32
          %dma_start3A_69 = arith.constant 0 : i32
          %dma_start3A_70 = tpu.memref_slice %arg4[%dma_start3A_68, %dma_start3A_69] : memref<10240x128xf32, #tpu.memory_space<hbm>> -> memref<10240x128xf32, #tpu.memory_space<hbm>>
          tpu.enqueue_indirect_dma source(%dma_start3A_70 : memref<10240x128xf32, #tpu.memory_space<hbm>>) target(%arg10 : memref<128x128xf32, #tpu.memory_space<vmem>>) offsets(%arg6 : memref<128xi32, #tpu.memory_space<vmem>>) semaphore(%arg13 : memref<!tpu.dma_semaphore, #tpu.memory_space<semaphore_mem>>)
        } else {
        }
        %dma_wait3A = arith.constant 0 : i32
        %dma_wait3A_61 = arith.constant 0 : i32
        %dma_wait3A_62 = tpu.memref_slice %arg4[%dma_wait3A, %dma_wait3A_61] : memref<10240x128xf32, #tpu.memory_space<hbm>> -> memref<10240x128xf32, #tpu.memory_space<hbm>>
        tpu.wait_indirect_dma semaphore(%arg14 : memref<!tpu.dma_semaphore, #tpu.memory_space<semaphore_mem>>) src(%dma_wait3A_62 : memref<10240x128xf32, #tpu.memory_space<hbm>>) dst(%arg11 : memref<128x128xf32, #tpu.memory_space<vmem>>)
        "tpu.region"() ({
          %run_scoped3A = tpu.sem_alloc : memref<!tpu.dma_semaphore, #tpu.memory_space<semaphore_mem>>
          %dma_start3A_63 = arith.constant 0 : i32
          %dma_start3A_64 = arith.constant 0 : i32
          %dma_start3A_65 = tpu.memref_slice %arg12[%dma_start3A_63, %dma_start3A_64] : memref<10240x128xf32, #tpu.memory_space<vmem_shared>> -> memref<10240x128xf32, #tpu.memory_space<vmem_shared>>
          tpu.enqueue_indirect_dma source(%arg11 : memref<128x128xf32, #tpu.memory_space<vmem>>) target(%dma_start3A_65 : memref<10240x128xf32, #tpu.memory_space<vmem_shared>>) offsets(%arg9 : memref<128xi32, #tpu.memory_space<vmem>>) semaphore(%run_scoped3A : memref<!tpu.dma_semaphore, #tpu.memory_space<semaphore_mem>>) {add = true}
          %dma_wait3A_66 = arith.constant 0 : i32
          %dma_wait3A_67 = arith.constant 0 : i32
          %dma_wait3A_68 = tpu.memref_slice %arg12[%dma_wait3A_66, %dma_wait3A_67] : memref<10240x128xf32, #tpu.memory_space<vmem_shared>> -> memref<10240x128xf32, #tpu.memory_space<vmem_shared>>
          tpu.wait_indirect_dma semaphore(%run_scoped3A : memref<!tpu.dma_semaphore, #tpu.memory_space<semaphore_mem>>) src(%arg11 : memref<128x128xf32, #tpu.memory_space<vmem>>) dst(%dma_wait3A_68 : memref<10240x128xf32, #tpu.memory_space<vmem_shared>>)
          tpu.yield
        }) : () -> ()
      } else {
      }
      %scan3A_53 = arith.constant 0 : i32
      scf.yield %scan3A_53 : i32
    }
    %scan3A_27 = arith.constant 40 : i32
    %barrier3A_28 = arith.constant 0 : index
    tpu.barrier barrier_id(%barrier3A_28)
    %scan3A_29 = arith.constant 0 : i32
    %scan3A_30 = arith.constant 0 : i32
    %scan3A_31 = arith.constant 20 : i32
    %scan3A_32 = arith.addi %scan3A_30, %scan3A_31 : i32
    %scan3A_33 = arith.constant 1 : i32
    %scan3A_34 = scf.for %scan3A_36 = %scan3A_30 to %scan3A_32 step %scan3A_33 iter_args(%scan3A_37 = %scan3A_29) -> (i32)  : i32 {
      %mul3A_38 = arith.constant 32 : i32
      %mul3A_39 = arith.muli %scan3A_36, %mul3A_38 : i32
      %add3A_40 = arith.addi %mul3A_1, %mul3A_39 : i32
      "tpu.region"() ({
        %run_scoped3A = tpu.sem_alloc : memref<!tpu.dma_semaphore, #tpu.memory_space<semaphore_mem>>
        %dma_start3A_42 = arith.constant 0 : i32
        %dma_start3A_43 = arith.constant 0 : i32
        %dma_start3A_44 = tpu.memref_slice %arg10[%dma_start3A_42, %dma_start3A_43] : memref<128x128xf32, #tpu.memory_space<vmem>> -> memref<32x128xf32, #tpu.memory_space<vmem>>
        %dma_start3A_45 = arith.constant 0 : i32
        %dma_start3A_46 = tpu.memref_slice %arg12[%add3A_40, %dma_start3A_45] : memref<10240x128xf32, #tpu.memory_space<vmem_shared>> -> memref<32x128xf32, #tpu.memory_space<vmem_shared>>
        %dma_start3A_47 = arith.constant 0 : i32
        %dma_start3A_48 = arith.constant 0 : i32
        %dma_start3A_49 = tpu.memref_slice %arg10[%dma_start3A_47, %dma_start3A_48] : memref<128x128xf32, #tpu.memory_space<vmem>> -> memref<32x128xf32, #tpu.memory_space<vmem>>
        %dma_start3A_50 = arith.constant 0 : i32
        %dma_start3A_51 = tpu.memref_slice %arg12[%add3A_40, %dma_start3A_50] : memref<10240x128xf32, #tpu.memory_space<vmem_shared>> -> memref<32x128xf32, #tpu.memory_space<vmem_shared>>
        tpu.enqueue_dma source(%dma_start3A_51 : memref<32x128xf32, #tpu.memory_space<vmem_shared>>) target(%dma_start3A_49 : memref<32x128xf32, #tpu.memory_space<vmem>>) target_semaphore(%run_scoped3A : memref<!tpu.dma_semaphore, #tpu.memory_space<semaphore_mem>>)
        %dma_wait3A = arith.constant 0 : i32
        %dma_wait3A_52 = arith.constant 0 : i32
        %dma_wait3A_53 = tpu.memref_slice %arg10[%dma_wait3A, %dma_wait3A_52] : memref<128x128xf32, #tpu.memory_space<vmem>> -> memref<32x128xf32, #tpu.memory_space<vmem>>
        %dma_wait3A_54 = arith.constant 0 : i32
        %dma_wait3A_55 = tpu.memref_slice %arg12[%add3A_40, %dma_wait3A_54] : memref<10240x128xf32, #tpu.memory_space<vmem_shared>> -> memref<32x128xf32, #tpu.memory_space<vmem_shared>>
        %dma_wait3A_56 = arith.constant 0 : i32
        %dma_wait3A_57 = arith.constant 0 : i32
        %dma_wait3A_58 = tpu.memref_slice %arg10[%dma_wait3A_56, %dma_wait3A_57] : memref<128x128xf32, #tpu.memory_space<vmem>> -> memref<32x128xf32, #tpu.memory_space<vmem>>
        %dma_wait3A_59 = arith.constant 0 : i32
        %dma_wait3A_60 = tpu.memref_slice %arg12[%add3A_40, %dma_wait3A_59] : memref<10240x128xf32, #tpu.memory_space<vmem_shared>> -> memref<32x128xf32, #tpu.memory_space<vmem_shared>>
        tpu.wait_dma2 semaphore(%run_scoped3A : memref<!tpu.dma_semaphore, #tpu.memory_space<semaphore_mem>>) src(%dma_wait3A_60 : memref<32x128xf32, #tpu.memory_space<vmem_shared>>) dst(%dma_wait3A_58 : memref<32x128xf32, #tpu.memory_space<vmem>>)
        tpu.yield
      }) : () -> ()
      "tpu.region"() ({
        %run_scoped3A = tpu.sem_alloc : memref<!tpu.dma_semaphore, #tpu.memory_space<semaphore_mem>>
        %dma_start3A_42 = arith.constant 0 : i32
        %dma_start3A_43 = arith.constant 0 : i32
        %dma_start3A_44 = tpu.memref_slice %arg10[%dma_start3A_42, %dma_start3A_43] : memref<128x128xf32, #tpu.memory_space<vmem>> -> memref<32x128xf32, #tpu.memory_space<vmem>>
        %dma_start3A_45 = arith.constant 0 : i32
        %dma_start3A_46 = tpu.memref_slice %arg5[%arg0, %add3A_40, %dma_start3A_45] : memref<2x10240x128xf32, #tpu.memory_space<hbm>> -> memref<1x32x128xf32, #tpu.memory_space<hbm>>
        %dma_start3A_47 = tpu.memref_squeeze %dma_start3A_46 : memref<1x32x128xf32, #tpu.memory_space<hbm>> -> memref<32x128xf32, #tpu.memory_space<hbm>>
        %dma_start3A_48 = arith.constant 0 : i32
        %dma_start3A_49 = tpu.memref_slice %arg5[%arg0, %add3A_40, %dma_start3A_48] : memref<2x10240x128xf32, #tpu.memory_space<hbm>> -> memref<1x32x128xf32, #tpu.memory_space<hbm>>
        %dma_start3A_50 = tpu.memref_squeeze %dma_start3A_49 : memref<1x32x128xf32, #tpu.memory_space<hbm>> -> memref<32x128xf32, #tpu.memory_space<hbm>>
        %dma_start3A_51 = arith.constant 0 : i32
        %dma_start3A_52 = arith.constant 0 : i32
        %dma_start3A_53 = tpu.memref_slice %arg10[%dma_start3A_51, %dma_start3A_52] : memref<128x128xf32, #tpu.memory_space<vmem>> -> memref<32x128xf32, #tpu.memory_space<vmem>>
        tpu.enqueue_dma source(%dma_start3A_53 : memref<32x128xf32, #tpu.memory_space<vmem>>) target(%dma_start3A_50 : memref<32x128xf32, #tpu.memory_space<hbm>>) target_semaphore(%run_scoped3A : memref<!tpu.dma_semaphore, #tpu.memory_space<semaphore_mem>>)
        %dma_wait3A = arith.constant 0 : i32
        %dma_wait3A_54 = arith.constant 0 : i32
        %dma_wait3A_55 = tpu.memref_slice %arg10[%dma_wait3A, %dma_wait3A_54] : memref<128x128xf32, #tpu.memory_space<vmem>> -> memref<32x128xf32, #tpu.memory_space<vmem>>
        %dma_wait3A_56 = arith.constant 0 : i32
        %dma_wait3A_57 = tpu.memref_slice %arg5[%arg0, %add3A_40, %dma_wait3A_56] : memref<2x10240x128xf32, #tpu.memory_space<hbm>> -> memref<1x32x128xf32, #tpu.memory_space<hbm>>
        %dma_wait3A_58 = tpu.memref_squeeze %dma_wait3A_57 : memref<1x32x128xf32, #tpu.memory_space<hbm>> -> memref<32x128xf32, #tpu.memory_space<hbm>>
        %dma_wait3A_59 = arith.constant 0 : i32
        %dma_wait3A_60 = tpu.memref_slice %arg5[%arg0, %add3A_40, %dma_wait3A_59] : memref<2x10240x128xf32, #tpu.memory_space<hbm>> -> memref<1x32x128xf32, #tpu.memory_space<hbm>>
        %dma_wait3A_61 = tpu.memref_squeeze %dma_wait3A_60 : memref<1x32x128xf32, #tpu.memory_space<hbm>> -> memref<32x128xf32, #tpu.memory_space<hbm>>
        %dma_wait3A_62 = arith.constant 0 : i32
        %dma_wait3A_63 = arith.constant 0 : i32
        %dma_wait3A_64 = tpu.memref_slice %arg10[%dma_wait3A_62, %dma_wait3A_63] : memref<128x128xf32, #tpu.memory_space<vmem>> -> memref<32x128xf32, #tpu.memory_space<vmem>>
        tpu.wait_dma2 semaphore(%run_scoped3A : memref<!tpu.dma_semaphore, #tpu.memory_space<semaphore_mem>>) src(%dma_wait3A_64 : memref<32x128xf32, #tpu.memory_space<vmem>>) dst(%dma_wait3A_61 : memref<32x128xf32, #tpu.memory_space<hbm>>)
        tpu.yield
      }) : () -> ()
      %scan3A_41 = arith.constant 0 : i32
      scf.yield %scan3A_41 : i32
    }
    %scan3A_35 = arith.constant 20 : i32
    return
  }
}

#map = affine_map<(d0, d1) -> (0)>
#map1 = affine_map<(d0, d1) -> (0, 0)>
#map2 = affine_map<(d0, d1) -> (0, 0, 0)>
module attributes {stable_mosaic.version = 14 : i64} {
  func.func @seg(%arg0: i32, %arg1: i32, %arg2: memref<323584xi32, #tpu.memory_space<hbm>>, %arg3: memref<323584xi32, #tpu.memory_space<hbm>>, %arg4: memref<10240x128xf32, #tpu.memory_space<hbm>>, %arg5: memref<2x10240x128xf32, #tpu.memory_space<hbm>>, %arg6: memref<128xi32, #tpu.memory_space<vmem>>, %arg7: memref<128xi32, #tpu.memory_space<vmem>>, %arg8: memref<128xi32, #tpu.memory_space<vmem>>, %arg9: memref<128xi32, #tpu.memory_space<vmem>>, %arg10: memref<128x128xf32, #tpu.memory_space<vmem>>, %arg11: memref<128x128xf32, #tpu.memory_space<vmem>>, %arg12: memref<10240x128xf32, #tpu.memory_space<vmem_shared>>, %arg13: memref<!tpu.dma_semaphore, #tpu.memory_space<semaphore_mem>>, %arg14: memref<!tpu.dma_semaphore, #tpu.memory_space<semaphore_mem>>) attributes {dimension_semantics = [#tpu.dimension_semantics<core_parallel>, #tpu.dimension_semantics<subcore_parallel>], iteration_bounds = array<i64: 2, 16>, scalar_prefetch = 0 : i64, scratch_operands = 9 : i64, tpu.core_type = #tpu.core_type<sc_vector_subcore>, window_params = [{transform_indices = #map}, {transform_indices = #map}, {transform_indices = #map1}, {transform_indices = #map2}]} {
    %broadcast_in_dim3A = arith.constant 0.000000e+00 : f32
    %broadcast_in_dim3A_0 = vector.broadcast %broadcast_in_dim3A : f32 to vector<16xf32>
    %mul3A = arith.constant 640 : i32
    %mul3A_1 = arith.muli %arg1, %mul3A : i32
    %scan3A = arith.constant 0 : i32
    %scan3A_2 = arith.constant 0 : i32
    %scan3A_3 = arith.constant 32 : i32
    %scan3A_4 = arith.addi %scan3A_2, %scan3A_3 : i32
    %scan3A_5 = arith.constant 1 : i32
    %scan3A_6 = scf.for %scan3A_36 = %scan3A_2 to %scan3A_4 step %scan3A_5 iter_args(%scan3A_37 = %scan3A) -> (i32)  : i32 {
      %scan3A_38 = arith.constant 0 : i32
      %scan3A_39 = arith.constant 0 : i32
      %scan3A_40 = arith.constant 8 : i32
      %scan3A_41 = arith.addi %scan3A_39, %scan3A_40 : i32
      %scan3A_42 = arith.constant 1 : i32
      %scan3A_43 = scf.for %scan3A_45 = %scan3A_39 to %scan3A_41 step %scan3A_42 iter_args(%scan3A_46 = %scan3A_38) -> (i32)  : i32 {
        %mul3A_47 = arith.constant 16 : i32
        %mul3A_48 = arith.muli %scan3A_45, %mul3A_47 : i32
        %swap3A = arith.index_cast %scan3A_36 : i32 to index
        %swap3A_49 = arith.index_cast %mul3A_48 : i32 to index
        %swap3A_50 = tpu.vector_load %arg10[%swap3A, %swap3A_49] {strides = array<i32>} : memref<128x128xf32, #tpu.memory_space<vmem>>, vector<1x16xf32>,
        %swap3A_51 = vector.shape_cast %swap3A_50 : vector<1x16xf32> to vector<16xf32>
        %swap3A_52 = vector.shape_cast %broadcast_in_dim3A_0 : vector<16xf32> to vector<1x16xf32>
        tpu.vector_store %arg10[%swap3A, %swap3A_49], %swap3A_52 {strides = array<i32>} : memref<128x128xf32, #tpu.memory_space<vmem>>, vector<1x16xf32>,
        %scan3A_53 = arith.constant 0 : i32
        scf.yield %scan3A_53 : i32
      }
      %scan3A_44 = arith.constant 8 : i32
      scf.yield %scan3A_43 : i32
    }
    %scan3A_7 = arith.constant 32 : i32
    %scan3A_8 = arith.constant 0 : i32
    %scan3A_9 = arith.constant 0 : i32
    %scan3A_10 = arith.constant 20 : i32
    %scan3A_11 = arith.addi %scan3A_9, %scan3A_10 : i32
    %scan3A_12 = arith.constant 1 : i32
    %scan3A_13 = scf.for %scan3A_36 = %scan3A_9 to %scan3A_11 step %scan3A_12 iter_args(%scan3A_37 = %scan3A_8) -> (i32)  : i32 {
      %mul3A_38 = arith.constant 32 : i32
      %mul3A_39 = arith.muli %scan3A_36, %mul3A_38 : i32
      %add3A_40 = arith.addi %mul3A_1, %mul3A_39 : i32
      "tpu.region"() ({
        %run_scoped3A = tpu.sem_alloc : memref<!tpu.dma_semaphore, #tpu.memory_space<semaphore_mem>>
        %dma_start3A_42 = arith.constant 0 : i32
        %dma_start3A_43 = arith.constant 0 : i32
        %dma_start3A_44 = tpu.memref_slice %arg10[%dma_start3A_42, %dma_start3A_43] : memref<128x128xf32, #tpu.memory_space<vmem>> -> memref<32x128xf32, #tpu.memory_space<vmem>>
        %dma_start3A_45 = arith.constant 0 : i32
        %dma_start3A_46 = tpu.memref_slice %arg12[%add3A_40, %dma_start3A_45] : memref<10240x128xf32, #tpu.memory_space<vmem_shared>> -> memref<32x128xf32, #tpu.memory_space<vmem_shared>>
        %dma_start3A_47 = arith.constant 0 : i32
        %dma_start3A_48 = tpu.memref_slice %arg12[%add3A_40, %dma_start3A_47] : memref<10240x128xf32, #tpu.memory_space<vmem_shared>> -> memref<32x128xf32, #tpu.memory_space<vmem_shared>>
        %dma_start3A_49 = arith.constant 0 : i32
        %dma_start3A_50 = arith.constant 0 : i32
        %dma_start3A_51 = tpu.memref_slice %arg10[%dma_start3A_49, %dma_start3A_50] : memref<128x128xf32, #tpu.memory_space<vmem>> -> memref<32x128xf32, #tpu.memory_space<vmem>>
        tpu.enqueue_dma source(%dma_start3A_51 : memref<32x128xf32, #tpu.memory_space<vmem>>) target(%dma_start3A_48 : memref<32x128xf32, #tpu.memory_space<vmem_shared>>) target_semaphore(%run_scoped3A : memref<!tpu.dma_semaphore, #tpu.memory_space<semaphore_mem>>)
        %dma_wait3A = arith.constant 0 : i32
        %dma_wait3A_52 = arith.constant 0 : i32
        %dma_wait3A_53 = tpu.memref_slice %arg10[%dma_wait3A, %dma_wait3A_52] : memref<128x128xf32, #tpu.memory_space<vmem>> -> memref<32x128xf32, #tpu.memory_space<vmem>>
        %dma_wait3A_54 = arith.constant 0 : i32
        %dma_wait3A_55 = tpu.memref_slice %arg12[%add3A_40, %dma_wait3A_54] : memref<10240x128xf32, #tpu.memory_space<vmem_shared>> -> memref<32x128xf32, #tpu.memory_space<vmem_shared>>
        %dma_wait3A_56 = arith.constant 0 : i32
        %dma_wait3A_57 = tpu.memref_slice %arg12[%add3A_40, %dma_wait3A_56] : memref<10240x128xf32, #tpu.memory_space<vmem_shared>> -> memref<32x128xf32, #tpu.memory_space<vmem_shared>>
        %dma_wait3A_58 = arith.constant 0 : i32
        %dma_wait3A_59 = arith.constant 0 : i32
        %dma_wait3A_60 = tpu.memref_slice %arg10[%dma_wait3A_58, %dma_wait3A_59] : memref<128x128xf32, #tpu.memory_space<vmem>> -> memref<32x128xf32, #tpu.memory_space<vmem>>
        tpu.wait_dma2 semaphore(%run_scoped3A : memref<!tpu.dma_semaphore, #tpu.memory_space<semaphore_mem>>) src(%dma_wait3A_60 : memref<32x128xf32, #tpu.memory_space<vmem>>) dst(%dma_wait3A_57 : memref<32x128xf32, #tpu.memory_space<vmem_shared>>)
        tpu.yield
      }) : () -> ()
      %scan3A_41 = arith.constant 0 : i32
      scf.yield %scan3A_41 : i32
    }
    %scan3A_14 = arith.constant 20 : i32
    %mul3A_15 = arith.constant 16 : i32
    %mul3A_16 = arith.muli %arg0, %mul3A_15 : i32
    %add3A = arith.addi %mul3A_16, %arg1 : i32
    %mul3A_17 = arith.constant 10112 : i32
    %mul3A_18 = arith.muli %add3A, %mul3A_17 : i32
    "tpu.region"() ({
      %run_scoped3A = tpu.sem_alloc : memref<!tpu.dma_semaphore, #tpu.memory_space<semaphore_mem>>
      %dma_start3A_36 = tpu.memref_slice %arg2[%mul3A_18] : memref<323584xi32, #tpu.memory_space<hbm>> -> memref<128xi32, #tpu.memory_space<hbm>>
      %dma_start3A_37 = tpu.memref_slice %arg2[%mul3A_18] : memref<323584xi32, #tpu.memory_space<hbm>> -> memref<128xi32, #tpu.memory_space<hbm>>
      tpu.enqueue_dma source(%dma_start3A_37 : memref<128xi32, #tpu.memory_space<hbm>>) target(%arg6 : memref<128xi32, #tpu.memory_space<vmem>>) target_semaphore(%run_scoped3A : memref<!tpu.dma_semaphore, #tpu.memory_space<semaphore_mem>>)
      %dma_wait3A = tpu.memref_slice %arg2[%mul3A_18] : memref<323584xi32, #tpu.memory_space<hbm>> -> memref<128xi32, #tpu.memory_space<hbm>>
      %dma_wait3A_38 = tpu.memref_slice %arg2[%mul3A_18] : memref<323584xi32, #tpu.memory_space<hbm>> -> memref<128xi32, #tpu.memory_space<hbm>>
      tpu.wait_dma2 semaphore(%run_scoped3A : memref<!tpu.dma_semaphore, #tpu.memory_space<semaphore_mem>>) src(%dma_wait3A_38 : memref<128xi32, #tpu.memory_space<hbm>>) dst(%arg6 : memref<128xi32, #tpu.memory_space<vmem>>)
      tpu.yield
    }) : () -> ()
    "tpu.region"() ({
      %run_scoped3A = tpu.sem_alloc : memref<!tpu.dma_semaphore, #tpu.memory_space<semaphore_mem>>
      %dma_start3A_36 = tpu.memref_slice %arg3[%mul3A_18] : memref<323584xi32, #tpu.memory_space<hbm>> -> memref<128xi32, #tpu.memory_space<hbm>>
      %dma_start3A_37 = tpu.memref_slice %arg3[%mul3A_18] : memref<323584xi32, #tpu.memory_space<hbm>> -> memref<128xi32, #tpu.memory_space<hbm>>
      tpu.enqueue_dma source(%dma_start3A_37 : memref<128xi32, #tpu.memory_space<hbm>>) target(%arg8 : memref<128xi32, #tpu.memory_space<vmem>>) target_semaphore(%run_scoped3A : memref<!tpu.dma_semaphore, #tpu.memory_space<semaphore_mem>>)
      %dma_wait3A = tpu.memref_slice %arg3[%mul3A_18] : memref<323584xi32, #tpu.memory_space<hbm>> -> memref<128xi32, #tpu.memory_space<hbm>>
      %dma_wait3A_38 = tpu.memref_slice %arg3[%mul3A_18] : memref<323584xi32, #tpu.memory_space<hbm>> -> memref<128xi32, #tpu.memory_space<hbm>>
      tpu.wait_dma2 semaphore(%run_scoped3A : memref<!tpu.dma_semaphore, #tpu.memory_space<semaphore_mem>>) src(%dma_wait3A_38 : memref<128xi32, #tpu.memory_space<hbm>>) dst(%arg8 : memref<128xi32, #tpu.memory_space<vmem>>)
      tpu.yield
    }) : () -> ()
    %dma_start3A = arith.constant 0 : i32
    %dma_start3A_19 = arith.constant 0 : i32
    %dma_start3A_20 = tpu.memref_slice %arg4[%dma_start3A, %dma_start3A_19] : memref<10240x128xf32, #tpu.memory_space<hbm>> -> memref<10240x128xf32, #tpu.memory_space<hbm>>
    tpu.enqueue_indirect_dma source(%dma_start3A_20 : memref<10240x128xf32, #tpu.memory_space<hbm>>) target(%arg10 : memref<128x128xf32, #tpu.memory_space<vmem>>) offsets(%arg6 : memref<128xi32, #tpu.memory_space<vmem>>) semaphore(%arg13 : memref<!tpu.dma_semaphore, #tpu.memory_space<semaphore_mem>>)
    %barrier3A = arith.constant 0 : index
    tpu.barrier barrier_id(%barrier3A)
    %scan3A_21 = arith.constant 0 : i32
    %scan3A_22 = arith.constant 0 : i32
    %scan3A_23 = arith.constant 40 : i32
    %scan3A_24 = arith.addi %scan3A_22, %scan3A_23 : i32
    %scan3A_25 = arith.constant 1 : i32
    %scan3A_26 = scf.for %scan3A_36 = %scan3A_22 to %scan3A_24 step %scan3A_25 iter_args(%scan3A_37 = %scan3A_21) -> (i32)  : i32 {
      %mul3A_38 = arith.constant 2 : i32
      %mul3A_39 = arith.muli %mul3A_38, %scan3A_36 : i32
      %add3A_40 = arith.constant 0 : i32
      %add3A_41 = arith.addi %mul3A_39, %add3A_40 : i32
      %lt3A = arith.constant 79 : i32
      %lt3A_42 = arith.cmpi slt, %add3A_41, %lt3A : i32
      %convert_element_type3A = arith.extui %lt3A_42 : i1 to i32
      %cond3A = arith.constant 0 : i32
      %cond3A_43 = arith.cmpi ne, %convert_element_type3A, %cond3A : i32
      scf.if %cond3A_43 {
        %add3A_54 = arith.constant 1 : i32
        %add3A_55 = arith.addi %add3A_41, %add3A_54 : i32
        %lt3A_56 = arith.constant 79 : i32
        %lt3A_57 = arith.cmpi slt, %add3A_55, %lt3A_56 : i32
        %convert_element_type3A_58 = arith.extui %lt3A_57 : i1 to i32
        %cond3A_59 = arith.constant 0 : i32
        %cond3A_60 = arith.cmpi ne, %convert_element_type3A_58, %cond3A_59 : i32
        scf.if %cond3A_60 {
          %add3A_63 = arith.constant 1 : i32
          %add3A_64 = arith.addi %add3A_41, %add3A_63 : i32
          %mul3A_65 = arith.constant 128 : i32
          %mul3A_66 = arith.muli %add3A_64, %mul3A_65 : i32
          %add3A_67 = arith.addi %mul3A_18, %mul3A_66 : i32
          "tpu.region"() ({
            %run_scoped3A = tpu.sem_alloc : memref<!tpu.dma_semaphore, #tpu.memory_space<semaphore_mem>>
            %dma_start3A_71 = tpu.memref_slice %arg2[%add3A_67] : memref<323584xi32, #tpu.memory_space<hbm>> -> memref<128xi32, #tpu.memory_space<hbm>>
            %dma_start3A_72 = tpu.memref_slice %arg2[%add3A_67] : memref<323584xi32, #tpu.memory_space<hbm>> -> memref<128xi32, #tpu.memory_space<hbm>>
            tpu.enqueue_dma source(%dma_start3A_72 : memref<128xi32, #tpu.memory_space<hbm>>) target(%arg7 : memref<128xi32, #tpu.memory_space<vmem>>) target_semaphore(%run_scoped3A : memref<!tpu.dma_semaphore, #tpu.memory_space<semaphore_mem>>)
            %dma_wait3A_73 = tpu.memref_slice %arg2[%add3A_67] : memref<323584xi32, #tpu.memory_space<hbm>> -> memref<128xi32, #tpu.memory_space<hbm>>
            %dma_wait3A_74 = tpu.memref_slice %arg2[%add3A_67] : memref<323584xi32, #tpu.memory_space<hbm>> -> memref<128xi32, #tpu.memory_space<hbm>>
            tpu.wait_dma2 semaphore(%run_scoped3A : memref<!tpu.dma_semaphore, #tpu.memory_space<semaphore_mem>>) src(%dma_wait3A_74 : memref<128xi32, #tpu.memory_space<hbm>>) dst(%arg7 : memref<128xi32, #tpu.memory_space<vmem>>)
            tpu.yield
          }) : () -> ()
          "tpu.region"() ({
            %run_scoped3A = tpu.sem_alloc : memref<!tpu.dma_semaphore, #tpu.memory_space<semaphore_mem>>
            %dma_start3A_71 = tpu.memref_slice %arg3[%add3A_67] : memref<323584xi32, #tpu.memory_space<hbm>> -> memref<128xi32, #tpu.memory_space<hbm>>
            %dma_start3A_72 = tpu.memref_slice %arg3[%add3A_67] : memref<323584xi32, #tpu.memory_space<hbm>> -> memref<128xi32, #tpu.memory_space<hbm>>
            tpu.enqueue_dma source(%dma_start3A_72 : memref<128xi32, #tpu.memory_space<hbm>>) target(%arg9 : memref<128xi32, #tpu.memory_space<vmem>>) target_semaphore(%run_scoped3A : memref<!tpu.dma_semaphore, #tpu.memory_space<semaphore_mem>>)
            %dma_wait3A_73 = tpu.memref_slice %arg3[%add3A_67] : memref<323584xi32, #tpu.memory_space<hbm>> -> memref<128xi32, #tpu.memory_space<hbm>>
            %dma_wait3A_74 = tpu.memref_slice %arg3[%add3A_67] : memref<323584xi32, #tpu.memory_space<hbm>> -> memref<128xi32, #tpu.memory_space<hbm>>
            tpu.wait_dma2 semaphore(%run_scoped3A : memref<!tpu.dma_semaphore, #tpu.memory_space<semaphore_mem>>) src(%dma_wait3A_74 : memref<128xi32, #tpu.memory_space<hbm>>) dst(%arg9 : memref<128xi32, #tpu.memory_space<vmem>>)
            tpu.yield
          }) : () -> ()
          %dma_start3A_68 = arith.constant 0 : i32
          %dma_start3A_69 = arith.constant 0 : i32
          %dma_start3A_70 = tpu.memref_slice %arg4[%dma_start3A_68, %dma_start3A_69] : memref<10240x128xf32, #tpu.memory_space<hbm>> -> memref<10240x128xf32, #tpu.memory_space<hbm>>
          tpu.enqueue_indirect_dma source(%dma_start3A_70 : memref<10240x128xf32, #tpu.memory_space<hbm>>) target(%arg11 : memref<128x128xf32, #tpu.memory_space<vmem>>) offsets(%arg7 : memref<128xi32, #tpu.memory_space<vmem>>) semaphore(%arg14 : memref<!tpu.dma_semaphore, #tpu.memory_space<semaphore_mem>>)
        } else {
        }
        %dma_wait3A = arith.constant 0 : i32
        %dma_wait3A_61 = arith.constant 0 : i32
        %dma_wait3A_62 = tpu.memref_slice %arg4[%dma_wait3A, %dma_wait3A_61] : memref<10240x128xf32, #tpu.memory_space<hbm>> -> memref<10240x128xf32, #tpu.memory_space<hbm>>
        tpu.wait_indirect_dma semaphore(%arg13 : memref<!tpu.dma_semaphore, #tpu.memory_space<semaphore_mem>>) src(%dma_wait3A_62 : memref<10240x128xf32, #tpu.memory_space<hbm>>) dst(%arg10 : memref<128x128xf32, #tpu.memory_space<vmem>>)
        "tpu.region"() ({
          %run_scoped3A = tpu.sem_alloc : memref<!tpu.dma_semaphore, #tpu.memory_space<semaphore_mem>>
          %dma_start3A_63 = arith.constant 0 : i32
          %dma_start3A_64 = arith.constant 0 : i32
          %dma_start3A_65 = tpu.memref_slice %arg12[%dma_start3A_63, %dma_start3A_64] : memref<10240x128xf32, #tpu.memory_space<vmem_shared>> -> memref<10240x128xf32, #tpu.memory_space<vmem_shared>>
          tpu.enqueue_indirect_dma source(%arg10 : memref<128x128xf32, #tpu.memory_space<vmem>>) target(%dma_start3A_65 : memref<10240x128xf32, #tpu.memory_space<vmem_shared>>) offsets(%arg8 : memref<128xi32, #tpu.memory_space<vmem>>) semaphore(%run_scoped3A : memref<!tpu.dma_semaphore, #tpu.memory_space<semaphore_mem>>) {add = true}
          %dma_wait3A_66 = arith.constant 0 : i32
          %dma_wait3A_67 = arith.constant 0 : i32
          %dma_wait3A_68 = tpu.memref_slice %arg12[%dma_wait3A_66, %dma_wait3A_67] : memref<10240x128xf32, #tpu.memory_space<vmem_shared>> -> memref<10240x128xf32, #tpu.memory_space<vmem_shared>>
          tpu.wait_indirect_dma semaphore(%run_scoped3A : memref<!tpu.dma_semaphore, #tpu.memory_space<semaphore_mem>>) src(%arg10 : memref<128x128xf32, #tpu.memory_space<vmem>>) dst(%dma_wait3A_68 : memref<10240x128xf32, #tpu.memory_space<vmem_shared>>)
          tpu.yield
        }) : () -> ()
      } else {
      }
      %mul3A_44 = arith.constant 2 : i32
      %mul3A_45 = arith.muli %mul3A_44, %scan3A_36 : i32
      %add3A_46 = arith.constant 1 : i32
      %add3A_47 = arith.addi %mul3A_45, %add3A_46 : i32
      %lt3A_48 = arith.constant 79 : i32
      %lt3A_49 = arith.cmpi slt, %add3A_47, %lt3A_48 : i32
      %convert_element_type3A_50 = arith.extui %lt3A_49 : i1 to i32
      %cond3A_51 = arith.constant 0 : i32
      %cond3A_52 = arith.cmpi ne, %convert_element_type3A_50, %cond3A_51 : i32
      scf.if %cond3A_52 {
        %add3A_54 = arith.constant 1 : i32
        %add3A_55 = arith.addi %add3A_47, %add3A_54 : i32
        %lt3A_56 = arith.constant 79 : i32
        %lt3A_57 = arith.cmpi slt, %add3A_55, %lt3A_56 : i32
        %convert_element_type3A_58 = arith.extui %lt3A_57 : i1 to i32
        %cond3A_59 = arith.constant 0 : i32
        %cond3A_60 = arith.cmpi ne, %convert_element_type3A_58, %cond3A_59 : i32
        scf.if %cond3A_60 {
          %add3A_63 = arith.constant 1 : i32
          %add3A_64 = arith.addi %add3A_47, %add3A_63 : i32
          %mul3A_65 = arith.constant 128 : i32
          %mul3A_66 = arith.muli %add3A_64, %mul3A_65 : i32
          %add3A_67 = arith.addi %mul3A_18, %mul3A_66 : i32
          "tpu.region"() ({
            %run_scoped3A = tpu.sem_alloc : memref<!tpu.dma_semaphore, #tpu.memory_space<semaphore_mem>>
            %dma_start3A_71 = tpu.memref_slice %arg2[%add3A_67] : memref<323584xi32, #tpu.memory_space<hbm>> -> memref<128xi32, #tpu.memory_space<hbm>>
            %dma_start3A_72 = tpu.memref_slice %arg2[%add3A_67] : memref<323584xi32, #tpu.memory_space<hbm>> -> memref<128xi32, #tpu.memory_space<hbm>>
            tpu.enqueue_dma source(%dma_start3A_72 : memref<128xi32, #tpu.memory_space<hbm>>) target(%arg6 : memref<128xi32, #tpu.memory_space<vmem>>) target_semaphore(%run_scoped3A : memref<!tpu.dma_semaphore, #tpu.memory_space<semaphore_mem>>)
            %dma_wait3A_73 = tpu.memref_slice %arg2[%add3A_67] : memref<323584xi32, #tpu.memory_space<hbm>> -> memref<128xi32, #tpu.memory_space<hbm>>
            %dma_wait3A_74 = tpu.memref_slice %arg2[%add3A_67] : memref<323584xi32, #tpu.memory_space<hbm>> -> memref<128xi32, #tpu.memory_space<hbm>>
            tpu.wait_dma2 semaphore(%run_scoped3A : memref<!tpu.dma_semaphore, #tpu.memory_space<semaphore_mem>>) src(%dma_wait3A_74 : memref<128xi32, #tpu.memory_space<hbm>>) dst(%arg6 : memref<128xi32, #tpu.memory_space<vmem>>)
            tpu.yield
          }) : () -> ()
          "tpu.region"() ({
            %run_scoped3A = tpu.sem_alloc : memref<!tpu.dma_semaphore, #tpu.memory_space<semaphore_mem>>
            %dma_start3A_71 = tpu.memref_slice %arg3[%add3A_67] : memref<323584xi32, #tpu.memory_space<hbm>> -> memref<128xi32, #tpu.memory_space<hbm>>
            %dma_start3A_72 = tpu.memref_slice %arg3[%add3A_67] : memref<323584xi32, #tpu.memory_space<hbm>> -> memref<128xi32, #tpu.memory_space<hbm>>
            tpu.enqueue_dma source(%dma_start3A_72 : memref<128xi32, #tpu.memory_space<hbm>>) target(%arg8 : memref<128xi32, #tpu.memory_space<vmem>>) target_semaphore(%run_scoped3A : memref<!tpu.dma_semaphore, #tpu.memory_space<semaphore_mem>>)
            %dma_wait3A_73 = tpu.memref_slice %arg3[%add3A_67] : memref<323584xi32, #tpu.memory_space<hbm>> -> memref<128xi32, #tpu.memory_space<hbm>>
            %dma_wait3A_74 = tpu.memref_slice %arg3[%add3A_67] : memref<323584xi32, #tpu.memory_space<hbm>> -> memref<128xi32, #tpu.memory_space<hbm>>
            tpu.wait_dma2 semaphore(%run_scoped3A : memref<!tpu.dma_semaphore, #tpu.memory_space<semaphore_mem>>) src(%dma_wait3A_74 : memref<128xi32, #tpu.memory_space<hbm>>) dst(%arg8 : memref<128xi32, #tpu.memory_space<vmem>>)
            tpu.yield
          }) : () -> ()
          %dma_start3A_68 = arith.constant 0 : i32
          %dma_start3A_69 = arith.constant 0 : i32
          %dma_start3A_70 = tpu.memref_slice %arg4[%dma_start3A_68, %dma_start3A_69] : memref<10240x128xf32, #tpu.memory_space<hbm>> -> memref<10240x128xf32, #tpu.memory_space<hbm>>
          tpu.enqueue_indirect_dma source(%dma_start3A_70 : memref<10240x128xf32, #tpu.memory_space<hbm>>) target(%arg10 : memref<128x128xf32, #tpu.memory_space<vmem>>) offsets(%arg6 : memref<128xi32, #tpu.memory_space<vmem>>) semaphore(%arg13 : memref<!tpu.dma_semaphore, #tpu.memory_space<semaphore_mem>>)
        } else {
        }
        %dma_wait3A = arith.constant 0 : i32
        %dma_wait3A_61 = arith.constant 0 : i32
        %dma_wait3A_62 = tpu.memref_slice %arg4[%dma_wait3A, %dma_wait3A_61] : memref<10240x128xf32, #tpu.memory_space<hbm>> -> memref<10240x128xf32, #tpu.memory_space<hbm>>
        tpu.wait_indirect_dma semaphore(%arg14 : memref<!tpu.dma_semaphore, #tpu.memory_space<semaphore_mem>>) src(%dma_wait3A_62 : memref<10240x128xf32, #tpu.memory_space<hbm>>) dst(%arg11 : memref<128x128xf32, #tpu.memory_space<vmem>>)
        "tpu.region"() ({
          %run_scoped3A = tpu.sem_alloc : memref<!tpu.dma_semaphore, #tpu.memory_space<semaphore_mem>>
          %dma_start3A_63 = arith.constant 0 : i32
          %dma_start3A_64 = arith.constant 0 : i32
          %dma_start3A_65 = tpu.memref_slice %arg12[%dma_start3A_63, %dma_start3A_64] : memref<10240x128xf32, #tpu.memory_space<vmem_shared>> -> memref<10240x128xf32, #tpu.memory_space<vmem_shared>>
          tpu.enqueue_indirect_dma source(%arg11 : memref<128x128xf32, #tpu.memory_space<vmem>>) target(%dma_start3A_65 : memref<10240x128xf32, #tpu.memory_space<vmem_shared>>) offsets(%arg9 : memref<128xi32, #tpu.memory_space<vmem>>) semaphore(%run_scoped3A : memref<!tpu.dma_semaphore, #tpu.memory_space<semaphore_mem>>) {add = true}
          %dma_wait3A_66 = arith.constant 0 : i32
          %dma_wait3A_67 = arith.constant 0 : i32
          %dma_wait3A_68 = tpu.memref_slice %arg12[%dma_wait3A_66, %dma_wait3A_67] : memref<10240x128xf32, #tpu.memory_space<vmem_shared>> -> memref<10240x128xf32, #tpu.memory_space<vmem_shared>>
          tpu.wait_indirect_dma semaphore(%run_scoped3A : memref<!tpu.dma_semaphore, #tpu.memory_space<semaphore_mem>>) src(%arg11 : memref<128x128xf32, #tpu.memory_space<vmem>>) dst(%dma_wait3A_68 : memref<10240x128xf32, #tpu.memory_space<vmem_shared>>)
          tpu.yield
        }) : () -> ()
      } else {
      }
      %scan3A_53 = arith.constant 0 : i32
      scf.yield %scan3A_53 : i32
    }
    %scan3A_27 = arith.constant 40 : i32
    %barrier3A_28 = arith.constant 0 : index
    tpu.barrier barrier_id(%barrier3A_28)
    %scan3A_29 = arith.constant 0 : i32
    %scan3A_30 = arith.constant 0 : i32
    %scan3A_31 = arith.constant 20 : i32
    %scan3A_32 = arith.addi %scan3A_30, %scan3A_31 : i32
    %scan3A_33 = arith.constant 1 : i32
    %scan3A_34 = scf.for %scan3A_36 = %scan3A_30 to %scan3A_32 step %scan3A_33 iter_args(%scan3A_37 = %scan3A_29) -> (i32)  : i32 {
      %mul3A_38 = arith.constant 32 : i32
      %mul3A_39 = arith.muli %scan3A_36, %mul3A_38 : i32
      %add3A_40 = arith.addi %mul3A_1, %mul3A_39 : i32
      "tpu.region"() ({
        %run_scoped3A = tpu.sem_alloc : memref<!tpu.dma_semaphore, #tpu.memory_space<semaphore_mem>>
        %dma_start3A_42 = arith.constant 0 : i32
        %dma_start3A_43 = arith.constant 0 : i32
        %dma_start3A_44 = tpu.memref_slice %arg10[%dma_start3A_42, %dma_start3A_43] : memref<128x128xf32, #tpu.memory_space<vmem>> -> memref<32x128xf32, #tpu.memory_space<vmem>>
        %dma_start3A_45 = arith.constant 0 : i32
        %dma_start3A_46 = tpu.memref_slice %arg12[%add3A_40, %dma_start3A_45] : memref<10240x128xf32, #tpu.memory_space<vmem_shared>> -> memref<32x128xf32, #tpu.memory_space<vmem_shared>>
        %dma_start3A_47 = arith.constant 0 : i32
        %dma_start3A_48 = arith.constant 0 : i32
        %dma_start3A_49 = tpu.memref_slice %arg10[%dma_start3A_47, %dma_start3A_48] : memref<128x128xf32, #tpu.memory_space<vmem>> -> memref<32x128xf32, #tpu.memory_space<vmem>>
        %dma_start3A_50 = arith.constant 0 : i32
        %dma_start3A_51 = tpu.memref_slice %arg12[%add3A_40, %dma_start3A_50] : memref<10240x128xf32, #tpu.memory_space<vmem_shared>> -> memref<32x128xf32, #tpu.memory_space<vmem_shared>>
        tpu.enqueue_dma source(%dma_start3A_51 : memref<32x128xf32, #tpu.memory_space<vmem_shared>>) target(%dma_start3A_49 : memref<32x128xf32, #tpu.memory_space<vmem>>) target_semaphore(%run_scoped3A : memref<!tpu.dma_semaphore, #tpu.memory_space<semaphore_mem>>)
        %dma_wait3A = arith.constant 0 : i32
        %dma_wait3A_52 = arith.constant 0 : i32
        %dma_wait3A_53 = tpu.memref_slice %arg10[%dma_wait3A, %dma_wait3A_52] : memref<128x128xf32, #tpu.memory_space<vmem>> -> memref<32x128xf32, #tpu.memory_space<vmem>>
        %dma_wait3A_54 = arith.constant 0 : i32
        %dma_wait3A_55 = tpu.memref_slice %arg12[%add3A_40, %dma_wait3A_54] : memref<10240x128xf32, #tpu.memory_space<vmem_shared>> -> memref<32x128xf32, #tpu.memory_space<vmem_shared>>
        %dma_wait3A_56 = arith.constant 0 : i32
        %dma_wait3A_57 = arith.constant 0 : i32
        %dma_wait3A_58 = tpu.memref_slice %arg10[%dma_wait3A_56, %dma_wait3A_57] : memref<128x128xf32, #tpu.memory_space<vmem>> -> memref<32x128xf32, #tpu.memory_space<vmem>>
        %dma_wait3A_59 = arith.constant 0 : i32
        %dma_wait3A_60 = tpu.memref_slice %arg12[%add3A_40, %dma_wait3A_59] : memref<10240x128xf32, #tpu.memory_space<vmem_shared>> -> memref<32x128xf32, #tpu.memory_space<vmem_shared>>
        tpu.wait_dma2 semaphore(%run_scoped3A : memref<!tpu.dma_semaphore, #tpu.memory_space<semaphore_mem>>) src(%dma_wait3A_60 : memref<32x128xf32, #tpu.memory_space<vmem_shared>>) dst(%dma_wait3A_58 : memref<32x128xf32, #tpu.memory_space<vmem>>)
        tpu.yield
      }) : () -> ()
      "tpu.region"() ({
        %run_scoped3A = tpu.sem_alloc : memref<!tpu.dma_semaphore, #tpu.memory_space<semaphore_mem>>
        %dma_start3A_42 = arith.constant 0 : i32
        %dma_start3A_43 = arith.constant 0 : i32
        %dma_start3A_44 = tpu.memref_slice %arg10[%dma_start3A_42, %dma_start3A_43] : memref<128x128xf32, #tpu.memory_space<vmem>> -> memref<32x128xf32, #tpu.memory_space<vmem>>
        %dma_start3A_45 = arith.constant 0 : i32
        %dma_start3A_46 = tpu.memref_slice %arg5[%arg0, %add3A_40, %dma_start3A_45] : memref<2x10240x128xf32, #tpu.memory_space<hbm>> -> memref<1x32x128xf32, #tpu.memory_space<hbm>>
        %dma_start3A_47 = tpu.memref_squeeze %dma_start3A_46 : memref<1x32x128xf32, #tpu.memory_space<hbm>> -> memref<32x128xf32, #tpu.memory_space<hbm>>
        %dma_start3A_48 = arith.constant 0 : i32
        %dma_start3A_49 = tpu.memref_slice %arg5[%arg0, %add3A_40, %dma_start3A_48] : memref<2x10240x128xf32, #tpu.memory_space<hbm>> -> memref<1x32x128xf32, #tpu.memory_space<hbm>>
        %dma_start3A_50 = tpu.memref_squeeze %dma_start3A_49 : memref<1x32x128xf32, #tpu.memory_space<hbm>> -> memref<32x128xf32, #tpu.memory_space<hbm>>
        %dma_start3A_51 = arith.constant 0 : i32
        %dma_start3A_52 = arith.constant 0 : i32
        %dma_start3A_53 = tpu.memref_slice %arg10[%dma_start3A_51, %dma_start3A_52] : memref<128x128xf32, #tpu.memory_space<vmem>> -> memref<32x128xf32, #tpu.memory_space<vmem>>
        tpu.enqueue_dma source(%dma_start3A_53 : memref<32x128xf32, #tpu.memory_space<vmem>>) target(%dma_start3A_50 : memref<32x128xf32, #tpu.memory_space<hbm>>) target_semaphore(%run_scoped3A : memref<!tpu.dma_semaphore, #tpu.memory_space<semaphore_mem>>)
        %dma_wait3A = arith.constant 0 : i32
        %dma_wait3A_54 = arith.constant 0 : i32
        %dma_wait3A_55 = tpu.memref_slice %arg10[%dma_wait3A, %dma_wait3A_54] : memref<128x128xf32, #tpu.memory_space<vmem>> -> memref<32x128xf32, #tpu.memory_space<vmem>>
        %dma_wait3A_56 = arith.constant 0 : i32
        %dma_wait3A_57 = tpu.memref_slice %arg5[%arg0, %add3A_40, %dma_wait3A_56] : memref<2x10240x128xf32, #tpu.memory_space<hbm>> -> memref<1x32x128xf32, #tpu.memory_space<hbm>>
        %dma_wait3A_58 = tpu.memref_squeeze %dma_wait3A_57 : memref<1x32x128xf32, #tpu.memory_space<hbm>> -> memref<32x128xf32, #tpu.memory_space<hbm>>
        %dma_wait3A_59 = arith.constant 0 : i32
        %dma_wait3A_60 = tpu.memref_slice %arg5[%arg0, %add3A_40, %dma_wait3A_59] : memref<2x10240x128xf32, #tpu.memory_space<hbm>> -> memref<1x32x128xf32, #tpu.memory_space<hbm>>
        %dma_wait3A_61 = tpu.memref_squeeze %dma_wait3A_60 : memref<1x32x128xf32, #tpu.memory_space<hbm>> -> memref<32x128xf32, #tpu.memory_space<hbm>>
        %dma_wait3A_62 = arith.constant 0 : i32
        %dma_wait3A_63 = arith.constant 0 : i32
        %dma_wait3A_64 = tpu.memref_slice %arg10[%dma_wait3A_62, %dma_wait3A_63] : memref<128x128xf32, #tpu.memory_space<vmem>> -> memref<32x128xf32, #tpu.memory_space<vmem>>
        tpu.wait_dma2 semaphore(%run_scoped3A : memref<!tpu.dma_semaphore, #tpu.memory_space<semaphore_mem>>) src(%dma_wait3A_64 : memref<32x128xf32, #tpu.memory_space<vmem>>) dst(%dma_wait3A_61 : memref<32x128xf32, #tpu.memory_space<hbm>>)
        tpu.yield
      }) : () -> ()
      %scan3A_41 = arith.constant 0 : i32
      scf.yield %scan3A_41 : i32
    }
    %scan3A_35 = arith.constant 20 : i32
    return
  }
}

#map = affine_map<(d0, d1) -> (0)>
#map1 = affine_map<(d0, d1) -> (0, 0, 0)>
module attributes {stable_mosaic.version = 14 : i64} {
  func.func @degk(%arg0: i32, %arg1: i32, %arg2: memref<323584xi32, #tpu.memory_space<hbm>>, %arg3: memref<2x1280x128xf32, #tpu.memory_space<hbm>>, %arg4: memref<128xi32, #tpu.memory_space<vmem>>, %arg5: memref<128x16xf32, #tpu.memory_space<vmem>>, %arg6: memref<16x128xf32, #tpu.memory_space<vmem>>, %arg7: memref<10240x16xf32, #tpu.memory_space<vmem_shared>>) attributes {dimension_semantics = [#tpu.dimension_semantics<core_parallel>, #tpu.dimension_semantics<subcore_parallel>], iteration_bounds = array<i64: 2, 16>, scalar_prefetch = 0 : i64, scratch_operands = 4 : i64, tpu.core_type = #tpu.core_type<sc_vector_subcore>, window_params = [{transform_indices = #map}, {transform_indices = #map1}]} {
    %mul3A = arith.constant 640 : i32
    %mul3A_0 = arith.muli %arg1, %mul3A : i32
    %broadcast_in_dim3A = arith.constant 0.000000e+00 : f32
    %broadcast_in_dim3A_1 = vector.broadcast %broadcast_in_dim3A : f32 to vector<16xf32>
    %broadcast_in_dim3A_2 = arith.constant 1.000000e+00 : f32
    %broadcast_in_dim3A_3 = vector.broadcast %broadcast_in_dim3A_2 : f32 to vector<16xf32>
    %scan3A = arith.constant 0 : i32
    %scan3A_4 = arith.constant 0 : i32
    %scan3A_5 = arith.constant 128 : i32
    %scan3A_6 = arith.addi %scan3A_4, %scan3A_5 : i32
    %scan3A_7 = arith.constant 1 : i32
    %scan3A_8 = scf.for %scan3A_43 = %scan3A_4 to %scan3A_6 step %scan3A_7 iter_args(%scan3A_44 = %scan3A) -> (i32)  : i32 {
      %swap3A = arith.index_cast %scan3A_43 : i32 to index
      %swap3A_45 = arith.constant 0 : index
      %swap3A_46 = tpu.vector_load %arg5[%swap3A, %swap3A_45] {strides = array<i32>} : memref<128x16xf32, #tpu.memory_space<vmem>>, vector<1x16xf32>,
      %swap3A_47 = vector.shape_cast %swap3A_46 : vector<1x16xf32> to vector<16xf32>
      %swap3A_48 = vector.shape_cast %broadcast_in_dim3A_1 : vector<16xf32> to vector<1x16xf32>
      tpu.vector_store %arg5[%swap3A, %swap3A_45], %swap3A_48 {strides = array<i32>} : memref<128x16xf32, #tpu.memory_space<vmem>>, vector<1x16xf32>,
      %scan3A_49 = arith.constant 0 : i32
      scf.yield %scan3A_49 : i32
    }
    %scan3A_9 = arith.constant 128 : i32
    %scan3A_10 = arith.constant 0 : i32
    %scan3A_11 = arith.constant 0 : i32
    %scan3A_12 = arith.constant 5 : i32
    %scan3A_13 = arith.addi %scan3A_11, %scan3A_12 : i32
    %scan3A_14 = arith.constant 1 : i32
    %scan3A_15 = scf.for %scan3A_43 = %scan3A_11 to %scan3A_13 step %scan3A_14 iter_args(%scan3A_44 = %scan3A_10) -> (i32)  : i32 {
      %mul3A_45 = arith.constant 128 : i32
      %mul3A_46 = arith.muli %scan3A_43, %mul3A_45 : i32
      %add3A_47 = arith.addi %mul3A_0, %mul3A_46 : i32
      "tpu.region"() ({
        %run_scoped3A = tpu.sem_alloc : memref<!tpu.dma_semaphore, #tpu.memory_space<semaphore_mem>>
        %dma_start3A = arith.constant 0 : i32
        %dma_start3A_49 = arith.constant 0 : i32
        %dma_start3A_50 = tpu.memref_slice %arg5[%dma_start3A, %dma_start3A_49] : memref<128x16xf32, #tpu.memory_space<vmem>> -> memref<128x16xf32, #tpu.memory_space<vmem>>
        %dma_start3A_51 = arith.constant 0 : i32
        %dma_start3A_52 = tpu.memref_slice %arg7[%add3A_47, %dma_start3A_51] : memref<10240x16xf32, #tpu.memory_space<vmem_shared>> -> memref<128x16xf32, #tpu.memory_space<vmem_shared>>
        %dma_start3A_53 = arith.constant 0 : i32
        %dma_start3A_54 = tpu.memref_slice %arg7[%add3A_47, %dma_start3A_53] : memref<10240x16xf32, #tpu.memory_space<vmem_shared>> -> memref<128x16xf32, #tpu.memory_space<vmem_shared>>
        %dma_start3A_55 = arith.constant 0 : i32
        %dma_start3A_56 = arith.constant 0 : i32
        %dma_start3A_57 = tpu.memref_slice %arg5[%dma_start3A_55, %dma_start3A_56] : memref<128x16xf32, #tpu.memory_space<vmem>> -> memref<128x16xf32, #tpu.memory_space<vmem>>
        tpu.enqueue_dma source(%dma_start3A_57 : memref<128x16xf32, #tpu.memory_space<vmem>>) target(%dma_start3A_54 : memref<128x16xf32, #tpu.memory_space<vmem_shared>>) target_semaphore(%run_scoped3A : memref<!tpu.dma_semaphore, #tpu.memory_space<semaphore_mem>>)
        %dma_wait3A = arith.constant 0 : i32
        %dma_wait3A_58 = arith.constant 0 : i32
        %dma_wait3A_59 = tpu.memref_slice %arg5[%dma_wait3A, %dma_wait3A_58] : memref<128x16xf32, #tpu.memory_space<vmem>> -> memref<128x16xf32, #tpu.memory_space<vmem>>
        %dma_wait3A_60 = arith.constant 0 : i32
        %dma_wait3A_61 = tpu.memref_slice %arg7[%add3A_47, %dma_wait3A_60] : memref<10240x16xf32, #tpu.memory_space<vmem_shared>> -> memref<128x16xf32, #tpu.memory_space<vmem_shared>>
        %dma_wait3A_62 = arith.constant 0 : i32
        %dma_wait3A_63 = tpu.memref_slice %arg7[%add3A_47, %dma_wait3A_62] : memref<10240x16xf32, #tpu.memory_space<vmem_shared>> -> memref<128x16xf32, #tpu.memory_space<vmem_shared>>
        %dma_wait3A_64 = arith.constant 0 : i32
        %dma_wait3A_65 = arith.constant 0 : i32
        %dma_wait3A_66 = tpu.memref_slice %arg5[%dma_wait3A_64, %dma_wait3A_65] : memref<128x16xf32, #tpu.memory_space<vmem>> -> memref<128x16xf32, #tpu.memory_space<vmem>>
        tpu.wait_dma2 semaphore(%run_scoped3A : memref<!tpu.dma_semaphore, #tpu.memory_space<semaphore_mem>>) src(%dma_wait3A_66 : memref<128x16xf32, #tpu.memory_space<vmem>>) dst(%dma_wait3A_63 : memref<128x16xf32, #tpu.memory_space<vmem_shared>>)
        tpu.yield
      }) : () -> ()
      %scan3A_48 = arith.constant 0 : i32
      scf.yield %scan3A_48 : i32
    }
    %scan3A_16 = arith.constant 5 : i32
    %scan3A_17 = arith.constant 0 : i32
    %scan3A_18 = arith.constant 0 : i32
    %scan3A_19 = arith.constant 128 : i32
    %scan3A_20 = arith.addi %scan3A_18, %scan3A_19 : i32
    %scan3A_21 = arith.constant 1 : i32
    %scan3A_22 = scf.for %scan3A_43 = %scan3A_18 to %scan3A_20 step %scan3A_21 iter_args(%scan3A_44 = %scan3A_17) -> (i32)  : i32 {
      %swap3A = arith.index_cast %scan3A_43 : i32 to index
      %swap3A_45 = arith.constant 0 : index
      %swap3A_46 = tpu.vector_load %arg5[%swap3A, %swap3A_45] {strides = array<i32>} : memref<128x16xf32, #tpu.memory_space<vmem>>, vector<1x16xf32>,
      %swap3A_47 = vector.shape_cast %swap3A_46 : vector<1x16xf32> to vector<16xf32>
      %swap3A_48 = vector.shape_cast %broadcast_in_dim3A_3 : vector<16xf32> to vector<1x16xf32>
      tpu.vector_store %arg5[%swap3A, %swap3A_45], %swap3A_48 {strides = array<i32>} : memref<128x16xf32, #tpu.memory_space<vmem>>, vector<1x16xf32>,
      %scan3A_49 = arith.constant 0 : i32
      scf.yield %scan3A_49 : i32
    }
    %scan3A_23 = arith.constant 128 : i32
    %barrier3A = arith.constant 0 : index
    tpu.barrier barrier_id(%barrier3A)
    %mul3A_24 = arith.constant 16 : i32
    %mul3A_25 = arith.muli %arg0, %mul3A_24 : i32
    %add3A = arith.addi %mul3A_25, %arg1 : i32
    %mul3A_26 = arith.constant 10112 : i32
    %mul3A_27 = arith.muli %add3A, %mul3A_26 : i32
    %scan3A_28 = arith.constant 0 : i32
    %scan3A_29 = arith.constant 0 : i32
    %scan3A_30 = arith.constant 79 : i32
    %scan3A_31 = arith.addi %scan3A_29, %scan3A_30 : i32
    %scan3A_32 = arith.constant 1 : i32
    %scan3A_33 = scf.for %scan3A_43 = %scan3A_29 to %scan3A_31 step %scan3A_32 iter_args(%scan3A_44 = %scan3A_28) -> (i32)  : i32 {
      %mul3A_45 = arith.constant 128 : i32
      %mul3A_46 = arith.muli %scan3A_43, %mul3A_45 : i32
      %add3A_47 = arith.addi %mul3A_27, %mul3A_46 : i32
      "tpu.region"() ({
        %run_scoped3A = tpu.sem_alloc : memref<!tpu.dma_semaphore, #tpu.memory_space<semaphore_mem>>
        %dma_start3A = tpu.memref_slice %arg2[%add3A_47] : memref<323584xi32, #tpu.memory_space<hbm>> -> memref<128xi32, #tpu.memory_space<hbm>>
        %dma_start3A_49 = tpu.memref_slice %arg2[%add3A_47] : memref<323584xi32, #tpu.memory_space<hbm>> -> memref<128xi32, #tpu.memory_space<hbm>>
        tpu.enqueue_dma source(%dma_start3A_49 : memref<128xi32, #tpu.memory_space<hbm>>) target(%arg4 : memref<128xi32, #tpu.memory_space<vmem>>) target_semaphore(%run_scoped3A : memref<!tpu.dma_semaphore, #tpu.memory_space<semaphore_mem>>)
        %dma_wait3A = tpu.memref_slice %arg2[%add3A_47] : memref<323584xi32, #tpu.memory_space<hbm>> -> memref<128xi32, #tpu.memory_space<hbm>>
        %dma_wait3A_50 = tpu.memref_slice %arg2[%add3A_47] : memref<323584xi32, #tpu.memory_space<hbm>> -> memref<128xi32, #tpu.memory_space<hbm>>
        tpu.wait_dma2 semaphore(%run_scoped3A : memref<!tpu.dma_semaphore, #tpu.memory_space<semaphore_mem>>) src(%dma_wait3A_50 : memref<128xi32, #tpu.memory_space<hbm>>) dst(%arg4 : memref<128xi32, #tpu.memory_space<vmem>>)
        tpu.yield
      }) : () -> ()
      "tpu.region"() ({
        %run_scoped3A = tpu.sem_alloc : memref<!tpu.dma_semaphore, #tpu.memory_space<semaphore_mem>>
        %dma_start3A = arith.constant 0 : i32
        %dma_start3A_49 = arith.constant 0 : i32
        %dma_start3A_50 = tpu.memref_slice %arg7[%dma_start3A, %dma_start3A_49] : memref<10240x16xf32, #tpu.memory_space<vmem_shared>> -> memref<10240x16xf32, #tpu.memory_space<vmem_shared>>
        tpu.enqueue_indirect_dma source(%arg5 : memref<128x16xf32, #tpu.memory_space<vmem>>) target(%dma_start3A_50 : memref<10240x16xf32, #tpu.memory_space<vmem_shared>>) offsets(%arg4 : memref<128xi32, #tpu.memory_space<vmem>>) semaphore(%run_scoped3A : memref<!tpu.dma_semaphore, #tpu.memory_space<semaphore_mem>>) {add = true}
        %dma_wait3A = arith.constant 0 : i32
        %dma_wait3A_51 = arith.constant 0 : i32
        %dma_wait3A_52 = tpu.memref_slice %arg7[%dma_wait3A, %dma_wait3A_51] : memref<10240x16xf32, #tpu.memory_space<vmem_shared>> -> memref<10240x16xf32, #tpu.memory_space<vmem_shared>>
        tpu.wait_indirect_dma semaphore(%run_scoped3A : memref<!tpu.dma_semaphore, #tpu.memory_space<semaphore_mem>>) src(%arg5 : memref<128x16xf32, #tpu.memory_space<vmem>>) dst(%dma_wait3A_52 : memref<10240x16xf32, #tpu.memory_space<vmem_shared>>)
        tpu.yield
      }) : () -> ()
      %scan3A_48 = arith.constant 0 : i32
      scf.yield %scan3A_48 : i32
    }
    %scan3A_34 = arith.constant 79 : i32
    %barrier3A_35 = arith.constant 0 : index
    tpu.barrier barrier_id(%barrier3A_35)
    %scan3A_36 = arith.constant 0 : i32
    %scan3A_37 = arith.constant 0 : i32
    %scan3A_38 = arith.constant 5 : i32
    %scan3A_39 = arith.addi %scan3A_37, %scan3A_38 : i32
    %scan3A_40 = arith.constant 1 : i32
    %scan3A_41 = scf.for %scan3A_43 = %scan3A_37 to %scan3A_39 step %scan3A_40 iter_args(%scan3A_44 = %scan3A_36) -> (i32)  : i32 {
      %mul3A_45 = arith.constant 128 : i32
      %mul3A_46 = arith.muli %scan3A_43, %mul3A_45 : i32
      %add3A_47 = arith.addi %mul3A_0, %mul3A_46 : i32
      "tpu.region"() ({
        %run_scoped3A = tpu.sem_alloc : memref<!tpu.dma_semaphore, #tpu.memory_space<semaphore_mem>>
        %dma_start3A = arith.constant 0 : i32
        %dma_start3A_61 = tpu.memref_slice %arg7[%add3A_47, %dma_start3A] : memref<10240x16xf32, #tpu.memory_space<vmem_shared>> -> memref<128x16xf32, #tpu.memory_space<vmem_shared>>
        %dma_start3A_62 = arith.constant 0 : i32
        %dma_start3A_63 = tpu.memref_slice %arg7[%add3A_47, %dma_start3A_62] : memref<10240x16xf32, #tpu.memory_space<vmem_shared>> -> memref<128x16xf32, #tpu.memory_space<vmem_shared>>
        tpu.enqueue_dma source(%dma_start3A_63 : memref<128x16xf32, #tpu.memory_space<vmem_shared>>) target(%arg5 : memref<128x16xf32, #tpu.memory_space<vmem>>) target_semaphore(%run_scoped3A : memref<!tpu.dma_semaphore, #tpu.memory_space<semaphore_mem>>)
        %dma_wait3A = arith.constant 0 : i32
        %dma_wait3A_64 = tpu.memref_slice %arg7[%add3A_47, %dma_wait3A] : memref<10240x16xf32, #tpu.memory_space<vmem_shared>> -> memref<128x16xf32, #tpu.memory_space<vmem_shared>>
        %dma_wait3A_65 = arith.constant 0 : i32
        %dma_wait3A_66 = tpu.memref_slice %arg7[%add3A_47, %dma_wait3A_65] : memref<10240x16xf32, #tpu.memory_space<vmem_shared>> -> memref<128x16xf32, #tpu.memory_space<vmem_shared>>
        tpu.wait_dma2 semaphore(%run_scoped3A : memref<!tpu.dma_semaphore, #tpu.memory_space<semaphore_mem>>) src(%dma_wait3A_66 : memref<128x16xf32, #tpu.memory_space<vmem_shared>>) dst(%arg5 : memref<128x16xf32, #tpu.memory_space<vmem>>)
        tpu.yield
      }) : () -> ()
      %scan3A_48 = arith.constant 0 : i32
      %scan3A_49 = arith.constant 0 : i32
      %scan3A_50 = arith.constant 128 : i32
      %scan3A_51 = arith.addi %scan3A_49, %scan3A_50 : i32
      %scan3A_52 = arith.constant 1 : i32
      %scan3A_53 = scf.for %scan3A_61 = %scan3A_49 to %scan3A_51 step %scan3A_52 iter_args(%scan3A_62 = %scan3A_48) -> (i32)  : i32 {
        %get3A = arith.index_cast %scan3A_61 : i32 to index
        %get3A_63 = arith.constant 0 : index
        %get3A_64 = tpu.vector_load %arg5[%get3A, %get3A_63] {strides = array<i32>} : memref<128x16xf32, #tpu.memory_space<vmem>>, vector<1x16xf32>,
        %get3A_65 = vector.shape_cast %get3A_64 : vector<1x16xf32> to vector<16xf32>
        %jit3A = arith.constant 8 : i32
        %div3A = arith.divsi %scan3A_61, %jit3A : i32
        %sign3A = arith.constant 0 : i32
        %sign3A_66 = arith.cmpi sgt, %scan3A_61, %sign3A : i32
        %sign3A_67 = arith.extui %sign3A_66 : i1 to i32
        %sign3A_68 = arith.constant 0 : i32
        %sign3A_69 = arith.cmpi slt, %scan3A_61, %sign3A_68 : i32
        %sign3A_70 = arith.extui %sign3A_69 : i1 to i32
        %sign3A_71 = arith.subi %sign3A_67, %sign3A_70 : i32
        %sign3A_72 = arith.constant 0 : i32
        %sign3A_73 = arith.cmpi sgt, %jit3A, %sign3A_72 : i32
        %sign3A_74 = arith.extui %sign3A_73 : i1 to i32
        %sign3A_75 = arith.constant 0 : i32
        %sign3A_76 = arith.cmpi slt, %jit3A, %sign3A_75 : i32
        %sign3A_77 = arith.extui %sign3A_76 : i1 to i32
        %sign3A_78 = arith.subi %sign3A_74, %sign3A_77 : i32
        %ne3A = arith.cmpi ne, %sign3A_71, %sign3A_78 : i32
        %rem3A = arith.remsi %scan3A_61, %jit3A : i32
        %ne3A_79 = arith.constant 0 : i32
        %ne3A_80 = arith.cmpi ne, %rem3A, %ne3A_79 : i32
        %and3A = arith.andi %ne3A, %ne3A_80 : i1
        %sub3A = arith.constant 1 : i32
        %sub3A_81 = arith.subi %div3A, %sub3A : i32
        %select_n3A = arith.select %and3A, %sub3A_81, %div3A : i32
        %jit3A_82 = arith.constant 8 : i32
        %eq3A = arith.constant 0 : i32
        %eq3A_83 = arith.cmpi eq, %jit3A_82, %eq3A : i32
        %jit3A_84 = arith.constant 1 : i32
        %select_n3A_85 = arith.select %eq3A_83, %jit3A_84, %jit3A_82 : i32
        %rem3A_86 = arith.remsi %scan3A_61, %select_n3A_85 : i32
        %ne3A_87 = arith.constant 0 : i32
        %ne3A_88 = arith.cmpi ne, %rem3A_86, %ne3A_87 : i32
        %lt3A = arith.constant 0 : i32
        %lt3A_89 = arith.cmpi slt, %rem3A_86, %lt3A : i32
        %lt3A_90 = arith.constant 0 : i32
        %lt3A_91 = arith.cmpi slt, %select_n3A_85, %lt3A_90 : i32
        %ne3A_92 = arith.xori %lt3A_89, %lt3A_91 : i1
        %and3A_93 = arith.andi %ne3A_92, %ne3A_88 : i1
        %add3A_94 = arith.addi %rem3A_86, %select_n3A_85 : i32
        %select_n3A_95 = arith.select %and3A_93, %add3A_94, %rem3A_86 : i32
        %mul3A_96 = arith.constant 16 : i32
        %mul3A_97 = arith.muli %select_n3A_95, %mul3A_96 : i32
        %swap3A = arith.index_cast %select_n3A : i32 to index
        %swap3A_98 = arith.index_cast %mul3A_97 : i32 to index
        %swap3A_99 = tpu.vector_load %arg6[%swap3A, %swap3A_98] {strides = array<i32>} : memref<16x128xf32, #tpu.memory_space<vmem>>, vector<1x16xf32>,
        %swap3A_100 = vector.shape_cast %swap3A_99 : vector<1x16xf32> to vector<16xf32>
        %swap3A_101 = vector.shape_cast %get3A_65 : vector<16xf32> to vector<1x16xf32>
        tpu.vector_store %arg6[%swap3A, %swap3A_98], %swap3A_101 {strides = array<i32>} : memref<16x128xf32, #tpu.memory_space<vmem>>, vector<1x16xf32>,
        %scan3A_102 = arith.constant 0 : i32
        scf.yield %scan3A_102 : i32
      }
      %scan3A_54 = arith.constant 128 : i32
      %mul3A_55 = arith.constant 80 : i32
      %mul3A_56 = arith.muli %arg1, %mul3A_55 : i32
      %mul3A_57 = arith.constant 16 : i32
      %mul3A_58 = arith.muli %scan3A_43, %mul3A_57 : i32
      %add3A_59 = arith.addi %mul3A_56, %mul3A_58 : i32
      "tpu.region"() ({
        %run_scoped3A = tpu.sem_alloc : memref<!tpu.dma_semaphore, #tpu.memory_space<semaphore_mem>>
        %dma_start3A = arith.constant 0 : i32
        %dma_start3A_61 = tpu.memref_slice %arg3[%arg0, %add3A_59, %dma_start3A] : memref<2x1280x128xf32, #tpu.memory_space<hbm>> -> memref<1x16x128xf32, #tpu.memory_space<hbm>>
        %dma_start3A_62 = tpu.memref_squeeze %dma_start3A_61 : memref<1x16x128xf32, #tpu.memory_space<hbm>> -> memref<16x128xf32, #tpu.memory_space<hbm>>
        %dma_start3A_63 = arith.constant 0 : i32
        %dma_start3A_64 = tpu.memref_slice %arg3[%arg0, %add3A_59, %dma_start3A_63] : memref<2x1280x128xf32, #tpu.memory_space<hbm>> -> memref<1x16x128xf32, #tpu.memory_space<hbm>>
        %dma_start3A_65 = tpu.memref_squeeze %dma_start3A_64 : memref<1x16x128xf32, #tpu.memory_space<hbm>> -> memref<16x128xf32, #tpu.memory_space<hbm>>
        tpu.enqueue_dma source(%arg6 : memref<16x128xf32, #tpu.memory_space<vmem>>) target(%dma_start3A_65 : memref<16x128xf32, #tpu.memory_space<hbm>>) target_semaphore(%run_scoped3A : memref<!tpu.dma_semaphore, #tpu.memory_space<semaphore_mem>>)
        %dma_wait3A = arith.constant 0 : i32
        %dma_wait3A_66 = tpu.memref_slice %arg3[%arg0, %add3A_59, %dma_wait3A] : memref<2x1280x128xf32, #tpu.memory_space<hbm>> -> memref<1x16x128xf32, #tpu.memory_space<hbm>>
        %dma_wait3A_67 = tpu.memref_squeeze %dma_wait3A_66 : memref<1x16x128xf32, #tpu.memory_space<hbm>> -> memref<16x128xf32, #tpu.memory_space<hbm>>
        %dma_wait3A_68 = arith.constant 0 : i32
        %dma_wait3A_69 = tpu.memref_slice %arg3[%arg0, %add3A_59, %dma_wait3A_68] : memref<2x1280x128xf32, #tpu.memory_space<hbm>> -> memref<1x16x128xf32, #tpu.memory_space<hbm>>
        %dma_wait3A_70 = tpu.memref_squeeze %dma_wait3A_69 : memref<1x16x128xf32, #tpu.memory_space<hbm>> -> memref<16x128xf32, #tpu.memory_space<hbm>>
        tpu.wait_dma2 semaphore(%run_scoped3A : memref<!tpu.dma_semaphore, #tpu.memory_space<semaphore_mem>>) src(%arg6 : memref<16x128xf32, #tpu.memory_space<vmem>>) dst(%dma_wait3A_70 : memref<16x128xf32, #tpu.memory_space<hbm>>)
        tpu.yield
      }) : () -> ()
      %scan3A_60 = arith.constant 0 : i32
      scf.yield %scan3A_60 : i32
    }
    %scan3A_42 = arith.constant 5 : i32
    return
  }
}

#map = affine_map<(d0, d1) -> (0)>
#map1 = affine_map<(d0, d1) -> (0, 0)>
#map2 = affine_map<(d0, d1) -> (0, 0, 0)>
module attributes {stable_mosaic.version = 14 : i64} {
  func.func @seg(%arg0: i32, %arg1: i32, %arg2: memref<323584xi32, #tpu.memory_space<hbm>>, %arg3: memref<323584xi32, #tpu.memory_space<hbm>>, %arg4: memref<10240x128xf32, #tpu.memory_space<hbm>>, %arg5: memref<2x10240x128xf32, #tpu.memory_space<hbm>>, %arg6: memref<128xi32, #tpu.memory_space<vmem>>, %arg7: memref<128xi32, #tpu.memory_space<vmem>>, %arg8: memref<128xi32, #tpu.memory_space<vmem>>, %arg9: memref<128xi32, #tpu.memory_space<vmem>>, %arg10: memref<128x128xf32, #tpu.memory_space<vmem>>, %arg11: memref<128x128xf32, #tpu.memory_space<vmem>>, %arg12: memref<10240x128xf32, #tpu.memory_space<vmem_shared>>, %arg13: memref<!tpu.dma_semaphore, #tpu.memory_space<semaphore_mem>>, %arg14: memref<!tpu.dma_semaphore, #tpu.memory_space<semaphore_mem>>) attributes {dimension_semantics = [#tpu.dimension_semantics<core_parallel>, #tpu.dimension_semantics<subcore_parallel>], iteration_bounds = array<i64: 2, 16>, scalar_prefetch = 0 : i64, scratch_operands = 9 : i64, tpu.core_type = #tpu.core_type<sc_vector_subcore>, window_params = [{transform_indices = #map}, {transform_indices = #map}, {transform_indices = #map1}, {transform_indices = #map2}]} {
    %broadcast_in_dim3A = arith.constant 0.000000e+00 : f32
    %broadcast_in_dim3A_0 = vector.broadcast %broadcast_in_dim3A : f32 to vector<16xf32>
    %mul3A = arith.constant 640 : i32
    %mul3A_1 = arith.muli %arg1, %mul3A : i32
    %scan3A = arith.constant 0 : i32
    %scan3A_2 = arith.constant 0 : i32
    %scan3A_3 = arith.constant 32 : i32
    %scan3A_4 = arith.addi %scan3A_2, %scan3A_3 : i32
    %scan3A_5 = arith.constant 1 : i32
    %scan3A_6 = scf.for %scan3A_36 = %scan3A_2 to %scan3A_4 step %scan3A_5 iter_args(%scan3A_37 = %scan3A) -> (i32)  : i32 {
      %scan3A_38 = arith.constant 0 : i32
      %scan3A_39 = arith.constant 0 : i32
      %scan3A_40 = arith.constant 8 : i32
      %scan3A_41 = arith.addi %scan3A_39, %scan3A_40 : i32
      %scan3A_42 = arith.constant 1 : i32
      %scan3A_43 = scf.for %scan3A_45 = %scan3A_39 to %scan3A_41 step %scan3A_42 iter_args(%scan3A_46 = %scan3A_38) -> (i32)  : i32 {
        %mul3A_47 = arith.constant 16 : i32
        %mul3A_48 = arith.muli %scan3A_45, %mul3A_47 : i32
        %swap3A = arith.index_cast %scan3A_36 : i32 to index
        %swap3A_49 = arith.index_cast %mul3A_48 : i32 to index
        %swap3A_50 = tpu.vector_load %arg10[%swap3A, %swap3A_49] {strides = array<i32>} : memref<128x128xf32, #tpu.memory_space<vmem>>, vector<1x16xf32>,
        %swap3A_51 = vector.shape_cast %swap3A_50 : vector<1x16xf32> to vector<16xf32>
        %swap3A_52 = vector.shape_cast %broadcast_in_dim3A_0 : vector<16xf32> to vector<1x16xf32>
        tpu.vector_store %arg10[%swap3A, %swap3A_49], %swap3A_52 {strides = array<i32>} : memref<128x128xf32, #tpu.memory_space<vmem>>, vector<1x16xf32>,
        %scan3A_53 = arith.constant 0 : i32
        scf.yield %scan3A_53 : i32
      }
      %scan3A_44 = arith.constant 8 : i32
      scf.yield %scan3A_43 : i32
    }
    %scan3A_7 = arith.constant 32 : i32
    %scan3A_8 = arith.constant 0 : i32
    %scan3A_9 = arith.constant 0 : i32
    %scan3A_10 = arith.constant 20 : i32
    %scan3A_11 = arith.addi %scan3A_9, %scan3A_10 : i32
    %scan3A_12 = arith.constant 1 : i32
    %scan3A_13 = scf.for %scan3A_36 = %scan3A_9 to %scan3A_11 step %scan3A_12 iter_args(%scan3A_37 = %scan3A_8) -> (i32)  : i32 {
      %mul3A_38 = arith.constant 32 : i32
      %mul3A_39 = arith.muli %scan3A_36, %mul3A_38 : i32
      %add3A_40 = arith.addi %mul3A_1, %mul3A_39 : i32
      "tpu.region"() ({
        %run_scoped3A = tpu.sem_alloc : memref<!tpu.dma_semaphore, #tpu.memory_space<semaphore_mem>>
        %dma_start3A_42 = arith.constant 0 : i32
        %dma_start3A_43 = arith.constant 0 : i32
        %dma_start3A_44 = tpu.memref_slice %arg10[%dma_start3A_42, %dma_start3A_43] : memref<128x128xf32, #tpu.memory_space<vmem>> -> memref<32x128xf32, #tpu.memory_space<vmem>>
        %dma_start3A_45 = arith.constant 0 : i32
        %dma_start3A_46 = tpu.memref_slice %arg12[%add3A_40, %dma_start3A_45] : memref<10240x128xf32, #tpu.memory_space<vmem_shared>> -> memref<32x128xf32, #tpu.memory_space<vmem_shared>>
        %dma_start3A_47 = arith.constant 0 : i32
        %dma_start3A_48 = tpu.memref_slice %arg12[%add3A_40, %dma_start3A_47] : memref<10240x128xf32, #tpu.memory_space<vmem_shared>> -> memref<32x128xf32, #tpu.memory_space<vmem_shared>>
        %dma_start3A_49 = arith.constant 0 : i32
        %dma_start3A_50 = arith.constant 0 : i32
        %dma_start3A_51 = tpu.memref_slice %arg10[%dma_start3A_49, %dma_start3A_50] : memref<128x128xf32, #tpu.memory_space<vmem>> -> memref<32x128xf32, #tpu.memory_space<vmem>>
        tpu.enqueue_dma source(%dma_start3A_51 : memref<32x128xf32, #tpu.memory_space<vmem>>) target(%dma_start3A_48 : memref<32x128xf32, #tpu.memory_space<vmem_shared>>) target_semaphore(%run_scoped3A : memref<!tpu.dma_semaphore, #tpu.memory_space<semaphore_mem>>)
        %dma_wait3A = arith.constant 0 : i32
        %dma_wait3A_52 = arith.constant 0 : i32
        %dma_wait3A_53 = tpu.memref_slice %arg10[%dma_wait3A, %dma_wait3A_52] : memref<128x128xf32, #tpu.memory_space<vmem>> -> memref<32x128xf32, #tpu.memory_space<vmem>>
        %dma_wait3A_54 = arith.constant 0 : i32
        %dma_wait3A_55 = tpu.memref_slice %arg12[%add3A_40, %dma_wait3A_54] : memref<10240x128xf32, #tpu.memory_space<vmem_shared>> -> memref<32x128xf32, #tpu.memory_space<vmem_shared>>
        %dma_wait3A_56 = arith.constant 0 : i32
        %dma_wait3A_57 = tpu.memref_slice %arg12[%add3A_40, %dma_wait3A_56] : memref<10240x128xf32, #tpu.memory_space<vmem_shared>> -> memref<32x128xf32, #tpu.memory_space<vmem_shared>>
        %dma_wait3A_58 = arith.constant 0 : i32
        %dma_wait3A_59 = arith.constant 0 : i32
        %dma_wait3A_60 = tpu.memref_slice %arg10[%dma_wait3A_58, %dma_wait3A_59] : memref<128x128xf32, #tpu.memory_space<vmem>> -> memref<32x128xf32, #tpu.memory_space<vmem>>
        tpu.wait_dma2 semaphore(%run_scoped3A : memref<!tpu.dma_semaphore, #tpu.memory_space<semaphore_mem>>) src(%dma_wait3A_60 : memref<32x128xf32, #tpu.memory_space<vmem>>) dst(%dma_wait3A_57 : memref<32x128xf32, #tpu.memory_space<vmem_shared>>)
        tpu.yield
      }) : () -> ()
      %scan3A_41 = arith.constant 0 : i32
      scf.yield %scan3A_41 : i32
    }
    %scan3A_14 = arith.constant 20 : i32
    %mul3A_15 = arith.constant 16 : i32
    %mul3A_16 = arith.muli %arg0, %mul3A_15 : i32
    %add3A = arith.addi %mul3A_16, %arg1 : i32
    %mul3A_17 = arith.constant 10112 : i32
    %mul3A_18 = arith.muli %add3A, %mul3A_17 : i32
    "tpu.region"() ({
      %run_scoped3A = tpu.sem_alloc : memref<!tpu.dma_semaphore, #tpu.memory_space<semaphore_mem>>
      %dma_start3A_36 = tpu.memref_slice %arg2[%mul3A_18] : memref<323584xi32, #tpu.memory_space<hbm>> -> memref<128xi32, #tpu.memory_space<hbm>>
      %dma_start3A_37 = tpu.memref_slice %arg2[%mul3A_18] : memref<323584xi32, #tpu.memory_space<hbm>> -> memref<128xi32, #tpu.memory_space<hbm>>
      tpu.enqueue_dma source(%dma_start3A_37 : memref<128xi32, #tpu.memory_space<hbm>>) target(%arg6 : memref<128xi32, #tpu.memory_space<vmem>>) target_semaphore(%run_scoped3A : memref<!tpu.dma_semaphore, #tpu.memory_space<semaphore_mem>>)
      %dma_wait3A = tpu.memref_slice %arg2[%mul3A_18] : memref<323584xi32, #tpu.memory_space<hbm>> -> memref<128xi32, #tpu.memory_space<hbm>>
      %dma_wait3A_38 = tpu.memref_slice %arg2[%mul3A_18] : memref<323584xi32, #tpu.memory_space<hbm>> -> memref<128xi32, #tpu.memory_space<hbm>>
      tpu.wait_dma2 semaphore(%run_scoped3A : memref<!tpu.dma_semaphore, #tpu.memory_space<semaphore_mem>>) src(%dma_wait3A_38 : memref<128xi32, #tpu.memory_space<hbm>>) dst(%arg6 : memref<128xi32, #tpu.memory_space<vmem>>)
      tpu.yield
    }) : () -> ()
    "tpu.region"() ({
      %run_scoped3A = tpu.sem_alloc : memref<!tpu.dma_semaphore, #tpu.memory_space<semaphore_mem>>
      %dma_start3A_36 = tpu.memref_slice %arg3[%mul3A_18] : memref<323584xi32, #tpu.memory_space<hbm>> -> memref<128xi32, #tpu.memory_space<hbm>>
      %dma_start3A_37 = tpu.memref_slice %arg3[%mul3A_18] : memref<323584xi32, #tpu.memory_space<hbm>> -> memref<128xi32, #tpu.memory_space<hbm>>
      tpu.enqueue_dma source(%dma_start3A_37 : memref<128xi32, #tpu.memory_space<hbm>>) target(%arg8 : memref<128xi32, #tpu.memory_space<vmem>>) target_semaphore(%run_scoped3A : memref<!tpu.dma_semaphore, #tpu.memory_space<semaphore_mem>>)
      %dma_wait3A = tpu.memref_slice %arg3[%mul3A_18] : memref<323584xi32, #tpu.memory_space<hbm>> -> memref<128xi32, #tpu.memory_space<hbm>>
      %dma_wait3A_38 = tpu.memref_slice %arg3[%mul3A_18] : memref<323584xi32, #tpu.memory_space<hbm>> -> memref<128xi32, #tpu.memory_space<hbm>>
      tpu.wait_dma2 semaphore(%run_scoped3A : memref<!tpu.dma_semaphore, #tpu.memory_space<semaphore_mem>>) src(%dma_wait3A_38 : memref<128xi32, #tpu.memory_space<hbm>>) dst(%arg8 : memref<128xi32, #tpu.memory_space<vmem>>)
      tpu.yield
    }) : () -> ()
    %dma_start3A = arith.constant 0 : i32
    %dma_start3A_19 = arith.constant 0 : i32
    %dma_start3A_20 = tpu.memref_slice %arg4[%dma_start3A, %dma_start3A_19] : memref<10240x128xf32, #tpu.memory_space<hbm>> -> memref<10240x128xf32, #tpu.memory_space<hbm>>
    tpu.enqueue_indirect_dma source(%dma_start3A_20 : memref<10240x128xf32, #tpu.memory_space<hbm>>) target(%arg10 : memref<128x128xf32, #tpu.memory_space<vmem>>) offsets(%arg6 : memref<128xi32, #tpu.memory_space<vmem>>) semaphore(%arg13 : memref<!tpu.dma_semaphore, #tpu.memory_space<semaphore_mem>>)
    %barrier3A = arith.constant 0 : index
    tpu.barrier barrier_id(%barrier3A)
    %scan3A_21 = arith.constant 0 : i32
    %scan3A_22 = arith.constant 0 : i32
    %scan3A_23 = arith.constant 40 : i32
    %scan3A_24 = arith.addi %scan3A_22, %scan3A_23 : i32
    %scan3A_25 = arith.constant 1 : i32
    %scan3A_26 = scf.for %scan3A_36 = %scan3A_22 to %scan3A_24 step %scan3A_25 iter_args(%scan3A_37 = %scan3A_21) -> (i32)  : i32 {
      %mul3A_38 = arith.constant 2 : i32
      %mul3A_39 = arith.muli %mul3A_38, %scan3A_36 : i32
      %add3A_40 = arith.constant 0 : i32
      %add3A_41 = arith.addi %mul3A_39, %add3A_40 : i32
      %lt3A = arith.constant 79 : i32
      %lt3A_42 = arith.cmpi slt, %add3A_41, %lt3A : i32
      %convert_element_type3A = arith.extui %lt3A_42 : i1 to i32
      %cond3A = arith.constant 0 : i32
      %cond3A_43 = arith.cmpi ne, %convert_element_type3A, %cond3A : i32
      scf.if %cond3A_43 {
        %add3A_54 = arith.constant 1 : i32
        %add3A_55 = arith.addi %add3A_41, %add3A_54 : i32
        %lt3A_56 = arith.constant 79 : i32
        %lt3A_57 = arith.cmpi slt, %add3A_55, %lt3A_56 : i32
        %convert_element_type3A_58 = arith.extui %lt3A_57 : i1 to i32
        %cond3A_59 = arith.constant 0 : i32
        %cond3A_60 = arith.cmpi ne, %convert_element_type3A_58, %cond3A_59 : i32
        scf.if %cond3A_60 {
          %add3A_63 = arith.constant 1 : i32
          %add3A_64 = arith.addi %add3A_41, %add3A_63 : i32
          %mul3A_65 = arith.constant 128 : i32
          %mul3A_66 = arith.muli %add3A_64, %mul3A_65 : i32
          %add3A_67 = arith.addi %mul3A_18, %mul3A_66 : i32
          "tpu.region"() ({
            %run_scoped3A = tpu.sem_alloc : memref<!tpu.dma_semaphore, #tpu.memory_space<semaphore_mem>>
            %dma_start3A_71 = tpu.memref_slice %arg2[%add3A_67] : memref<323584xi32, #tpu.memory_space<hbm>> -> memref<128xi32, #tpu.memory_space<hbm>>
            %dma_start3A_72 = tpu.memref_slice %arg2[%add3A_67] : memref<323584xi32, #tpu.memory_space<hbm>> -> memref<128xi32, #tpu.memory_space<hbm>>
            tpu.enqueue_dma source(%dma_start3A_72 : memref<128xi32, #tpu.memory_space<hbm>>) target(%arg7 : memref<128xi32, #tpu.memory_space<vmem>>) target_semaphore(%run_scoped3A : memref<!tpu.dma_semaphore, #tpu.memory_space<semaphore_mem>>)
            %dma_wait3A_73 = tpu.memref_slice %arg2[%add3A_67] : memref<323584xi32, #tpu.memory_space<hbm>> -> memref<128xi32, #tpu.memory_space<hbm>>
            %dma_wait3A_74 = tpu.memref_slice %arg2[%add3A_67] : memref<323584xi32, #tpu.memory_space<hbm>> -> memref<128xi32, #tpu.memory_space<hbm>>
            tpu.wait_dma2 semaphore(%run_scoped3A : memref<!tpu.dma_semaphore, #tpu.memory_space<semaphore_mem>>) src(%dma_wait3A_74 : memref<128xi32, #tpu.memory_space<hbm>>) dst(%arg7 : memref<128xi32, #tpu.memory_space<vmem>>)
            tpu.yield
          }) : () -> ()
          "tpu.region"() ({
            %run_scoped3A = tpu.sem_alloc : memref<!tpu.dma_semaphore, #tpu.memory_space<semaphore_mem>>
            %dma_start3A_71 = tpu.memref_slice %arg3[%add3A_67] : memref<323584xi32, #tpu.memory_space<hbm>> -> memref<128xi32, #tpu.memory_space<hbm>>
            %dma_start3A_72 = tpu.memref_slice %arg3[%add3A_67] : memref<323584xi32, #tpu.memory_space<hbm>> -> memref<128xi32, #tpu.memory_space<hbm>>
            tpu.enqueue_dma source(%dma_start3A_72 : memref<128xi32, #tpu.memory_space<hbm>>) target(%arg9 : memref<128xi32, #tpu.memory_space<vmem>>) target_semaphore(%run_scoped3A : memref<!tpu.dma_semaphore, #tpu.memory_space<semaphore_mem>>)
            %dma_wait3A_73 = tpu.memref_slice %arg3[%add3A_67] : memref<323584xi32, #tpu.memory_space<hbm>> -> memref<128xi32, #tpu.memory_space<hbm>>
            %dma_wait3A_74 = tpu.memref_slice %arg3[%add3A_67] : memref<323584xi32, #tpu.memory_space<hbm>> -> memref<128xi32, #tpu.memory_space<hbm>>
            tpu.wait_dma2 semaphore(%run_scoped3A : memref<!tpu.dma_semaphore, #tpu.memory_space<semaphore_mem>>) src(%dma_wait3A_74 : memref<128xi32, #tpu.memory_space<hbm>>) dst(%arg9 : memref<128xi32, #tpu.memory_space<vmem>>)
            tpu.yield
          }) : () -> ()
          %dma_start3A_68 = arith.constant 0 : i32
          %dma_start3A_69 = arith.constant 0 : i32
          %dma_start3A_70 = tpu.memref_slice %arg4[%dma_start3A_68, %dma_start3A_69] : memref<10240x128xf32, #tpu.memory_space<hbm>> -> memref<10240x128xf32, #tpu.memory_space<hbm>>
          tpu.enqueue_indirect_dma source(%dma_start3A_70 : memref<10240x128xf32, #tpu.memory_space<hbm>>) target(%arg11 : memref<128x128xf32, #tpu.memory_space<vmem>>) offsets(%arg7 : memref<128xi32, #tpu.memory_space<vmem>>) semaphore(%arg14 : memref<!tpu.dma_semaphore, #tpu.memory_space<semaphore_mem>>)
        } else {
        }
        %dma_wait3A = arith.constant 0 : i32
        %dma_wait3A_61 = arith.constant 0 : i32
        %dma_wait3A_62 = tpu.memref_slice %arg4[%dma_wait3A, %dma_wait3A_61] : memref<10240x128xf32, #tpu.memory_space<hbm>> -> memref<10240x128xf32, #tpu.memory_space<hbm>>
        tpu.wait_indirect_dma semaphore(%arg13 : memref<!tpu.dma_semaphore, #tpu.memory_space<semaphore_mem>>) src(%dma_wait3A_62 : memref<10240x128xf32, #tpu.memory_space<hbm>>) dst(%arg10 : memref<128x128xf32, #tpu.memory_space<vmem>>)
        "tpu.region"() ({
          %run_scoped3A = tpu.sem_alloc : memref<!tpu.dma_semaphore, #tpu.memory_space<semaphore_mem>>
          %dma_start3A_63 = arith.constant 0 : i32
          %dma_start3A_64 = arith.constant 0 : i32
          %dma_start3A_65 = tpu.memref_slice %arg12[%dma_start3A_63, %dma_start3A_64] : memref<10240x128xf32, #tpu.memory_space<vmem_shared>> -> memref<10240x128xf32, #tpu.memory_space<vmem_shared>>
          tpu.enqueue_indirect_dma source(%arg10 : memref<128x128xf32, #tpu.memory_space<vmem>>) target(%dma_start3A_65 : memref<10240x128xf32, #tpu.memory_space<vmem_shared>>) offsets(%arg8 : memref<128xi32, #tpu.memory_space<vmem>>) semaphore(%run_scoped3A : memref<!tpu.dma_semaphore, #tpu.memory_space<semaphore_mem>>) {add = true}
          %dma_wait3A_66 = arith.constant 0 : i32
          %dma_wait3A_67 = arith.constant 0 : i32
          %dma_wait3A_68 = tpu.memref_slice %arg12[%dma_wait3A_66, %dma_wait3A_67] : memref<10240x128xf32, #tpu.memory_space<vmem_shared>> -> memref<10240x128xf32, #tpu.memory_space<vmem_shared>>
          tpu.wait_indirect_dma semaphore(%run_scoped3A : memref<!tpu.dma_semaphore, #tpu.memory_space<semaphore_mem>>) src(%arg10 : memref<128x128xf32, #tpu.memory_space<vmem>>) dst(%dma_wait3A_68 : memref<10240x128xf32, #tpu.memory_space<vmem_shared>>)
          tpu.yield
        }) : () -> ()
      } else {
      }
      %mul3A_44 = arith.constant 2 : i32
      %mul3A_45 = arith.muli %mul3A_44, %scan3A_36 : i32
      %add3A_46 = arith.constant 1 : i32
      %add3A_47 = arith.addi %mul3A_45, %add3A_46 : i32
      %lt3A_48 = arith.constant 79 : i32
      %lt3A_49 = arith.cmpi slt, %add3A_47, %lt3A_48 : i32
      %convert_element_type3A_50 = arith.extui %lt3A_49 : i1 to i32
      %cond3A_51 = arith.constant 0 : i32
      %cond3A_52 = arith.cmpi ne, %convert_element_type3A_50, %cond3A_51 : i32
      scf.if %cond3A_52 {
        %add3A_54 = arith.constant 1 : i32
        %add3A_55 = arith.addi %add3A_47, %add3A_54 : i32
        %lt3A_56 = arith.constant 79 : i32
        %lt3A_57 = arith.cmpi slt, %add3A_55, %lt3A_56 : i32
        %convert_element_type3A_58 = arith.extui %lt3A_57 : i1 to i32
        %cond3A_59 = arith.constant 0 : i32
        %cond3A_60 = arith.cmpi ne, %convert_element_type3A_58, %cond3A_59 : i32
        scf.if %cond3A_60 {
          %add3A_63 = arith.constant 1 : i32
          %add3A_64 = arith.addi %add3A_47, %add3A_63 : i32
          %mul3A_65 = arith.constant 128 : i32
          %mul3A_66 = arith.muli %add3A_64, %mul3A_65 : i32
          %add3A_67 = arith.addi %mul3A_18, %mul3A_66 : i32
          "tpu.region"() ({
            %run_scoped3A = tpu.sem_alloc : memref<!tpu.dma_semaphore, #tpu.memory_space<semaphore_mem>>
            %dma_start3A_71 = tpu.memref_slice %arg2[%add3A_67] : memref<323584xi32, #tpu.memory_space<hbm>> -> memref<128xi32, #tpu.memory_space<hbm>>
            %dma_start3A_72 = tpu.memref_slice %arg2[%add3A_67] : memref<323584xi32, #tpu.memory_space<hbm>> -> memref<128xi32, #tpu.memory_space<hbm>>
            tpu.enqueue_dma source(%dma_start3A_72 : memref<128xi32, #tpu.memory_space<hbm>>) target(%arg6 : memref<128xi32, #tpu.memory_space<vmem>>) target_semaphore(%run_scoped3A : memref<!tpu.dma_semaphore, #tpu.memory_space<semaphore_mem>>)
            %dma_wait3A_73 = tpu.memref_slice %arg2[%add3A_67] : memref<323584xi32, #tpu.memory_space<hbm>> -> memref<128xi32, #tpu.memory_space<hbm>>
            %dma_wait3A_74 = tpu.memref_slice %arg2[%add3A_67] : memref<323584xi32, #tpu.memory_space<hbm>> -> memref<128xi32, #tpu.memory_space<hbm>>
            tpu.wait_dma2 semaphore(%run_scoped3A : memref<!tpu.dma_semaphore, #tpu.memory_space<semaphore_mem>>) src(%dma_wait3A_74 : memref<128xi32, #tpu.memory_space<hbm>>) dst(%arg6 : memref<128xi32, #tpu.memory_space<vmem>>)
            tpu.yield
          }) : () -> ()
          "tpu.region"() ({
            %run_scoped3A = tpu.sem_alloc : memref<!tpu.dma_semaphore, #tpu.memory_space<semaphore_mem>>
            %dma_start3A_71 = tpu.memref_slice %arg3[%add3A_67] : memref<323584xi32, #tpu.memory_space<hbm>> -> memref<128xi32, #tpu.memory_space<hbm>>
            %dma_start3A_72 = tpu.memref_slice %arg3[%add3A_67] : memref<323584xi32, #tpu.memory_space<hbm>> -> memref<128xi32, #tpu.memory_space<hbm>>
            tpu.enqueue_dma source(%dma_start3A_72 : memref<128xi32, #tpu.memory_space<hbm>>) target(%arg8 : memref<128xi32, #tpu.memory_space<vmem>>) target_semaphore(%run_scoped3A : memref<!tpu.dma_semaphore, #tpu.memory_space<semaphore_mem>>)
            %dma_wait3A_73 = tpu.memref_slice %arg3[%add3A_67] : memref<323584xi32, #tpu.memory_space<hbm>> -> memref<128xi32, #tpu.memory_space<hbm>>
            %dma_wait3A_74 = tpu.memref_slice %arg3[%add3A_67] : memref<323584xi32, #tpu.memory_space<hbm>> -> memref<128xi32, #tpu.memory_space<hbm>>
            tpu.wait_dma2 semaphore(%run_scoped3A : memref<!tpu.dma_semaphore, #tpu.memory_space<semaphore_mem>>) src(%dma_wait3A_74 : memref<128xi32, #tpu.memory_space<hbm>>) dst(%arg8 : memref<128xi32, #tpu.memory_space<vmem>>)
            tpu.yield
          }) : () -> ()
          %dma_start3A_68 = arith.constant 0 : i32
          %dma_start3A_69 = arith.constant 0 : i32
          %dma_start3A_70 = tpu.memref_slice %arg4[%dma_start3A_68, %dma_start3A_69] : memref<10240x128xf32, #tpu.memory_space<hbm>> -> memref<10240x128xf32, #tpu.memory_space<hbm>>
          tpu.enqueue_indirect_dma source(%dma_start3A_70 : memref<10240x128xf32, #tpu.memory_space<hbm>>) target(%arg10 : memref<128x128xf32, #tpu.memory_space<vmem>>) offsets(%arg6 : memref<128xi32, #tpu.memory_space<vmem>>) semaphore(%arg13 : memref<!tpu.dma_semaphore, #tpu.memory_space<semaphore_mem>>)
        } else {
        }
        %dma_wait3A = arith.constant 0 : i32
        %dma_wait3A_61 = arith.constant 0 : i32
        %dma_wait3A_62 = tpu.memref_slice %arg4[%dma_wait3A, %dma_wait3A_61] : memref<10240x128xf32, #tpu.memory_space<hbm>> -> memref<10240x128xf32, #tpu.memory_space<hbm>>
        tpu.wait_indirect_dma semaphore(%arg14 : memref<!tpu.dma_semaphore, #tpu.memory_space<semaphore_mem>>) src(%dma_wait3A_62 : memref<10240x128xf32, #tpu.memory_space<hbm>>) dst(%arg11 : memref<128x128xf32, #tpu.memory_space<vmem>>)
        "tpu.region"() ({
          %run_scoped3A = tpu.sem_alloc : memref<!tpu.dma_semaphore, #tpu.memory_space<semaphore_mem>>
          %dma_start3A_63 = arith.constant 0 : i32
          %dma_start3A_64 = arith.constant 0 : i32
          %dma_start3A_65 = tpu.memref_slice %arg12[%dma_start3A_63, %dma_start3A_64] : memref<10240x128xf32, #tpu.memory_space<vmem_shared>> -> memref<10240x128xf32, #tpu.memory_space<vmem_shared>>
          tpu.enqueue_indirect_dma source(%arg11 : memref<128x128xf32, #tpu.memory_space<vmem>>) target(%dma_start3A_65 : memref<10240x128xf32, #tpu.memory_space<vmem_shared>>) offsets(%arg9 : memref<128xi32, #tpu.memory_space<vmem>>) semaphore(%run_scoped3A : memref<!tpu.dma_semaphore, #tpu.memory_space<semaphore_mem>>) {add = true}
          %dma_wait3A_66 = arith.constant 0 : i32
          %dma_wait3A_67 = arith.constant 0 : i32
          %dma_wait3A_68 = tpu.memref_slice %arg12[%dma_wait3A_66, %dma_wait3A_67] : memref<10240x128xf32, #tpu.memory_space<vmem_shared>> -> memref<10240x128xf32, #tpu.memory_space<vmem_shared>>
          tpu.wait_indirect_dma semaphore(%run_scoped3A : memref<!tpu.dma_semaphore, #tpu.memory_space<semaphore_mem>>) src(%arg11 : memref<128x128xf32, #tpu.memory_space<vmem>>) dst(%dma_wait3A_68 : memref<10240x128xf32, #tpu.memory_space<vmem_shared>>)
          tpu.yield
        }) : () -> ()
      } else {
      }
      %scan3A_53 = arith.constant 0 : i32
      scf.yield %scan3A_53 : i32
    }
    %scan3A_27 = arith.constant 40 : i32
    %barrier3A_28 = arith.constant 0 : index
    tpu.barrier barrier_id(%barrier3A_28)
    %scan3A_29 = arith.constant 0 : i32
    %scan3A_30 = arith.constant 0 : i32
    %scan3A_31 = arith.constant 20 : i32
    %scan3A_32 = arith.addi %scan3A_30, %scan3A_31 : i32
    %scan3A_33 = arith.constant 1 : i32
    %scan3A_34 = scf.for %scan3A_36 = %scan3A_30 to %scan3A_32 step %scan3A_33 iter_args(%scan3A_37 = %scan3A_29) -> (i32)  : i32 {
      %mul3A_38 = arith.constant 32 : i32
      %mul3A_39 = arith.muli %scan3A_36, %mul3A_38 : i32
      %add3A_40 = arith.addi %mul3A_1, %mul3A_39 : i32
      "tpu.region"() ({
        %run_scoped3A = tpu.sem_alloc : memref<!tpu.dma_semaphore, #tpu.memory_space<semaphore_mem>>
        %dma_start3A_42 = arith.constant 0 : i32
        %dma_start3A_43 = arith.constant 0 : i32
        %dma_start3A_44 = tpu.memref_slice %arg10[%dma_start3A_42, %dma_start3A_43] : memref<128x128xf32, #tpu.memory_space<vmem>> -> memref<32x128xf32, #tpu.memory_space<vmem>>
        %dma_start3A_45 = arith.constant 0 : i32
        %dma_start3A_46 = tpu.memref_slice %arg12[%add3A_40, %dma_start3A_45] : memref<10240x128xf32, #tpu.memory_space<vmem_shared>> -> memref<32x128xf32, #tpu.memory_space<vmem_shared>>
        %dma_start3A_47 = arith.constant 0 : i32
        %dma_start3A_48 = arith.constant 0 : i32
        %dma_start3A_49 = tpu.memref_slice %arg10[%dma_start3A_47, %dma_start3A_48] : memref<128x128xf32, #tpu.memory_space<vmem>> -> memref<32x128xf32, #tpu.memory_space<vmem>>
        %dma_start3A_50 = arith.constant 0 : i32
        %dma_start3A_51 = tpu.memref_slice %arg12[%add3A_40, %dma_start3A_50] : memref<10240x128xf32, #tpu.memory_space<vmem_shared>> -> memref<32x128xf32, #tpu.memory_space<vmem_shared>>
        tpu.enqueue_dma source(%dma_start3A_51 : memref<32x128xf32, #tpu.memory_space<vmem_shared>>) target(%dma_start3A_49 : memref<32x128xf32, #tpu.memory_space<vmem>>) target_semaphore(%run_scoped3A : memref<!tpu.dma_semaphore, #tpu.memory_space<semaphore_mem>>)
        %dma_wait3A = arith.constant 0 : i32
        %dma_wait3A_52 = arith.constant 0 : i32
        %dma_wait3A_53 = tpu.memref_slice %arg10[%dma_wait3A, %dma_wait3A_52] : memref<128x128xf32, #tpu.memory_space<vmem>> -> memref<32x128xf32, #tpu.memory_space<vmem>>
        %dma_wait3A_54 = arith.constant 0 : i32
        %dma_wait3A_55 = tpu.memref_slice %arg12[%add3A_40, %dma_wait3A_54] : memref<10240x128xf32, #tpu.memory_space<vmem_shared>> -> memref<32x128xf32, #tpu.memory_space<vmem_shared>>
        %dma_wait3A_56 = arith.constant 0 : i32
        %dma_wait3A_57 = arith.constant 0 : i32
        %dma_wait3A_58 = tpu.memref_slice %arg10[%dma_wait3A_56, %dma_wait3A_57] : memref<128x128xf32, #tpu.memory_space<vmem>> -> memref<32x128xf32, #tpu.memory_space<vmem>>
        %dma_wait3A_59 = arith.constant 0 : i32
        %dma_wait3A_60 = tpu.memref_slice %arg12[%add3A_40, %dma_wait3A_59] : memref<10240x128xf32, #tpu.memory_space<vmem_shared>> -> memref<32x128xf32, #tpu.memory_space<vmem_shared>>
        tpu.wait_dma2 semaphore(%run_scoped3A : memref<!tpu.dma_semaphore, #tpu.memory_space<semaphore_mem>>) src(%dma_wait3A_60 : memref<32x128xf32, #tpu.memory_space<vmem_shared>>) dst(%dma_wait3A_58 : memref<32x128xf32, #tpu.memory_space<vmem>>)
        tpu.yield
      }) : () -> ()
      "tpu.region"() ({
        %run_scoped3A = tpu.sem_alloc : memref<!tpu.dma_semaphore, #tpu.memory_space<semaphore_mem>>
        %dma_start3A_42 = arith.constant 0 : i32
        %dma_start3A_43 = arith.constant 0 : i32
        %dma_start3A_44 = tpu.memref_slice %arg10[%dma_start3A_42, %dma_start3A_43] : memref<128x128xf32, #tpu.memory_space<vmem>> -> memref<32x128xf32, #tpu.memory_space<vmem>>
        %dma_start3A_45 = arith.constant 0 : i32
        %dma_start3A_46 = tpu.memref_slice %arg5[%arg0, %add3A_40, %dma_start3A_45] : memref<2x10240x128xf32, #tpu.memory_space<hbm>> -> memref<1x32x128xf32, #tpu.memory_space<hbm>>
        %dma_start3A_47 = tpu.memref_squeeze %dma_start3A_46 : memref<1x32x128xf32, #tpu.memory_space<hbm>> -> memref<32x128xf32, #tpu.memory_space<hbm>>
        %dma_start3A_48 = arith.constant 0 : i32
        %dma_start3A_49 = tpu.memref_slice %arg5[%arg0, %add3A_40, %dma_start3A_48] : memref<2x10240x128xf32, #tpu.memory_space<hbm>> -> memref<1x32x128xf32, #tpu.memory_space<hbm>>
        %dma_start3A_50 = tpu.memref_squeeze %dma_start3A_49 : memref<1x32x128xf32, #tpu.memory_space<hbm>> -> memref<32x128xf32, #tpu.memory_space<hbm>>
        %dma_start3A_51 = arith.constant 0 : i32
        %dma_start3A_52 = arith.constant 0 : i32
        %dma_start3A_53 = tpu.memref_slice %arg10[%dma_start3A_51, %dma_start3A_52] : memref<128x128xf32, #tpu.memory_space<vmem>> -> memref<32x128xf32, #tpu.memory_space<vmem>>
        tpu.enqueue_dma source(%dma_start3A_53 : memref<32x128xf32, #tpu.memory_space<vmem>>) target(%dma_start3A_50 : memref<32x128xf32, #tpu.memory_space<hbm>>) target_semaphore(%run_scoped3A : memref<!tpu.dma_semaphore, #tpu.memory_space<semaphore_mem>>)
        %dma_wait3A = arith.constant 0 : i32
        %dma_wait3A_54 = arith.constant 0 : i32
        %dma_wait3A_55 = tpu.memref_slice %arg10[%dma_wait3A, %dma_wait3A_54] : memref<128x128xf32, #tpu.memory_space<vmem>> -> memref<32x128xf32, #tpu.memory_space<vmem>>
        %dma_wait3A_56 = arith.constant 0 : i32
        %dma_wait3A_57 = tpu.memref_slice %arg5[%arg0, %add3A_40, %dma_wait3A_56] : memref<2x10240x128xf32, #tpu.memory_space<hbm>> -> memref<1x32x128xf32, #tpu.memory_space<hbm>>
        %dma_wait3A_58 = tpu.memref_squeeze %dma_wait3A_57 : memref<1x32x128xf32, #tpu.memory_space<hbm>> -> memref<32x128xf32, #tpu.memory_space<hbm>>
        %dma_wait3A_59 = arith.constant 0 : i32
        %dma_wait3A_60 = tpu.memref_slice %arg5[%arg0, %add3A_40, %dma_wait3A_59] : memref<2x10240x128xf32, #tpu.memory_space<hbm>> -> memref<1x32x128xf32, #tpu.memory_space<hbm>>
        %dma_wait3A_61 = tpu.memref_squeeze %dma_wait3A_60 : memref<1x32x128xf32, #tpu.memory_space<hbm>> -> memref<32x128xf32, #tpu.memory_space<hbm>>
        %dma_wait3A_62 = arith.constant 0 : i32
        %dma_wait3A_63 = arith.constant 0 : i32
        %dma_wait3A_64 = tpu.memref_slice %arg10[%dma_wait3A_62, %dma_wait3A_63] : memref<128x128xf32, #tpu.memory_space<vmem>> -> memref<32x128xf32, #tpu.memory_space<vmem>>
        tpu.wait_dma2 semaphore(%run_scoped3A : memref<!tpu.dma_semaphore, #tpu.memory_space<semaphore_mem>>) src(%dma_wait3A_64 : memref<32x128xf32, #tpu.memory_space<vmem>>) dst(%dma_wait3A_61 : memref<32x128xf32, #tpu.memory_space<hbm>>)
        tpu.yield
      }) : () -> ()
      %scan3A_41 = arith.constant 0 : i32
      scf.yield %scan3A_41 : i32
    }
    %scan3A_35 = arith.constant 20 : i32
    return
  }
}

module attributes {stable_mosaic.version = 14 : i64} {
  func.func @_mm1_body(%arg0: i32, %arg1: memref<512x128xf32, #tpu.memory_space<vmem>>, %arg2: memref<128x128xf32, #tpu.memory_space<vmem>>, %arg3: memref<512x128xf32, #tpu.memory_space<vmem>>) attributes {dimension_semantics = [#tpu.dimension_semantics<arbitrary>], iteration_bounds = array<i64: 20>, scalar_prefetch = 0 : i64, scratch_operands = 0 : i64, tpu.core_type = #tpu.core_type<tc>, window_params = [{transform_indices = @transform_0, window_bounds = array<i64: 512, 128>}, {pipeline_mode = #tpu.pipeline_mode<synchronous>, transform_indices = @transform_1, window_bounds = array<i64: 128, 128>}, {transform_indices = @transform_2, window_bounds = array<i64: 512, 128>}]} {
    %get3A = arith.constant 0 : index
    %get3A_0 = arith.constant 0 : index
    %get3A_1 = vector.load %arg1[%get3A, %get3A_0] : memref<512x128xf32, #tpu.memory_space<vmem>>, vector<512x128xf32>
    %get3A_2 = arith.constant 0 : index
    %get3A_3 = arith.constant 0 : index
    %get3A_4 = vector.load %arg2[%get3A_2, %get3A_3] : memref<128x128xf32, #tpu.memory_space<vmem>>, vector<128x128xf32>
    %dot_general3A = arith.constant dense<0.000000e+00> : vector<512x128xf32>
    %dot_general3A_5 = tpu.matmul %get3A_1, %get3A_4, %dot_general3A {dimension_numbers = #tpu.dot_dimension_numbers<[1], [0], [0], [1], [0, 0, 1, 1], [], []>, transpose_lhs_hint = false} : vector<512x128xf32>, vector<128x128xf32>, vector<512x128xf32> -> vector<512x128xf32>
    %swap3A = arith.constant 0 : index
    %swap3A_6 = arith.constant 0 : index
    %swap3A_7 = vector.load %arg3[%swap3A, %swap3A_6] : memref<512x128xf32, #tpu.memory_space<vmem>>, vector<512x128xf32>
    tpu.vector_store %arg3[%swap3A, %swap3A_6], %dot_general3A_5 {strides = array<i32>} : memref<512x128xf32, #tpu.memory_space<vmem>>, vector<512x128xf32>,
    return
  }
  func.func @transform_0(%arg0: i32) -> (i32, i32) {
    %c0_i32 = arith.constant 0 : i32
    %c0_i32_0 = arith.constant 0 : i32
    return %arg0, %c0_i32 : i32, i32
  }
  func.func @transform_1(%arg0: i32) -> (i32, i32) {
    %c0_i32 = arith.constant 0 : i32
    %c0_i32_0 = arith.constant 0 : i32
    %c0_i32_1 = arith.constant 0 : i32
    return %c0_i32, %c0_i32_0 : i32, i32
  }
  func.func @transform_2(%arg0: i32) -> (i32, i32) {
    %c0_i32 = arith.constant 0 : i32
    %c0_i32_0 = arith.constant 0 : i32
    return %arg0, %c0_i32 : i32, i32
  }
}

module attributes {stable_mosaic.version = 14 : i64} {
  func.func @_fused_body(%arg0: i32, %arg1: memref<2x512x128xf32, #tpu.memory_space<vmem>>, %arg2: memref<2x64x128xf32, #tpu.memory_space<vmem>>, %arg3: memref<8x128xf32, #tpu.memory_space<vmem>>, %arg4: memref<128x128xf32, #tpu.memory_space<vmem>>, %arg5: memref<512x128xf32, #tpu.memory_space<vmem>>) attributes {dimension_semantics = [#tpu.dimension_semantics<arbitrary>], iteration_bounds = array<i64: 20>, scalar_prefetch = 0 : i64, scratch_operands = 0 : i64, tpu.core_type = #tpu.core_type<tc>, window_params = [{transform_indices = @transform_0, window_bounds = array<i64: 2, 512, 128>}, {transform_indices = @transform_1, window_bounds = array<i64: 2, 64, 128>}, {pipeline_mode = #tpu.pipeline_mode<synchronous>, transform_indices = @transform_2, window_bounds = array<i64: 8, 128>}, {pipeline_mode = #tpu.pipeline_mode<synchronous>, transform_indices = @transform_3, window_bounds = array<i64: 128, 128>}, {transform_indices = @transform_4, window_bounds = array<i64: 512, 128>}]} {
    %get3A = arith.constant 0 : index
    %get3A_0 = arith.constant 0 : index
    %get3A_1 = arith.constant 0 : index
    %get3A_2 = vector.load %arg1[%get3A, %get3A_0, %get3A_1] : memref<2x512x128xf32, #tpu.memory_space<vmem>>, vector<2x512x128xf32>
    %get3A_3 = arith.constant 0 : index
    %get3A_4 = arith.constant 0 : index
    %get3A_5 = arith.constant 0 : index
    %get3A_6 = vector.load %arg2[%get3A_3, %get3A_4, %get3A_5] : memref<2x64x128xf32, #tpu.memory_space<vmem>>, vector<2x64x128xf32>
    %slice3A = vector.extract_strided_slice %get3A_6 {offsets = [0, 0, 0], sizes = [1, 64, 128], strides = [1, 1, 1]} : vector<2x64x128xf32> to vector<1x64x128xf32>
    %squeeze3A = vector.shape_cast %slice3A : vector<1x64x128xf32> to vector<64x128xf32>
    %slice3A_7 = vector.extract_strided_slice %get3A_6 {offsets = [1, 0, 0], sizes = [1, 64, 128], strides = [1, 1, 1]} : vector<2x64x128xf32> to vector<1x64x128xf32>
    %squeeze3A_8 = vector.shape_cast %slice3A_7 : vector<1x64x128xf32> to vector<64x128xf32>
    %add3A = arith.addf %squeeze3A, %squeeze3A_8 : vector<64x128xf32>
    %iota3A = tpu.iota {dimensions = array<i32: 0>} : vector<128x8xi32>
    %iota3A_9 = tpu.iota {dimensions = array<i32: 1>} : vector<128x8xi32>
    %jit3A = arith.constant 16 : i32
    %div3A = vector.broadcast %jit3A : i32 to vector<128x8xi32>
    %div3A_10 = arith.divsi %iota3A, %div3A : vector<128x8xi32>
    %sign3A = arith.constant 0 : i32
    %sign3A_11 = vector.broadcast %sign3A : i32 to vector<128x8xi32>
    %sign3A_12 = arith.cmpi sgt, %iota3A, %sign3A_11 : vector<128x8xi32>
    %sign3A_13 = arith.extui %sign3A_12 : vector<128x8xi1> to vector<128x8xi32>
    %sign3A_14 = arith.constant 0 : i32
    %sign3A_15 = vector.broadcast %sign3A_14 : i32 to vector<128x8xi32>
    %sign3A_16 = arith.cmpi slt, %iota3A, %sign3A_15 : vector<128x8xi32>
    %sign3A_17 = arith.extui %sign3A_16 : vector<128x8xi1> to vector<128x8xi32>
    %sign3A_18 = arith.subi %sign3A_13, %sign3A_17 : vector<128x8xi32>
    %sign3A_19 = arith.constant 0 : i32
    %sign3A_20 = arith.cmpi sgt, %jit3A, %sign3A_19 : i32
    %sign3A_21 = arith.extui %sign3A_20 : i1 to i32
    %sign3A_22 = arith.constant 0 : i32
    %sign3A_23 = arith.cmpi slt, %jit3A, %sign3A_22 : i32
    %sign3A_24 = arith.extui %sign3A_23 : i1 to i32
    %sign3A_25 = arith.subi %sign3A_21, %sign3A_24 : i32
    %ne3A = vector.broadcast %sign3A_25 : i32 to vector<128x8xi32>
    %ne3A_26 = arith.cmpi ne, %sign3A_18, %ne3A : vector<128x8xi32>
    %rem3A = vector.broadcast %jit3A : i32 to vector<128x8xi32>
    %rem3A_27 = arith.remsi %iota3A, %rem3A : vector<128x8xi32>
    %ne3A_28 = arith.constant 0 : i32
    %ne3A_29 = vector.broadcast %ne3A_28 : i32 to vector<128x8xi32>
    %ne3A_30 = arith.cmpi ne, %rem3A_27, %ne3A_29 : vector<128x8xi32>
    %and3A = arith.andi %ne3A_26, %ne3A_30 : vector<128x8xi1>
    %sub3A = arith.constant 1 : i32
    %sub3A_31 = vector.broadcast %sub3A : i32 to vector<128x8xi32>
    %sub3A_32 = arith.subi %div3A_10, %sub3A_31 : vector<128x8xi32>
    %select_n3A = arith.select %and3A, %sub3A_32, %div3A_10 : vector<128x8xi1>, vector<128x8xi32>
    %eq3A = arith.cmpi eq, %select_n3A, %iota3A_9 : vector<128x8xi32>
    %jit3A_33 = arith.constant 6.250000e-02 : f32
    %jit3A_34 = arith.constant 0.000000e+00 : f32
    %broadcast_in_dim3A = vector.broadcast %jit3A_33 : f32 to vector<128x8xf32>
    %broadcast_in_dim3A_35 = vector.broadcast %jit3A_34 : f32 to vector<128x8xf32>
    %select_n3A_36 = arith.select %eq3A, %broadcast_in_dim3A, %broadcast_in_dim3A_35 : vector<128x8xi1>, vector<128x8xf32>
    %dot_general3A = arith.constant dense<0.000000e+00> : vector<64x8xf32>
    %dot_general3A_37 = tpu.matmul %add3A, %select_n3A_36, %dot_general3A {dimension_numbers = #tpu.dot_dimension_numbers<[1], [0], [0], [1], [0, 0, 1, 1], [], []>, transpose_lhs_hint = false} : vector<64x128xf32>, vector<128x8xf32>, vector<64x8xf32> -> vector<64x8xf32>
    %iota3A_38 = tpu.iota {dimensions = array<i32: 0>} : vector<512x64xi32>
    %iota3A_39 = tpu.iota {dimensions = array<i32: 1>} : vector<512x64xi32>
    %jit3A_40 = arith.constant 8 : i32
    %div3A_41 = vector.broadcast %jit3A_40 : i32 to vector<512x64xi32>
    %div3A_42 = arith.divsi %iota3A_38, %div3A_41 : vector<512x64xi32>
    %sign3A_43 = arith.constant 0 : i32
    %sign3A_44 = vector.broadcast %sign3A_43 : i32 to vector<512x64xi32>
    %sign3A_45 = arith.cmpi sgt, %iota3A_38, %sign3A_44 : vector<512x64xi32>
    %sign3A_46 = arith.extui %sign3A_45 : vector<512x64xi1> to vector<512x64xi32>
    %sign3A_47 = arith.constant 0 : i32
    %sign3A_48 = vector.broadcast %sign3A_47 : i32 to vector<512x64xi32>
    %sign3A_49 = arith.cmpi slt, %iota3A_38, %sign3A_48 : vector<512x64xi32>
    %sign3A_50 = arith.extui %sign3A_49 : vector<512x64xi1> to vector<512x64xi32>
    %sign3A_51 = arith.subi %sign3A_46, %sign3A_50 : vector<512x64xi32>
    %sign3A_52 = arith.constant 0 : i32
    %sign3A_53 = arith.cmpi sgt, %jit3A_40, %sign3A_52 : i32
    %sign3A_54 = arith.extui %sign3A_53 : i1 to i32
    %sign3A_55 = arith.constant 0 : i32
    %sign3A_56 = arith.cmpi slt, %jit3A_40, %sign3A_55 : i32
    %sign3A_57 = arith.extui %sign3A_56 : i1 to i32
    %sign3A_58 = arith.subi %sign3A_54, %sign3A_57 : i32
    %ne3A_59 = vector.broadcast %sign3A_58 : i32 to vector<512x64xi32>
    %ne3A_60 = arith.cmpi ne, %sign3A_51, %ne3A_59 : vector<512x64xi32>
    %rem3A_61 = vector.broadcast %jit3A_40 : i32 to vector<512x64xi32>
    %rem3A_62 = arith.remsi %iota3A_38, %rem3A_61 : vector<512x64xi32>
    %ne3A_63 = arith.constant 0 : i32
    %ne3A_64 = vector.broadcast %ne3A_63 : i32 to vector<512x64xi32>
    %ne3A_65 = arith.cmpi ne, %rem3A_62, %ne3A_64 : vector<512x64xi32>
    %and3A_66 = arith.andi %ne3A_60, %ne3A_65 : vector<512x64xi1>
    %sub3A_67 = arith.constant 1 : i32
    %sub3A_68 = vector.broadcast %sub3A_67 : i32 to vector<512x64xi32>
    %sub3A_69 = arith.subi %div3A_42, %sub3A_68 : vector<512x64xi32>
    %select_n3A_70 = arith.select %and3A_66, %sub3A_69, %div3A_42 : vector<512x64xi1>, vector<512x64xi32>
    %eq3A_71 = arith.cmpi eq, %select_n3A_70, %iota3A_39 : vector<512x64xi32>
    %jit3A_72 = arith.constant 1.000000e+00 : f32
    %jit3A_73 = arith.constant 0.000000e+00 : f32
    %broadcast_in_dim3A_74 = vector.broadcast %jit3A_72 : f32 to vector<512x64xf32>
    %broadcast_in_dim3A_75 = vector.broadcast %jit3A_73 : f32 to vector<512x64xf32>
    %select_n3A_76 = arith.select %eq3A_71, %broadcast_in_dim3A_74, %broadcast_in_dim3A_75 : vector<512x64xi1>, vector<512x64xf32>
    %dot_general3A_77 = arith.constant dense<0.000000e+00> : vector<512x8xf32>
    %dot_general3A_78 = tpu.matmul %select_n3A_76, %dot_general3A_37, %dot_general3A_77 {dimension_numbers = #tpu.dot_dimension_numbers<[1], [0], [0], [1], [0, 0, 1, 1], [], []>, transpose_lhs_hint = false} : vector<512x64xf32>, vector<64x8xf32>, vector<512x8xf32> -> vector<512x8xf32>
    %iota3A_79 = tpu.iota {dimensions = array<i32: 0>} : vector<512x8xi32>
    %iota3A_80 = tpu.iota {dimensions = array<i32: 1>} : vector<512x8xi32>
    %jit3A_81 = arith.constant 8 : i32
    %eq3A_82 = arith.constant 0 : i32
    %eq3A_83 = arith.cmpi eq, %jit3A_81, %eq3A_82 : i32
    %jit3A_84 = arith.constant 1 : i32
    %select_n3A_85 = arith.select %eq3A_83, %jit3A_84, %jit3A_81 : i32
    %rem3A_86 = vector.broadcast %select_n3A_85 : i32 to vector<512x8xi32>
    %rem3A_87 = arith.remsi %iota3A_79, %rem3A_86 : vector<512x8xi32>
    %ne3A_88 = arith.constant 0 : i32
    %ne3A_89 = vector.broadcast %ne3A_88 : i32 to vector<512x8xi32>
    %ne3A_90 = arith.cmpi ne, %rem3A_87, %ne3A_89 : vector<512x8xi32>
    %lt3A = arith.constant 0 : i32
    %lt3A_91 = vector.broadcast %lt3A : i32 to vector<512x8xi32>
    %lt3A_92 = arith.cmpi slt, %rem3A_87, %lt3A_91 : vector<512x8xi32>
    %lt3A_93 = arith.constant 0 : i32
    %lt3A_94 = arith.cmpi slt, %select_n3A_85, %lt3A_93 : i32
    %ne3A_95 = vector.broadcast %lt3A_94 : i1 to vector<512x8xi1>
    %ne3A_96 = vector.broadcast %ne3A_95 : vector<512x8xi1> to vector<512x8xi1>
    %ne3A_97 = arith.xori %lt3A_92, %ne3A_96 : vector<512x8xi1>
    %and3A_98 = arith.andi %ne3A_97, %ne3A_90 : vector<512x8xi1>
    %add3A_99 = vector.broadcast %select_n3A_85 : i32 to vector<512x8xi32>
    %add3A_100 = arith.addi %rem3A_87, %add3A_99 : vector<512x8xi32>
    %select_n3A_101 = arith.select %and3A_98, %add3A_100, %rem3A_87 : vector<512x8xi1>, vector<512x8xi32>
    %eq3A_102 = arith.cmpi eq, %select_n3A_101, %iota3A_80 : vector<512x8xi32>
    %jit3A_103 = arith.constant 1.000000e+00 : f32
    %jit3A_104 = arith.constant 0.000000e+00 : f32
    %broadcast_in_dim3A_105 = vector.broadcast %jit3A_103 : f32 to vector<512x8xf32>
    %broadcast_in_dim3A_106 = vector.broadcast %jit3A_104 : f32 to vector<512x8xf32>
    %select_n3A_107 = arith.select %eq3A_102, %broadcast_in_dim3A_105, %broadcast_in_dim3A_106 : vector<512x8xi1>, vector<512x8xf32>
    %mul3A = arith.mulf %dot_general3A_78, %select_n3A_107 : vector<512x8xf32>
    %reduce_sum3A = arith.constant dense<0.000000e+00> : vector<512xf32>
    %reduce_sum3A_108 = vector.multi_reduction <add>, %mul3A, %reduce_sum3A [1] : vector<512x8xf32> to vector<512xf32>
    %broadcast_in_dim3A_109 = vector.shape_cast %reduce_sum3A_108 : vector<512xf32> to vector<512x1xf32>
    %max3A = arith.constant 1.000000e+00 : f32
    %max3A_110 = vector.broadcast %max3A : f32 to vector<512x1xf32>
    %max3A_111 = arith.maximumf %broadcast_in_dim3A_109, %max3A_110 : vector<512x1xf32>
    %div3A_112 = arith.constant 1.000000e+00 : f32
    %div3A_113 = vector.broadcast %div3A_112 : f32 to vector<512x1xf32>
    %div3A_114 = arith.divf %div3A_113, %max3A_111 : vector<512x1xf32>
    %slice3A_115 = vector.extract_strided_slice %get3A_2 {offsets = [0, 0, 0], sizes = [1, 512, 128], strides = [1, 1, 1]} : vector<2x512x128xf32> to vector<1x512x128xf32>
    %squeeze3A_116 = vector.shape_cast %slice3A_115 : vector<1x512x128xf32> to vector<512x128xf32>
    %slice3A_117 = vector.extract_strided_slice %get3A_2 {offsets = [1, 0, 0], sizes = [1, 512, 128], strides = [1, 1, 1]} : vector<2x512x128xf32> to vector<1x512x128xf32>
    %squeeze3A_118 = vector.shape_cast %slice3A_117 : vector<1x512x128xf32> to vector<512x128xf32>
    %add3A_119 = arith.addf %squeeze3A_116, %squeeze3A_118 : vector<512x128xf32>
    %mul3A_120 = vector.broadcast %div3A_114 : vector<512x1xf32> to vector<512x128xf32>
    %mul3A_121 = arith.mulf %add3A_119, %mul3A_120 : vector<512x128xf32>
    %get3A_122 = arith.constant 0 : index
    %get3A_123 = arith.constant 0 : index
    %get3A_124 = vector.load %arg3[%get3A_122, %get3A_123] : memref<8x128xf32, #tpu.memory_space<vmem>>, vector<1x128xf32>
    %add3A_125 = vector.broadcast %get3A_124 : vector<1x128xf32> to vector<512x128xf32>
    %add3A_126 = arith.addf %mul3A_121, %add3A_125 : vector<512x128xf32>
    %max3A_127 = arith.constant 0.000000e+00 : f32
    %max3A_128 = vector.broadcast %max3A_127 : f32 to vector<512x128xf32>
    %max3A_129 = arith.maximumf %add3A_126, %max3A_128 : vector<512x128xf32>
    %get3A_130 = arith.constant 0 : index
    %get3A_131 = arith.constant 0 : index
    %get3A_132 = vector.load %arg4[%get3A_130, %get3A_131] : memref<128x128xf32, #tpu.memory_space<vmem>>, vector<128x128xf32>
    %dot_general3A_133 = arith.constant dense<0.000000e+00> : vector<512x128xf32>
    %dot_general3A_134 = tpu.matmul %max3A_129, %get3A_132, %dot_general3A_133 {dimension_numbers = #tpu.dot_dimension_numbers<[1], [0], [0], [1], [0, 0, 1, 1], [], []>, transpose_lhs_hint = false} : vector<512x128xf32>, vector<128x128xf32>, vector<512x128xf32> -> vector<512x128xf32>
    %swap3A = arith.constant 0 : index
    %swap3A_135 = arith.constant 0 : index
    %swap3A_136 = vector.load %arg5[%swap3A, %swap3A_135] : memref<512x128xf32, #tpu.memory_space<vmem>>, vector<512x128xf32>
    tpu.vector_store %arg5[%swap3A, %swap3A_135], %dot_general3A_134 {strides = array<i32>} : memref<512x128xf32, #tpu.memory_space<vmem>>, vector<512x128xf32>,
    return
  }
  func.func @transform_0(%arg0: i32) -> (i32, i32, i32) {
    %c0_i32 = arith.constant 0 : i32
    %c0_i32_0 = arith.constant 0 : i32
    %c0_i32_1 = arith.constant 0 : i32
    return %c0_i32, %arg0, %c0_i32_0 : i32, i32, i32
  }
  func.func @transform_1(%arg0: i32) -> (i32, i32, i32) {
    %c0_i32 = arith.constant 0 : i32
    %c0_i32_0 = arith.constant 0 : i32
    %c0_i32_1 = arith.constant 0 : i32
    return %c0_i32, %arg0, %c0_i32_0 : i32, i32, i32
  }
  func.func @transform_2(%arg0: i32) -> (i32, i32) {
    %c0_i32 = arith.constant 0 : i32
    %c0_i32_0 = arith.constant 0 : i32
    %c0_i32_1 = arith.constant 0 : i32
    return %c0_i32, %c0_i32_0 : i32, i32
  }
  func.func @transform_3(%arg0: i32) -> (i32, i32) {
    %c0_i32 = arith.constant 0 : i32
    %c0_i32_0 = arith.constant 0 : i32
    %c0_i32_1 = arith.constant 0 : i32
    return %c0_i32, %c0_i32_0 : i32, i32
  }
  func.func @transform_4(%arg0: i32) -> (i32, i32) {
    %c0_i32 = arith.constant 0 : i32
    %c0_i32_0 = arith.constant 0 : i32
    return %arg0, %c0_i32 : i32, i32
  }
}

module attributes {stable_mosaic.version = 14 : i64} {
  func.func @_final_body(%arg0: i32, %arg1: memref<2x512x128xf32, #tpu.memory_space<vmem>>, %arg2: memref<2x64x128xf32, #tpu.memory_space<vmem>>, %arg3: memref<8x128xf32, #tpu.memory_space<vmem>>, %arg4: memref<512x128xf32, #tpu.memory_space<vmem>>) attributes {dimension_semantics = [#tpu.dimension_semantics<arbitrary>], iteration_bounds = array<i64: 20>, scalar_prefetch = 0 : i64, scratch_operands = 0 : i64, tpu.core_type = #tpu.core_type<tc>, window_params = [{transform_indices = @transform_0, window_bounds = array<i64: 2, 512, 128>}, {transform_indices = @transform_1, window_bounds = array<i64: 2, 64, 128>}, {pipeline_mode = #tpu.pipeline_mode<synchronous>, transform_indices = @transform_2, window_bounds = array<i64: 8, 128>}, {transform_indices = @transform_3, window_bounds = array<i64: 512, 128>}]} {
    %get3A = arith.constant 0 : index
    %get3A_0 = arith.constant 0 : index
    %get3A_1 = arith.constant 0 : index
    %get3A_2 = vector.load %arg1[%get3A, %get3A_0, %get3A_1] : memref<2x512x128xf32, #tpu.memory_space<vmem>>, vector<2x512x128xf32>
    %get3A_3 = arith.constant 0 : index
    %get3A_4 = arith.constant 0 : index
    %get3A_5 = arith.constant 0 : index
    %get3A_6 = vector.load %arg2[%get3A_3, %get3A_4, %get3A_5] : memref<2x64x128xf32, #tpu.memory_space<vmem>>, vector<2x64x128xf32>
    %slice3A = vector.extract_strided_slice %get3A_6 {offsets = [0, 0, 0], sizes = [1, 64, 128], strides = [1, 1, 1]} : vector<2x64x128xf32> to vector<1x64x128xf32>
    %squeeze3A = vector.shape_cast %slice3A : vector<1x64x128xf32> to vector<64x128xf32>
    %slice3A_7 = vector.extract_strided_slice %get3A_6 {offsets = [1, 0, 0], sizes = [1, 64, 128], strides = [1, 1, 1]} : vector<2x64x128xf32> to vector<1x64x128xf32>
    %squeeze3A_8 = vector.shape_cast %slice3A_7 : vector<1x64x128xf32> to vector<64x128xf32>
    %add3A = arith.addf %squeeze3A, %squeeze3A_8 : vector<64x128xf32>
    %iota3A = tpu.iota {dimensions = array<i32: 0>} : vector<128x8xi32>
    %iota3A_9 = tpu.iota {dimensions = array<i32: 1>} : vector<128x8xi32>
    %jit3A = arith.constant 16 : i32
    %div3A = vector.broadcast %jit3A : i32 to vector<128x8xi32>
    %div3A_10 = arith.divsi %iota3A, %div3A : vector<128x8xi32>
    %sign3A = arith.constant 0 : i32
    %sign3A_11 = vector.broadcast %sign3A : i32 to vector<128x8xi32>
    %sign3A_12 = arith.cmpi sgt, %iota3A, %sign3A_11 : vector<128x8xi32>
    %sign3A_13 = arith.extui %sign3A_12 : vector<128x8xi1> to vector<128x8xi32>
    %sign3A_14 = arith.constant 0 : i32
    %sign3A_15 = vector.broadcast %sign3A_14 : i32 to vector<128x8xi32>
    %sign3A_16 = arith.cmpi slt, %iota3A, %sign3A_15 : vector<128x8xi32>
    %sign3A_17 = arith.extui %sign3A_16 : vector<128x8xi1> to vector<128x8xi32>
    %sign3A_18 = arith.subi %sign3A_13, %sign3A_17 : vector<128x8xi32>
    %sign3A_19 = arith.constant 0 : i32
    %sign3A_20 = arith.cmpi sgt, %jit3A, %sign3A_19 : i32
    %sign3A_21 = arith.extui %sign3A_20 : i1 to i32
    %sign3A_22 = arith.constant 0 : i32
    %sign3A_23 = arith.cmpi slt, %jit3A, %sign3A_22 : i32
    %sign3A_24 = arith.extui %sign3A_23 : i1 to i32
    %sign3A_25 = arith.subi %sign3A_21, %sign3A_24 : i32
    %ne3A = vector.broadcast %sign3A_25 : i32 to vector<128x8xi32>
    %ne3A_26 = arith.cmpi ne, %sign3A_18, %ne3A : vector<128x8xi32>
    %rem3A = vector.broadcast %jit3A : i32 to vector<128x8xi32>
    %rem3A_27 = arith.remsi %iota3A, %rem3A : vector<128x8xi32>
    %ne3A_28 = arith.constant 0 : i32
    %ne3A_29 = vector.broadcast %ne3A_28 : i32 to vector<128x8xi32>
    %ne3A_30 = arith.cmpi ne, %rem3A_27, %ne3A_29 : vector<128x8xi32>
    %and3A = arith.andi %ne3A_26, %ne3A_30 : vector<128x8xi1>
    %sub3A = arith.constant 1 : i32
    %sub3A_31 = vector.broadcast %sub3A : i32 to vector<128x8xi32>
    %sub3A_32 = arith.subi %div3A_10, %sub3A_31 : vector<128x8xi32>
    %select_n3A = arith.select %and3A, %sub3A_32, %div3A_10 : vector<128x8xi1>, vector<128x8xi32>
    %eq3A = arith.cmpi eq, %select_n3A, %iota3A_9 : vector<128x8xi32>
    %jit3A_33 = arith.constant 6.250000e-02 : f32
    %jit3A_34 = arith.constant 0.000000e+00 : f32
    %broadcast_in_dim3A = vector.broadcast %jit3A_33 : f32 to vector<128x8xf32>
    %broadcast_in_dim3A_35 = vector.broadcast %jit3A_34 : f32 to vector<128x8xf32>
    %select_n3A_36 = arith.select %eq3A, %broadcast_in_dim3A, %broadcast_in_dim3A_35 : vector<128x8xi1>, vector<128x8xf32>
    %dot_general3A = arith.constant dense<0.000000e+00> : vector<64x8xf32>
    %dot_general3A_37 = tpu.matmul %add3A, %select_n3A_36, %dot_general3A {dimension_numbers = #tpu.dot_dimension_numbers<[1], [0], [0], [1], [0, 0, 1, 1], [], []>, transpose_lhs_hint = false} : vector<64x128xf32>, vector<128x8xf32>, vector<64x8xf32> -> vector<64x8xf32>
    %iota3A_38 = tpu.iota {dimensions = array<i32: 0>} : vector<512x64xi32>
    %iota3A_39 = tpu.iota {dimensions = array<i32: 1>} : vector<512x64xi32>
    %jit3A_40 = arith.constant 8 : i32
    %div3A_41 = vector.broadcast %jit3A_40 : i32 to vector<512x64xi32>
    %div3A_42 = arith.divsi %iota3A_38, %div3A_41 : vector<512x64xi32>
    %sign3A_43 = arith.constant 0 : i32
    %sign3A_44 = vector.broadcast %sign3A_43 : i32 to vector<512x64xi32>
    %sign3A_45 = arith.cmpi sgt, %iota3A_38, %sign3A_44 : vector<512x64xi32>
    %sign3A_46 = arith.extui %sign3A_45 : vector<512x64xi1> to vector<512x64xi32>
    %sign3A_47 = arith.constant 0 : i32
    %sign3A_48 = vector.broadcast %sign3A_47 : i32 to vector<512x64xi32>
    %sign3A_49 = arith.cmpi slt, %iota3A_38, %sign3A_48 : vector<512x64xi32>
    %sign3A_50 = arith.extui %sign3A_49 : vector<512x64xi1> to vector<512x64xi32>
    %sign3A_51 = arith.subi %sign3A_46, %sign3A_50 : vector<512x64xi32>
    %sign3A_52 = arith.constant 0 : i32
    %sign3A_53 = arith.cmpi sgt, %jit3A_40, %sign3A_52 : i32
    %sign3A_54 = arith.extui %sign3A_53 : i1 to i32
    %sign3A_55 = arith.constant 0 : i32
    %sign3A_56 = arith.cmpi slt, %jit3A_40, %sign3A_55 : i32
    %sign3A_57 = arith.extui %sign3A_56 : i1 to i32
    %sign3A_58 = arith.subi %sign3A_54, %sign3A_57 : i32
    %ne3A_59 = vector.broadcast %sign3A_58 : i32 to vector<512x64xi32>
    %ne3A_60 = arith.cmpi ne, %sign3A_51, %ne3A_59 : vector<512x64xi32>
    %rem3A_61 = vector.broadcast %jit3A_40 : i32 to vector<512x64xi32>
    %rem3A_62 = arith.remsi %iota3A_38, %rem3A_61 : vector<512x64xi32>
    %ne3A_63 = arith.constant 0 : i32
    %ne3A_64 = vector.broadcast %ne3A_63 : i32 to vector<512x64xi32>
    %ne3A_65 = arith.cmpi ne, %rem3A_62, %ne3A_64 : vector<512x64xi32>
    %and3A_66 = arith.andi %ne3A_60, %ne3A_65 : vector<512x64xi1>
    %sub3A_67 = arith.constant 1 : i32
    %sub3A_68 = vector.broadcast %sub3A_67 : i32 to vector<512x64xi32>
    %sub3A_69 = arith.subi %div3A_42, %sub3A_68 : vector<512x64xi32>
    %select_n3A_70 = arith.select %and3A_66, %sub3A_69, %div3A_42 : vector<512x64xi1>, vector<512x64xi32>
    %eq3A_71 = arith.cmpi eq, %select_n3A_70, %iota3A_39 : vector<512x64xi32>
    %jit3A_72 = arith.constant 1.000000e+00 : f32
    %jit3A_73 = arith.constant 0.000000e+00 : f32
    %broadcast_in_dim3A_74 = vector.broadcast %jit3A_72 : f32 to vector<512x64xf32>
    %broadcast_in_dim3A_75 = vector.broadcast %jit3A_73 : f32 to vector<512x64xf32>
    %select_n3A_76 = arith.select %eq3A_71, %broadcast_in_dim3A_74, %broadcast_in_dim3A_75 : vector<512x64xi1>, vector<512x64xf32>
    %dot_general3A_77 = arith.constant dense<0.000000e+00> : vector<512x8xf32>
    %dot_general3A_78 = tpu.matmul %select_n3A_76, %dot_general3A_37, %dot_general3A_77 {dimension_numbers = #tpu.dot_dimension_numbers<[1], [0], [0], [1], [0, 0, 1, 1], [], []>, transpose_lhs_hint = false} : vector<512x64xf32>, vector<64x8xf32>, vector<512x8xf32> -> vector<512x8xf32>
    %iota3A_79 = tpu.iota {dimensions = array<i32: 0>} : vector<512x8xi32>
    %iota3A_80 = tpu.iota {dimensions = array<i32: 1>} : vector<512x8xi32>
    %jit3A_81 = arith.constant 8 : i32
    %eq3A_82 = arith.constant 0 : i32
    %eq3A_83 = arith.cmpi eq, %jit3A_81, %eq3A_82 : i32
    %jit3A_84 = arith.constant 1 : i32
    %select_n3A_85 = arith.select %eq3A_83, %jit3A_84, %jit3A_81 : i32
    %rem3A_86 = vector.broadcast %select_n3A_85 : i32 to vector<512x8xi32>
    %rem3A_87 = arith.remsi %iota3A_79, %rem3A_86 : vector<512x8xi32>
    %ne3A_88 = arith.constant 0 : i32
    %ne3A_89 = vector.broadcast %ne3A_88 : i32 to vector<512x8xi32>
    %ne3A_90 = arith.cmpi ne, %rem3A_87, %ne3A_89 : vector<512x8xi32>
    %lt3A = arith.constant 0 : i32
    %lt3A_91 = vector.broadcast %lt3A : i32 to vector<512x8xi32>
    %lt3A_92 = arith.cmpi slt, %rem3A_87, %lt3A_91 : vector<512x8xi32>
    %lt3A_93 = arith.constant 0 : i32
    %lt3A_94 = arith.cmpi slt, %select_n3A_85, %lt3A_93 : i32
    %ne3A_95 = vector.broadcast %lt3A_94 : i1 to vector<512x8xi1>
    %ne3A_96 = vector.broadcast %ne3A_95 : vector<512x8xi1> to vector<512x8xi1>
    %ne3A_97 = arith.xori %lt3A_92, %ne3A_96 : vector<512x8xi1>
    %and3A_98 = arith.andi %ne3A_97, %ne3A_90 : vector<512x8xi1>
    %add3A_99 = vector.broadcast %select_n3A_85 : i32 to vector<512x8xi32>
    %add3A_100 = arith.addi %rem3A_87, %add3A_99 : vector<512x8xi32>
    %select_n3A_101 = arith.select %and3A_98, %add3A_100, %rem3A_87 : vector<512x8xi1>, vector<512x8xi32>
    %eq3A_102 = arith.cmpi eq, %select_n3A_101, %iota3A_80 : vector<512x8xi32>
    %jit3A_103 = arith.constant 1.000000e+00 : f32
    %jit3A_104 = arith.constant 0.000000e+00 : f32
    %broadcast_in_dim3A_105 = vector.broadcast %jit3A_103 : f32 to vector<512x8xf32>
    %broadcast_in_dim3A_106 = vector.broadcast %jit3A_104 : f32 to vector<512x8xf32>
    %select_n3A_107 = arith.select %eq3A_102, %broadcast_in_dim3A_105, %broadcast_in_dim3A_106 : vector<512x8xi1>, vector<512x8xf32>
    %mul3A = arith.mulf %dot_general3A_78, %select_n3A_107 : vector<512x8xf32>
    %reduce_sum3A = arith.constant dense<0.000000e+00> : vector<512xf32>
    %reduce_sum3A_108 = vector.multi_reduction <add>, %mul3A, %reduce_sum3A [1] : vector<512x8xf32> to vector<512xf32>
    %broadcast_in_dim3A_109 = vector.shape_cast %reduce_sum3A_108 : vector<512xf32> to vector<512x1xf32>
    %max3A = arith.constant 1.000000e+00 : f32
    %max3A_110 = vector.broadcast %max3A : f32 to vector<512x1xf32>
    %max3A_111 = arith.maximumf %broadcast_in_dim3A_109, %max3A_110 : vector<512x1xf32>
    %div3A_112 = arith.constant 1.000000e+00 : f32
    %div3A_113 = vector.broadcast %div3A_112 : f32 to vector<512x1xf32>
    %div3A_114 = arith.divf %div3A_113, %max3A_111 : vector<512x1xf32>
    %slice3A_115 = vector.extract_strided_slice %get3A_2 {offsets = [0, 0, 0], sizes = [1, 512, 128], strides = [1, 1, 1]} : vector<2x512x128xf32> to vector<1x512x128xf32>
    %squeeze3A_116 = vector.shape_cast %slice3A_115 : vector<1x512x128xf32> to vector<512x128xf32>
    %slice3A_117 = vector.extract_strided_slice %get3A_2 {offsets = [1, 0, 0], sizes = [1, 512, 128], strides = [1, 1, 1]} : vector<2x512x128xf32> to vector<1x512x128xf32>
    %squeeze3A_118 = vector.shape_cast %slice3A_117 : vector<1x512x128xf32> to vector<512x128xf32>
    %add3A_119 = arith.addf %squeeze3A_116, %squeeze3A_118 : vector<512x128xf32>
    %mul3A_120 = vector.broadcast %div3A_114 : vector<512x1xf32> to vector<512x128xf32>
    %mul3A_121 = arith.mulf %add3A_119, %mul3A_120 : vector<512x128xf32>
    %get3A_122 = arith.constant 0 : index
    %get3A_123 = arith.constant 0 : index
    %get3A_124 = vector.load %arg3[%get3A_122, %get3A_123] : memref<8x128xf32, #tpu.memory_space<vmem>>, vector<1x128xf32>
    %add3A_125 = vector.broadcast %get3A_124 : vector<1x128xf32> to vector<512x128xf32>
    %add3A_126 = arith.addf %mul3A_121, %add3A_125 : vector<512x128xf32>
    %swap3A = arith.constant 0 : index
    %swap3A_127 = arith.constant 0 : index
    %swap3A_128 = vector.load %arg4[%swap3A, %swap3A_127] : memref<512x128xf32, #tpu.memory_space<vmem>>, vector<512x128xf32>
    tpu.vector_store %arg4[%swap3A, %swap3A_127], %add3A_126 {strides = array<i32>} : memref<512x128xf32, #tpu.memory_space<vmem>>, vector<512x128xf32>,
    return
  }
  func.func @transform_0(%arg0: i32) -> (i32, i32, i32) {
    %c0_i32 = arith.constant 0 : i32
    %c0_i32_0 = arith.constant 0 : i32
    %c0_i32_1 = arith.constant 0 : i32
    return %c0_i32, %arg0, %c0_i32_0 : i32, i32, i32
  }
  func.func @transform_1(%arg0: i32) -> (i32, i32, i32) {
    %c0_i32 = arith.constant 0 : i32
    %c0_i32_0 = arith.constant 0 : i32
    %c0_i32_1 = arith.constant 0 : i32
    return %c0_i32, %arg0, %c0_i32_0 : i32, i32, i32
  }
  func.func @transform_2(%arg0: i32) -> (i32, i32) {
    %c0_i32 = arith.constant 0 : i32
    %c0_i32_0 = arith.constant 0 : i32
    %c0_i32_1 = arith.constant 0 : i32
    return %c0_i32, %c0_i32_0 : i32, i32
  }
  func.func @transform_3(%arg0: i32) -> (i32, i32) {
    %c0_i32 = arith.constant 0 : i32
    %c0_i32_0 = arith.constant 0 : i32
    return %arg0, %c0_i32 : i32, i32
  }
}

</mosaic_0001>

<sc_bundles>
// kernel: kernel.10.cloned.1.call-start
scs
__scs_entry_jumppad:
0x0: {  	(pc) =	sbr.rel $0x88, $3  }
0x1: {  	(tag) =	ssettag $0x0;
	lr =	simm.s32 $0x1  }
0x2: {  	[smem:$0x3F99] =	sst lr;
	_ =	strace $0xD0000000  }
0x3: {  	_ = 	snop  }
0x4: {  	_ = 	snop  }
0x5: {  	_ = 	snop  }
0x6: {  	_ = 	snop  }
0x7: {  	_ = 	snop  }
__scs_overlays_trampoline_lowered:
0x8: {  	[smem:$0x3FA8] =	sst s0  }
0x9: {  	[smem:$0x3FA9] =	sst s1  }
0xa: {  	[smem:$0x3FAA] =	sst s2  }
0xb: {  	[smem:$0x3FAB] =	sst s3  }
0xc: {  	[smem:$0x3FAC] =	sst s4  }
0xd: {  	[smem:$0x3FAD] =	sst s5  }
0xe: {  	[smem:$0x3FAE] =	sst s6  }
0xf: {  	[smem:$0x3FAF] =	sst s7  }
0x10: {  	[smem:$0x3FB0] =	sst s8  }
0x11: {  	[smem:$0x3FB1] =	sst s9;
	s0 =	simm.s32 @!p0 $0x0  }
0x12: {  	s1 =	sld [smem:$0x3F97];
	s0 =	simm.s32 @p0 $0x1  }
0x13: {  	[smem:$0x3FB2] =	sst s0;
	s0 =	simm.s32 @!p1 $0x0  }
0x14: {  	s2 =	sld [smem:$0x3F96];
	s0 =	simm.s32 @p1 $0x1  }
0x15: {  	[smem:$0x3FB3] =	sst s0;
	s0 =	simm.s32 @!p2 $0x0  }
0x16: {  	s3 =	sld [smem:$0x3FDB];
	s0 =	simm.s32 @p2 $0x1  }
0x17: {  	s4 =	simm.s32 $0x1BF5;
	[smem:$0x3FB5] =	sst s0  }
0x18: {  	s0 =	sld [smem:$0x3F98];
	_ =	swait.ge [sflag:s4], $0x0  }
0x19: {  	s7 =	sld [smem:$0x3F99]  }
0x1a: {  	s8 =	sadd.s32 $0xFFFFE003, lr  }
0x1b: {  	s9 =	sadd.s32 $0xFFFFFEF7, lr;
	s5 =	simm.s32 $0xFFFFFFFF;
	p2 =	slt.u32 s8, $0xFFFFF086  }
0x1c: {  	p1 =	slt.u32 s9, $0xF7A;
	s5 =	simm.s32 @!p2 $0x0  }
0x1d: {  	s5 =	simm.s32 @p1 $0x1;
	p0 =	seq.s32 s7, s2  }
0x1e: {  	s7 =	smul.u32 @!p0 $0xF7A, s2;
	p2 =	seq.s32 @!p0 s5, $0x0  }
0x1f: {  	s9 =	smul.u32 $0xF7A, s1;
	s8 =	simm.s32 @!p0 $0x1BF5;
	p2 =	por !p2, p0  }
0x20: {  	[sflag:s8] =	ssyncset.s32 @!p0 $0xFFFFF086;
	s6 =	sadd.s32 @!p0 s3, s7;
	s7 =	simm.s32 @!p0 $0x108  }
0x21: {  	s3 =	sadd.s32 s3, s9;
	s6 =	sadd.s32 @!p0 $0x88, s6;
	s7 =	simm.s32 @p2 $0x1082  }
0x22: {  	[simem:s7], [sflag:s8] =	dma.local @!p0 [hbm:s6], $0xF7A  }
0x23: {  	s9 =	sor.u32 $0xD0000000, s2;
	s6 =	simm.s32 $0x108;
	_ =	swait.ge @!p0 [sflag:s8], $0x0  }
0x24: {  	s3 =	sadd.s32 $0x88, s3;
	s6 =	simm.s32 @!p1 $0x1082;
	[sflag:s4] =	ssyncset.s32 $0xFFFFF086  }
0x25: {  	[simem:s6], [sflag:s4] =	dma.local [hbm:s3], $0xF7A  }
0x26: {  	[smem:$0x3F99] =	sst s1;
	(tag) =	ssettag s2;
	_ =	strace s9  }
0x27: {  	s1 =	sld [smem:$0x3FA9]  }
0x28: {  	s2 =	sld [smem:$0x3FAA]  }
0x29: {  	s4 =	sld [smem:$0x3FAC]  }
0x2a: {  	p0 =	seq.s32 s5, $0x0;
	s5 =	sld [smem:$0x3FAD]  }
0x2b: {  	s6 =	sld [smem:$0x3FAE]  }
0x2c: {  	s7 =	sld [smem:$0x3FAF]  }
0x2d: {  	s3 =	simm.s32 $0x108;
	s8 =	sld [smem:$0x3FB0]  }
0x2e: {  	s3 =	simm.s32 @!p0 $0x1082;
	s9 =	sld [smem:$0x3FB1]  }
0x2f: {  	lr =	sadd.s32 s0, s3;
	s0 =	sld [smem:$0x3FA8]  }
0x30: {  	s3 =	sld [smem:$0x3FAB]  }
0x31: {  	[smem:$0x3FB4] =	sst s10  }
0x32: {  	s10 =	sld [smem:$0x3FB2];
	_ =	sdelay $0x3  }
0x33: {  	p0 =	seq.s32 s10, $0x1;
	s10 =	sld [smem:$0x3FB4];
	_ =	sdelay $0x3  }
0x34: {  	[smem:$0x3FB4] =	sst s10  }
0x35: {  	s10 =	sld [smem:$0x3FB3];
	_ =	sdelay $0x3  }
0x36: {  	p1 =	seq.s32 s10, $0x1;
	s10 =	sld [smem:$0x3FB4];
	_ =	sdelay $0x3  }
0x37: {  	[smem:$0x3FB4] =	sst s10  }
0x38: {  	s10 =	sld [smem:$0x3FB5]  }
0x39: {  	_ = 	snop;
	(pc) =	sbr.ind lr, $3  }
0x3a: {  	_ = 	snop  }
0x3b: {  	_ = 	snop  }
0x3c: {  	p2 =	seq.s32 s10, $0x1;
	s10 =	sld [smem:$0x3FB4]  }
0x3d: {  	_ =	shalt  }
0x3e: {  	_ =	shalt  }
0x3f: {  	_ =	shalt  }
0x40: {  	_ =	shalt  }
0x41: {  	_ =	shalt  }
0x42: {  	_ =	shalt  }
0x43: {  	_ =	shalt  }
0x44: {  	_ =	shalt  }
0x45: {  	_ =	shalt  }
0x46: {  	_ =	shalt  }
0x47: {  	_ =	shalt  }
0x48: {  	_ =	shalt  }
0x49: {  	_ =	shalt  }
0x4a: {  	_ =	shalt  }
0x4b: {  	_ =	shalt  }
0x4c: {  	_ =	shalt  }
0x4d: {  	_ =	shalt  }
0x4e: {  	_ =	shalt  }
0x4f: {  	_ =	shalt  }
0x50: {  	_ =	shalt  }
0x51: {  	_ =	shalt  }
0x52: {  	_ =	shalt  }
0x53: {  	_ =	shalt  }
0x54: {  	_ =	shalt  }
0x55: {  	_ =	shalt  }
0x56: {  	_ =	shalt  }
0x57: {  	_ =	shalt  }
0x58: {  	_ =	shalt  }
0x59: {  	_ =	shalt  }
0x5a: {  	_ =	shalt  }
0x5b: {  	_ =	shalt  }
0x5c: {  	_ =	shalt  }
0x5d: {  	_ =	shalt  }
0x5e: {  	_ =	shalt  }
0x5f: {  	_ =	shalt  }
0x60: {  	_ =	shalt  }
0x61: {  	_ =	shalt  }
0x62: {  	_ =	shalt  }
0x63: {  	_ =	shalt  }
0x64: {  	_ =	shalt  }
0x65: {  	_ =	shalt  }
0x66: {  	_ =	shalt  }
0x67: {  	_ =	shalt  }
0x68: {  	_ =	shalt  }
0x69: {  	_ =	shalt  }
0x6a: {  	_ =	shalt  }
0x6b: {  	_ =	shalt  }
0x6c: {  	_ =	shalt  }
0x6d: {  	_ =	shalt  }
0x6e: {  	_ =	shalt  }
0x6f: {  	_ =	shalt  }
0x70: {  	_ =	shalt  }
0x71: {  	_ =	shalt  }
0x72: {  	_ =	shalt  }
0x73: {  	_ =	shalt  }
0x74: {  	_ =	shalt  }
0x75: {  	_ =	shalt  }
0x76: {  	_ =	shalt  }
0x77: {  	_ =	shalt  }
0x78: {  	_ =	shalt  }
0x79: {  	_ =	shalt  }
0x7a: {  	_ =	shalt  }
0x7b: {  	_ =	shalt  }
0x7c: {  	_ =	shalt  }
0x7d: {  	_ =	shalt  }
0x7e: {  	_ =	shalt  }
0x7f: {  	_ =	shalt  }
0x80: {  	_ =	shalt  }
0x81: {  	_ =	shalt  }
0x82: {  	_ =	shalt  }
0x83: {  	_ =	shalt  }
0x84: {  	_ =	shalt  }
0x85: {  	_ =	shalt  }
0x86: {  	_ =	shalt  }
0x87: {  	_ =	shalt  }
.Lfunc_end0:
.L_simem_size_0:
called_computation_lowered:
.L_overlay_start_0:
0x88: {  	s2 =	sld [smem:$0x3FD9]  }
0x89: {  	s3 =	sld [smem:$0x3FFE];
	_ =	sdelay $0x1  }
0x8a: {  	s1 =	srdreg.scid  }
0x8b: {  	s0 =	sand.u32 $0x1, s1  }
0x8c: {  	s17 =	sshll.u32 s0, $0xA;
	s2 =	sadd.s32 s3, s2  }
0x8d: {  	s2 =	sadd.s32 s2, s17  }
0x8e: {  	[smem:$0x3FC0] =	sst s2  }
0x8f: {  	_ = 	snop  }
0x90: {  	s18 =	sld [smem:$0x3FD0];
	(tm) =	ssettm $0x1  }
0x91: {  	s19 =	sld [smem:$0x3FFB];
	_ =	sdelay $0x3  }
0x92: {  	_ =	strace s19  }
0x93: {  	s2 =	sld [smem:$0x3FFC];
	_ =	sdelay $0x3  }
0x94: {  	_ =	strace s2  }
0x95: {  	s2 =	sld [smem:$0x3FFD];
	_ =	sdelay $0x3  }
0x96: {  	_ =	strace s2  }
0x97: {  	_ =	strace $0x8FFFFFFF  }
0x98: {  	s20 =	sld [smem:$0x3FDB];
	_ =	sdelay $0x1  }
0x99: {  	s4 =	simm.s32 $_scs_section_size  }
0x9a: {  	s5 =	simm.s32 $_size__tile_overlayer_lowered;
	s6 =	simm.s32 $_tile_overlayer_lowered  }
0x9b: {  	s7 =	simm.s32 $0x1BFF;
	s21 =	sshll.u32 s6, $0x1;
	s4 =	sadd.s32 s4, s20  }
0x9c: {  	s22 =	simm.s32 $0x0;
	s5 =	sshll.u32 s5, $0x1;
	s6 =	sadd.s32 s21, s4  }
0x9d: {  	[timem:s22], [sflag:s7] =	dma.local [hbm:s6], s5  }
0x9e: {  	_ =	swait.ge [sflag:s7], s5  }
0x9f: {  	s5 =	ssub.s32 $0x0, s5;
	[sflag:s7] =	ssyncset.done $0x0  }
0xa0: {  	[sflag:s7] =	ssyncadd.s32 s5;
	_ =	sdelay $0x1  }
0xa1: {  	s23 =	simm.s32 $0x1B8B  }
0xa2: {  	_ =	swait.ge [sflag:s23], $0x1  }
0xa3: {  	[sflag:s23] =	ssyncset.done $0x0  }
0xa4: {  	[sflag:s23] =	ssyncadd.s32 $0xFFFFFFFF  }
0xa5: {  	s5 =	sld [smem:$0x0]  }
0xa6: {  	s6 =	sand.u32 $0xFFFFFFFE, s1  }
0xa7: {  	p0 =	sne.s32 s1, s6  }
0xa8: {  	s6 =	sshll.u32 @p0 s6, $0xE  }
0xa9: {  	s6 =	sadd.s32 @p0 $0x11B8D, s6;
	s7 =	sshll.u32 @p0 s5, $0x11  }
0xaa: {  	s6 =	sor.u32 @p0 s7, s6  }
0xab: {  	[sflag:s6] =	ssyncadd.remote.s32 @p0 $0x1;
	_ =	sdelay $0x1  }
0xac: {  	s6 =	simm.s32 @p0 $0x1B8D  }
0xad: {  	_ =	swait.eq @p0 [sflag:s6], $0x1  }
0xae: {  	[sflag:s6] =	ssyncadd.s32 @p0 $0xFFFFFFFF  }
0xaf: {  	s7 =	sshll.u32 @!p0 s1, $0xE  }
0xb0: {  	s7 =	sor.u32 @!p0 $0x4000, s7;
	s6 =	simm.s32 @!p0 $0x1B8D  }
0xb1: {  	s5 =	sshll.u32 @!p0 s5, $0x11;
	s7 =	sadd.s32 @!p0 $0x11B8D, s7;
	_ =	swait.eq @!p0 [sflag:s6], $0x1  }
0xb2: {  	s5 =	sor.u32 @!p0 s5, s7;
	[sflag:s6] =	ssyncadd.s32 @!p0 $0xFFFFFFFF  }
0xb3: {  	s25 =	simm.s32 $0x1B8E;
	s24 =	sld [smem:$0x3FFE];
	[sflag:s5] =	ssyncadd.remote.s32 @!p0 $0x1  }
0xb4: {  	s26 =	simm.s32 $execute0_lowered;
	[smem:$0x3FD2] =	sst s25  }
0xb5: {  	s6 =	sshll.u32 s26, $0x1;
	_ =	strace $0x80000049;
	[dreg:$0x1] =	wrdreg $0xFFFFFFFF  }
0xb6: {  	s28 =	simm.s32 $_size_execute0_lowered;
	s4 =	sadd.s32 s4, s6;
	[dreg:$0x0] =	wrdreg $0x0  }
0xb7: {  	s6 =	sshll.u32 s28, $0x1;
	[dreg:$0x2] =	wrdreg s4  }
0xb8: {  	[dreg:$0x3] =	wrdreg s6  }
0xb9: {  	[dreg:$0x4] =	wrdreg $0xC0  }
0xba: {  	_ =	task [dreg:s22], $0x5FFFF  }
0xbb: {  	[dreg:$0x1] =	wrdreg $0xFFFFFFFF  }
0xbc: {  	[dreg:$0x0] =	wrdreg $0x60  }
0xbd: {  	[dreg:$0x2] =	wrdreg s24  }
0xbe: {  	[dreg:$0x3] =	wrdreg s18  }
0xbf: {  	[dreg:$0x4] =	wrdreg $0x10800  }
0xc0: {  	[dreg:$0x5] =	wrdreg $0x9  }
0xc1: {  	_ =	task.clear_ibuf [dreg:s22], $0x6FFFF;
	_ =	strace $0x90000049  }
0xc2: {  	s29 =	simm.s32 $0x9;
	_ =	strace $0x8000004B  }
0xc3: {  	_ =	swait.ge [sflag:s29], $0x1  }
0xc4: {  	[sflag:s29] =	ssyncadd.s32 $0xFFFFFFFF  }
0xc5: {  	_ =	strace $0x9000004B  }
0xc6: {  	_ =	sfence  }
0xc7: {  	s30 =	sld [smem:$0x0];
	_ =	sdelay $0x2  }
0xc8: {  	s31 =	sshll.u32 s1, $0xD;
	s1 =	sshrl.u32 s1, $0x2  }
0xc9: {  	s4 =	sand.u32 $0x4000, s31;
	s1 =	sadd.s32 s1, s30  }
0xca: {  	s0 =	sor.u32 s4, s0;
	s1 =	sshll.u32 s1, $0x11  }
0xcb: {  	s0 =	sor.u32 s1, s0  }
0xcc: {  	s0 =	sadd.s32 $0x8F2B, s0  }
0xcd: {  	[sflag:s0] =	ssyncadd.remote.s32 $0x1  }
0xce: {  	_ =	sfence.sel $0xFFFF  }
0xcf: {  	[dreg:$0x0] =	wrdreg $0xFFFFFFFF;
	(pc) =	sbr.abs _section_cstart, $3  }
0xd0: {  	[dreg:$0x1] =	wrdreg $0xFFFFFFFF  }
0xd1: {  	_ =	task.clear_ibuf [dreg:s22], $0x2FFFF;
	_ =	strace $0x9FFFFFFF  }
0xd2: {  	(tm) =	ssettm $0x7FFFFFFF  }
0xd3: {  	_ =	shalt  }
tec
execute0_lowered:
.L_overlay_start_1:
0x0: {  	(tag) =	ssettag $0x1  }
0x1: {  	s4 =	rddreg [dreg:$0x0]  }
0x2: {  	s5 =	rddreg [dreg:$0x1]  }
0x3: {  	s0 =	srdreg.scid;
	s2 =	rddreg [dreg:$0x2]  }
0x4: {  	s1 =	rddreg [dreg:$0x3];
	s3 =	simm.s32 $0x0;
	s6 =	sand.u32 $0x1, s0  }
0x5: {  	s16 =	simm.s32 $0x80;
	s0 =	stileid.u32;
	s7 =	smul.u32 $0x27800, s6  }
0x6: {  	s17 =	simm.s32 $0x1;
	s18 =	simm.s32 $0x880;
	s8 =	smul.u32 $0x2780, s0  }
0x7: {  	s19 =	simm.s32 $0x0;
	[smem:$0x7FF] =	sst s3;
	s9 =	smul.u32 $0x28000, s6  }
0x8: {  	s26 =	smul.u32 $0x2800, s0;
	_ =	strace $0x8000004A;
	s6 =	ssub.s32 $0x2, s6  }
0x9: {  	s10 =	smul.u32 $0xA000, s0;
	s28 =	sshrl.u32 s6, $0x1;
	s7 =	sadd.s32 s8, s7  }
0xa: {  	s8 =	sadd.s32 s26, s9;
	s30 =	ssub.s32 s6, s28;
	s7 =	sshrl.u32 s7, $0x3  }
0xb: {  	s31 =	sshrl.u32 s10, $0x2;
	s29 =	sshrl.u32 s8, $0x3;
	s15 =	sadd.s32 s7, s4  }
0xc: {  	s4 =	sadd.s32 s5, s29;
	s5 =	sadd.s32 s31, s2;
	s7 =	smax.u32 s30, $0x1  }
0xd: {  	s6 =	sadd.s32 $0x400, s4;
	s8 =	sadd.s32 $0x800, s5;
	s9 =	sadd.s32 $0x1000, s5  }
0xe: {  	s10 =	sadd.s32 $0x1800, s5;
	s11 =	sadd.s32 $0x2000, s5;
	s12 =	sadd.s32 $0x100, s4  }
0xf: {  	v0 =	vimm.f32 $0.0e+00;
	v1 =	vimm.f32 $1.000000000e+00;
	s13 =	sadd.s32 $0x200, s4;
	s14 =	sadd.s32 $0x300, s4;
	s15 =	sadd.s32 $0x2400, s15  }
.LBB2_1:
0x10: {  	s20 =	simm.s32 $0x40;
	s21 =	simm.s32 $0x0  }
.LBB2_2:
0x11: {  	p0 =	sne.s32 s20, $0x1FC0;
	[tilespmem:s21+$0x80] =	vst v0;
	s21 =	smov.u32 s20;
	s20 =	sadd.s32 $0x40, s20  }
.Ltmp0:
0x12: {  	(pc) =	sbr.rel @p0 .LBB2_2-.Ltmp0, $2  }
0x13: {  	_ =	sdelay $0x2  }
0x14: {  	s21 =	sshra.s32 s21, $0x2  }
0x15: {  	[tilespmem:s21+$0x80] =	vst v0  }
0x16: {  	[spmem:s5] =	stream.linear.scatter [tilespmem:s16], [sflag:$0x1], $0x800, $0x38;
	[tilespmem:$0x3880] =	vst v63  }
0x17: {  	_ =	swait.ge [sflag:s17], $0x800  }
0x18: {  	[sflag:s17] =	ssyncset.done $0x0  }
0x19: {  	[sflag:s17] =	ssyncadd.s32 $0xFFFFF800  }
0x1a: {  	[spmem:s8] =	stream.linear.scatter [tilespmem:s16], [sflag:$0x1], $0x800, $0x38;
	[tilespmem:$0x3880] =	vst v63  }
0x1b: {  	_ =	swait.ge [sflag:s17], $0x800  }
0x1c: {  	[sflag:s17] =	ssyncset.done $0x0  }
0x1d: {  	[sflag:s17] =	ssyncadd.s32 $0xFFFFF800  }
0x1e: {  	[spmem:s9] =	stream.linear.scatter [tilespmem:s16], [sflag:$0x1], $0x800, $0x38;
	[tilespmem:$0x3880] =	vst v63  }
0x1f: {  	_ =	swait.ge [sflag:s17], $0x800  }
0x20: {  	[sflag:s17] =	ssyncset.done $0x0  }
0x21: {  	[sflag:s17] =	ssyncadd.s32 $0xFFFFF800  }
0x22: {  	[spmem:s10] =	stream.linear.scatter [tilespmem:s16], [sflag:$0x1], $0x800, $0x38;
	[tilespmem:$0x3880] =	vst v63  }
0x23: {  	_ =	swait.ge [sflag:s17], $0x800  }
0x24: {  	[sflag:s17] =	ssyncset.done $0x0  }
0x25: {  	[sflag:s17] =	ssyncadd.s32 $0xFFFFF800  }
0x26: {  	[spmem:s11] =	stream.linear.scatter [tilespmem:s16], [sflag:$0x1], $0x800, $0x38;
	[tilespmem:$0x3880] =	vst v63  }
0x27: {  	_ =	swait.ge [sflag:s17], $0x800  }
0x28: {  	[sflag:s17] =	ssyncset.done $0x0  }
0x29: {  	s20 =	simm.s32 $0x40;
	s21 =	simm.s32 $0x0;
	[sflag:s17] =	ssyncadd.s32 $0xFFFFF800  }
.LBB2_4:
0x2a: {  	p0 =	sne.s32 s20, $0x1FC0;
	[tilespmem:s21+$0x80] =	vst v1;
	s21 =	smov.u32 s20;
	s20 =	sadd.s32 $0x40, s20  }
.Ltmp1:
0x2b: {  	(pc) =	sbr.rel @p0 .LBB2_4-.Ltmp1, $2  }
0x2c: {  	_ =	sdelay $0x2  }
0x2d: {  	s21 =	sshra.s32 s21, $0x2  }
0x2e: {  	[tilespmem:s21+$0x80] =	vst v1  }
0x2f: {  	s20 =	sadd.s32 $0x0, s15;
	[bflag:$0x0] =	sbarrier.arrive $0xFFFF  }
0x30: {  	[tilespmem:s3], [sflag:$0x1] =	stream.linear.gather [hbm4b:s20+s3], $0x80, $0x38;
	[tilespmem:$0x3880] =	vst v63  }
0x31: {  	_ =	swait.ge [sflag:s17], $0x80  }
0x32: {  	[sflag:s17] =	ssyncset.done $0x0  }
0x33: {  	[sflag:s17] =	ssyncadd.s32 $0xFFFFFF80  }
0x34: {  	[spmem:s2] =	stream.indirect.scatter.add.f32 [tilespmem:s16], [sflag:$0x1], $0x10, s3, s16, $0xb8;
	[tilespmem:$0x3880] =	vst v63  }
0x35: {  	_ =	swait.ge [sflag:s17], $0x800  }
0x36: {  	s21 =	simm.s32 $0x20;
	s20 =	simm.s32 $0x10;
	[sflag:s17] =	ssyncset.done $0x0  }
.LBB2_6:
0x37: {  	s22 =	sadd.s32 s20, s15  }
0x38: {  	[sflag:s17] =	ssyncadd.s32 $0xFFFFF800;
	s20 =	smov.u32 s21;
	s23 =	sadd.s32 $0x10, s21  }
0x39: {  	[tilespmem:s3], [sflag:$0x1] =	stream.linear.gather [hbm4b:s22+s3], $0x80, $0x38;
	[tilespmem:$0x3880] =	vst v63  }
0x3a: {  	p0 =	sne.s32 s21, $0x4E0;
	_ =	swait.ge [sflag:s17], $0x80  }
.Ltmp2:
0x3b: {  	[sflag:s17] =	ssyncset.done $0x0;
	(pc) =	sbr.rel @p0 .LBB2_6-.Ltmp2, $4  }
0x3c: {  	[sflag:s17] =	ssyncadd.s32 $0xFFFFFF80  }
0x3d: {  	[spmem:s2] =	stream.indirect.scatter.add.f32 [tilespmem:s16], [sflag:$0x1], $0x10, s3, s16, $0xb8;
	[tilespmem:$0x3880] =	vst v63  }
0x3e: {  	_ =	swait.ge [sflag:s17], $0x800  }
0x3f: {  	s21 =	smov.u32 s23;
	[sflag:s17] =	ssyncset.done $0x0  }
0x40: {  	s20 =	sadd.s32 s20, s15;
	[sflag:s17] =	ssyncadd.s32 $0xFFFFF800  }
0x41: {  	[tilespmem:s3], [sflag:$0x1] =	stream.linear.gather [hbm4b:s20+s3], $0x80, $0x38;
	[tilespmem:$0x3880] =	vst v63  }
0x42: {  	_ =	swait.ge [sflag:s17], $0x80  }
0x43: {  	[sflag:s17] =	ssyncset.done $0x0  }
0x44: {  	[sflag:s17] =	ssyncadd.s32 $0xFFFFFF80  }
0x45: {  	[spmem:s2] =	stream.indirect.scatter.add.f32 [tilespmem:s16], [sflag:$0x1], $0x10, s3, s16, $0xb8;
	[tilespmem:$0x3880] =	vst v63  }
0x46: {  	_ =	swait.ge [sflag:s17], $0x800  }
0x47: {  	[sflag:s17] =	ssyncset.done $0x0  }
0x48: {  	[sflag:s17] =	ssyncadd.s32 $0xFFFFF800  }
0x49: {  	[bflag:$0x0] =	sbarrier.arrive $0xFFFF  }
0x4a: {  	[tilespmem:s16], [sflag:$0x1] =	stream.linear.gather [spmem:s5], $0x800, $0x38;
	[tilespmem:$0x3880] =	vst v63  }
0x4b: {  	_ =	swait.ge [sflag:s17], $0x800  }
0x4c: {  	[sflag:s17] =	ssyncset.done $0x0  }
0x4d: {  	s22 =	simm.s32 $0x0;
	[sflag:s17] =	ssyncadd.s32 $0xFFFFF800  }
0x4e: {  	s31 =	simm.s32 $0x0;
	v2 =	vld [tilespmem:s22+$0x80]  }
0x4f: {  	s21 =	sand.u32 $0x1E00, s31  }
0x50: {  	s23 =	sand.u32 $0x70, s31;
	s21 =	sshrl.u32 s21, $0x2  }
0x51: {  	s20 =	simm.s32 $0x10;
	s22 =	sor.u32 s23, s21;
	s21 =	simm.s32 $0x40  }
.LBB2_8:
0x52: {  	s23 =	sshra.s32 s21, $0x2  }
0x53: {  	p0 =	sne.s32 s20, $0x7F0;
	[tilespmem:s22+$0x880] =	vst v2;
	s22 =	smov.u32 s20;
	s20 =	sadd.s32 $0x10, s20  }
.Ltmp3:
0x54: {  	v2 =	vld [tilespmem:s23+$0x80];
	(pc) =	sbr.rel @p0 .LBB2_8-.Ltmp3, $4  }
0x55: {  	_ = 	snop  }
0x56: {  	s23 =	sand.u32 $0x1E00, s21  }
0x57: {  	s22 =	sand.u32 $0x70, s22;
	s23 =	sshrl.u32 s23, $0x2  }
0x58: {  	s21 =	sadd.s32 $0x40, s21;
	s22 =	sor.u32 s22, s23  }
0x59: {  	[tilespmem:s22+$0x880] =	vst v2;
	s20 =	simm.s32 $0x0  }
0x5a: {  	[hbm4b:s4+s20] =	stream.linear.scatter [tilespmem:s18], [sflag:$0x1], $0x800, $0x38;
	[tilespmem:$0x3880] =	vst v63  }
0x5b: {  	_ =	swait.ge [sflag:s17], $0x800  }
0x5c: {  	[sflag:s17] =	ssyncset.done $0x0  }
0x5d: {  	[sflag:s17] =	ssyncadd.s32 $0xFFFFF800  }
0x5e: {  	[tilespmem:s16], [sflag:$0x1] =	stream.linear.gather [spmem:s8], $0x800, $0x38;
	[tilespmem:$0x3880] =	vst v63  }
0x5f: {  	_ =	swait.ge [sflag:s17], $0x800  }
0x60: {  	[sflag:s17] =	ssyncset.done $0x0  }
0x61: {  	s31 =	simm.s32 $0x0;
	[sflag:s17] =	ssyncadd.s32 $0xFFFFF800  }
0x62: {  	v2 =	vld [tilespmem:s31+$0x80]  }
0x63: {  	s21 =	sand.u32 $0x1E00, s20  }
0x64: {  	s23 =	sand.u32 $0x70, s20;
	s24 =	sshrl.u32 s21, $0x2  }
0x65: {  	s21 =	simm.s32 $0x40;
	s22 =	sor.u32 s23, s24  }
.LBB2_10:
0x66: {  	s23 =	sshra.s32 s21, $0x2  }
0x67: {  	p0 =	sne.s32 s21, $0x1FC0;
	[tilespmem:s22+$0x880] =	vst v2;
	s22 =	smov.u32 s21;
	s21 =	sadd.s32 $0x40, s21  }
.Ltmp4:
0x68: {  	v2 =	vld [tilespmem:s23+$0x80];
	(pc) =	sbr.rel @p0 .LBB2_10-.Ltmp4, $4  }
0x69: {  	_ = 	snop  }
0x6a: {  	s20 =	sadd.s32 $0x10, s20;
	s22 =	sand.u32 $0x1E00, s22  }
0x6b: {  	s23 =	sand.u32 $0x70, s20;
	s22 =	sshrl.u32 s22, $0x2  }
0x6c: {  	s22 =	sor.u32 s23, s22  }
0x6d: {  	[tilespmem:s22+$0x880] =	vst v2;
	s20 =	simm.s32 $0x0  }
0x6e: {  	[hbm4b:s12+s20] =	stream.linear.scatter [tilespmem:s18], [sflag:$0x1], $0x800, $0x38;
	[tilespmem:$0x3880] =	vst v63  }
0x6f: {  	_ =	swait.ge [sflag:s17], $0x800  }
0x70: {  	[sflag:s17] =	ssyncset.done $0x0  }
0x71: {  	[sflag:s17] =	ssyncadd.s32 $0xFFFFF800  }
0x72: {  	[tilespmem:s16], [sflag:$0x1] =	stream.linear.gather [spmem:s9], $0x800, $0x38;
	[tilespmem:$0x3880] =	vst v63  }
0x73: {  	_ =	swait.ge [sflag:s17], $0x800  }
0x74: {  	[sflag:s17] =	ssyncset.done $0x0  }
0x75: {  	s31 =	simm.s32 $0x0;
	[sflag:s17] =	ssyncadd.s32 $0xFFFFF800  }
0x76: {  	v2 =	vld [tilespmem:s31+$0x80]  }
0x77: {  	s21 =	sand.u32 $0x1E00, s20  }
0x78: {  	s23 =	sand.u32 $0x70, s20;
	s24 =	sshrl.u32 s21, $0x2  }
0x79: {  	s21 =	simm.s32 $0x40;
	s22 =	sor.u32 s23, s24  }
.LBB2_12:
0x7a: {  	s23 =	sshra.s32 s21, $0x2  }
0x7b: {  	p0 =	sne.s32 s21, $0x1FC0;
	[tilespmem:s22+$0x880] =	vst v2;
	s22 =	smov.u32 s21;
	s21 =	sadd.s32 $0x40, s21  }
.Ltmp5:
0x7c: {  	v2 =	vld [tilespmem:s23+$0x80];
	(pc) =	sbr.rel @p0 .LBB2_12-.Ltmp5, $4  }
0x7d: {  	_ = 	snop  }
0x7e: {  	s20 =	sadd.s32 $0x10, s20;
	s22 =	sand.u32 $0x1E00, s22  }
0x7f: {  	s23 =	sand.u32 $0x70, s20;
	s22 =	sshrl.u32 s22, $0x2  }
0x80: {  	s22 =	sor.u32 s23, s22  }
0x81: {  	[tilespmem:s22+$0x880] =	vst v2;
	s20 =	simm.s32 $0x0  }
0x82: {  	[hbm4b:s13+s20] =	stream.linear.scatter [tilespmem:s18], [sflag:$0x1], $0x800, $0x38;
	[tilespmem:$0x3880] =	vst v63  }
0x83: {  	_ =	swait.ge [sflag:s17], $0x800  }
0x84: {  	[sflag:s17] =	ssyncset.done $0x0  }
0x85: {  	[sflag:s17] =	ssyncadd.s32 $0xFFFFF800  }
0x86: {  	[tilespmem:s16], [sflag:$0x1] =	stream.linear.gather [spmem:s10], $0x800, $0x38;
	[tilespmem:$0x3880] =	vst v63  }
0x87: {  	_ =	swait.ge [sflag:s17], $0x800  }
0x88: {  	[sflag:s17] =	ssyncset.done $0x0  }
0x89: {  	s31 =	simm.s32 $0x0;
	[sflag:s17] =	ssyncadd.s32 $0xFFFFF800  }
0x8a: {  	v2 =	vld [tilespmem:s31+$0x80]  }
0x8b: {  	s21 =	sand.u32 $0x1E00, s20  }
0x8c: {  	s23 =	sand.u32 $0x70, s20;
	s24 =	sshrl.u32 s21, $0x2  }
0x8d: {  	s21 =	simm.s32 $0x40;
	s22 =	sor.u32 s23, s24  }
.LBB2_14:
0x8e: {  	s23 =	sshra.s32 s21, $0x2  }
0x8f: {  	p0 =	sne.s32 s21, $0x1FC0;
	[tilespmem:s22+$0x880] =	vst v2;
	s22 =	smov.u32 s21;
	s21 =	sadd.s32 $0x40, s21  }
.Ltmp6:
0x90: {  	v2 =	vld [tilespmem:s23+$0x80];
	(pc) =	sbr.rel @p0 .LBB2_14-.Ltmp6, $4  }
0x91: {  	_ = 	snop  }
0x92: {  	s20 =	sadd.s32 $0x10, s20;
	s22 =	sand.u32 $0x1E00, s22  }
0x93: {  	s23 =	sand.u32 $0x70, s20;
	s22 =	sshrl.u32 s22, $0x2  }
0x94: {  	s22 =	sor.u32 s23, s22  }
0x95: {  	[tilespmem:s22+$0x880] =	vst v2;
	s20 =	simm.s32 $0x0  }
0x96: {  	[hbm4b:s14+s20] =	stream.linear.scatter [tilespmem:s18], [sflag:$0x1], $0x800, $0x38;
	[tilespmem:$0x3880] =	vst v63  }
0x97: {  	_ =	swait.ge [sflag:s17], $0x800  }
0x98: {  	[sflag:s17] =	ssyncset.done $0x0  }
0x99: {  	[sflag:s17] =	ssyncadd.s32 $0xFFFFF800  }
0x9a: {  	[tilespmem:s16], [sflag:$0x1] =	stream.linear.gather [spmem:s11], $0x800, $0x38;
	[tilespmem:$0x3880] =	vst v63  }
0x9b: {  	_ =	swait.ge [sflag:s17], $0x800  }
0x9c: {  	[sflag:s17] =	ssyncset.done $0x0  }
0x9d: {  	s31 =	simm.s32 $0x0;
	[sflag:s17] =	ssyncadd.s32 $0xFFFFF800  }
0x9e: {  	v2 =	vld [tilespmem:s31+$0x80]  }
0x9f: {  	s21 =	sand.u32 $0x1E00, s20  }
0xa0: {  	s23 =	sand.u32 $0x70, s20;
	s24 =	sshrl.u32 s21, $0x2  }
0xa1: {  	s21 =	simm.s32 $0x40;
	s22 =	sor.u32 s23, s24  }
.LBB2_16:
0xa2: {  	s23 =	sshra.s32 s21, $0x2  }
0xa3: {  	p0 =	sne.s32 s21, $0x1FC0;
	[tilespmem:s22+$0x880] =	vst v2;
	s22 =	smov.u32 s21;
	s21 =	sadd.s32 $0x40, s21  }
.Ltmp7:
0xa4: {  	v2 =	vld [tilespmem:s23+$0x80];
	(pc) =	sbr.rel @p0 .LBB2_16-.Ltmp7, $4  }
0xa5: {  	_ = 	snop  }
0xa6: {  	s20 =	sadd.s32 $0x10, s20;
	s22 =	sand.u32 $0x1E00, s22  }
0xa7: {  	s23 =	sand.u32 $0x70, s20;
	s22 =	sshrl.u32 s22, $0x2  }
0xa8: {  	s22 =	sor.u32 s23, s22  }
0xa9: {  	s19 =	sadd.s32 $0x1, s19  }
0xaa: {  	p0 =	sne.s32 s19, s7  }
.Ltmp8:
0xab: {  	[tilespmem:s22+$0x880] =	vst v2;
	(pc) =	sbr.rel @p0 .LBB2_1-.Ltmp8, $4  }
0xac: {  	[hbm4b:s6+s3] =	stream.linear.scatter [tilespmem:s18], [sflag:$0x1], $0x800, $0x38;
	[tilespmem:$0x3880] =	vst v63  }
0xad: {  	_ =	swait.ge [sflag:s17], $0x800  }
0xae: {  	[sflag:s17] =	ssyncset.done $0x0  }
0xaf: {  	[sflag:s17] =	ssyncadd.s32 $0xFFFFF800  }
0xb0: {  	_ =	sfence.sel $0x180000  }
0xb1: {  	[bflag:$0x0] =	sbarrier.arrive $0xFFFF  }
0xb2: {  	p0 =	sne.s32 s0, $0x0;
	_ =	strace $0x9000004A  }
0xb3: {  	s0 =	sadd.s32 @!p0 $0x100000, s1;
	[bflag:$0x2] =	sbarrier.arrive $0xFFFF  }
0xb4: {  	[sflag:s0] =	ssyncadd.tile.s32 @!p0 $0x1;
	_ =	shalt  }
.Lfunc_end2:
_tile_overlayer_lowered:
.L_overlay_start_2:
0xb5: {  	(tag) =	ssettag $0x2  }
0xb6: {  	s0 =	rddreg [dreg:$0x0];
	s2 =	stileid.u32  }
0xb7: {  	s1 =	rddreg [dreg:$0x1];
	p0 =	sne.s32 s2, $0x0  }
0xb8: {  	s3 =	rddreg [dreg:$0x2];
	[bflag:$0x3] =	sbarrier.arrive $0xFFFF;
	s2 =	simm.s32 @!p0 $0x1C01  }
0xb9: {  	[timem:s3], [sflag:s2] =	dma.local @!p0 [hbm:s0], s1  }
0xba: {  	s0 =	simm.s32 @!p0 $0x1  }
0xbb: {  	_ =	swait.ge @!p0 [sflag:s0], s1  }
0xbc: {  	s1 =	ssub.s32 @!p0 $0x0, s1;
	[sflag:s0] =	ssyncset.done @!p0 $0x0  }
0xbd: {  	[sflag:s0] =	ssyncadd.s32 @!p0 s1  }
0xbe: {  	[bflag:$0x3] =	sbarrier.arrive $0xFFFF  }
0xbf: {  	_ =	shalt  }

// kernel: kernel.13.cloned.1.call-start
scs
__scs_entry_jumppad:
0x0: {  	(pc) =	sbr.rel $0x88, $3  }
0x1: {  	(tag) =	ssettag $0x0;
	lr =	simm.s32 $0x1  }
0x2: {  	[smem:$0x3F99] =	sst lr;
	_ =	strace $0xD0000000  }
0x3: {  	_ = 	snop  }
0x4: {  	_ = 	snop  }
0x5: {  	_ = 	snop  }
0x6: {  	_ = 	snop  }
0x7: {  	_ = 	snop  }
__scs_overlays_trampoline_lowered:
0x8: {  	[smem:$0x3FA8] =	sst s0  }
0x9: {  	[smem:$0x3FA9] =	sst s1  }
0xa: {  	[smem:$0x3FAA] =	sst s2  }
0xb: {  	[smem:$0x3FAB] =	sst s3  }
0xc: {  	[smem:$0x3FAC] =	sst s4  }
0xd: {  	[smem:$0x3FAD] =	sst s5  }
0xe: {  	[smem:$0x3FAE] =	sst s6  }
0xf: {  	[smem:$0x3FAF] =	sst s7  }
0x10: {  	[smem:$0x3FB0] =	sst s8  }
0x11: {  	[smem:$0x3FB1] =	sst s9;
	s0 =	simm.s32 @!p0 $0x0  }
0x12: {  	s1 =	sld [smem:$0x3F97];
	s0 =	simm.s32 @p0 $0x1  }
0x13: {  	[smem:$0x3FB2] =	sst s0;
	s0 =	simm.s32 @!p1 $0x0  }
0x14: {  	s2 =	sld [smem:$0x3F96];
	s0 =	simm.s32 @p1 $0x1  }
0x15: {  	[smem:$0x3FB3] =	sst s0;
	s0 =	simm.s32 @!p2 $0x0  }
0x16: {  	s3 =	sld [smem:$0x3FDB];
	s0 =	simm.s32 @p2 $0x1  }
0x17: {  	s4 =	simm.s32 $0x1BF5;
	[smem:$0x3FB5] =	sst s0  }
0x18: {  	s0 =	sld [smem:$0x3F98];
	_ =	swait.ge [sflag:s4], $0x0  }
0x19: {  	s7 =	sld [smem:$0x3F99]  }
0x1a: {  	s8 =	sadd.s32 $0xFFFFE003, lr  }
0x1b: {  	s9 =	sadd.s32 $0xFFFFFEF7, lr;
	s5 =	simm.s32 $0xFFFFFFFF;
	p2 =	slt.u32 s8, $0xFFFFF086  }
0x1c: {  	p1 =	slt.u32 s9, $0xF7A;
	s5 =	simm.s32 @!p2 $0x0  }
0x1d: {  	s5 =	simm.s32 @p1 $0x1;
	p0 =	seq.s32 s7, s2  }
0x1e: {  	s7 =	smul.u32 @!p0 $0xF7A, s2;
	p2 =	seq.s32 @!p0 s5, $0x0  }
0x1f: {  	s9 =	smul.u32 $0xF7A, s1;
	s8 =	simm.s32 @!p0 $0x1BF5;
	p2 =	por !p2, p0  }
0x20: {  	[sflag:s8] =	ssyncset.s32 @!p0 $0xFFFFF086;
	s6 =	sadd.s32 @!p0 s3, s7;
	s7 =	simm.s32 @!p0 $0x108  }
0x21: {  	s3 =	sadd.s32 s3, s9;
	s6 =	sadd.s32 @!p0 $0x88, s6;
	s7 =	simm.s32 @p2 $0x1082  }
0x22: {  	[simem:s7], [sflag:s8] =	dma.local @!p0 [hbm:s6], $0xF7A  }
0x23: {  	s9 =	sor.u32 $0xD0000000, s2;
	s6 =	simm.s32 $0x108;
	_ =	swait.ge @!p0 [sflag:s8], $0x0  }
0x24: {  	s3 =	sadd.s32 $0x88, s3;
	s6 =	simm.s32 @!p1 $0x1082;
	[sflag:s4] =	ssyncset.s32 $0xFFFFF086  }
0x25: {  	[simem:s6], [sflag:s4] =	dma.local [hbm:s3], $0xF7A  }
0x26: {  	[smem:$0x3F99] =	sst s1;
	(tag) =	ssettag s2;
	_ =	strace s9  }
0x27: {  	s1 =	sld [smem:$0x3FA9]  }
0x28: {  	s2 =	sld [smem:$0x3FAA]  }
0x29: {  	s4 =	sld [smem:$0x3FAC]  }
0x2a: {  	p0 =	seq.s32 s5, $0x0;
	s5 =	sld [smem:$0x3FAD]  }
0x2b: {  	s6 =	sld [smem:$0x3FAE]  }
0x2c: {  	s7 =	sld [smem:$0x3FAF]  }
0x2d: {  	s3 =	simm.s32 $0x108;
	s8 =	sld [smem:$0x3FB0]  }
0x2e: {  	s3 =	simm.s32 @!p0 $0x1082;
	s9 =	sld [smem:$0x3FB1]  }
0x2f: {  	lr =	sadd.s32 s0, s3;
	s0 =	sld [smem:$0x3FA8]  }
0x30: {  	s3 =	sld [smem:$0x3FAB]  }
0x31: {  	[smem:$0x3FB4] =	sst s10  }
0x32: {  	s10 =	sld [smem:$0x3FB2];
	_ =	sdelay $0x3  }
0x33: {  	p0 =	seq.s32 s10, $0x1;
	s10 =	sld [smem:$0x3FB4];
	_ =	sdelay $0x3  }
0x34: {  	[smem:$0x3FB4] =	sst s10  }
0x35: {  	s10 =	sld [smem:$0x3FB3];
	_ =	sdelay $0x3  }
0x36: {  	p1 =	seq.s32 s10, $0x1;
	s10 =	sld [smem:$0x3FB4];
	_ =	sdelay $0x3  }
0x37: {  	[smem:$0x3FB4] =	sst s10  }
0x38: {  	s10 =	sld [smem:$0x3FB5]  }
0x39: {  	_ = 	snop;
	(pc) =	sbr.ind lr, $3  }
0x3a: {  	_ = 	snop  }
0x3b: {  	_ = 	snop  }
0x3c: {  	p2 =	seq.s32 s10, $0x1;
	s10 =	sld [smem:$0x3FB4]  }
0x3d: {  	_ =	shalt  }
0x3e: {  	_ =	shalt  }
0x3f: {  	_ =	shalt  }
0x40: {  	_ =	shalt  }
0x41: {  	_ =	shalt  }
0x42: {  	_ =	shalt  }
0x43: {  	_ =	shalt  }
0x44: {  	_ =	shalt  }
0x45: {  	_ =	shalt  }
0x46: {  	_ =	shalt  }
0x47: {  	_ =	shalt  }
0x48: {  	_ =	shalt  }
0x49: {  	_ =	shalt  }
0x4a: {  	_ =	shalt  }
0x4b: {  	_ =	shalt  }
0x4c: {  	_ =	shalt  }
0x4d: {  	_ =	shalt  }
0x4e: {  	_ =	shalt  }
0x4f: {  	_ =	shalt  }
0x50: {  	_ =	shalt  }
0x51: {  	_ =	shalt  }
0x52: {  	_ =	shalt  }
0x53: {  	_ =	shalt  }
0x54: {  	_ =	shalt  }
0x55: {  	_ =	shalt  }
0x56: {  	_ =	shalt  }
0x57: {  	_ =	shalt  }
0x58: {  	_ =	shalt  }
0x59: {  	_ =	shalt  }
0x5a: {  	_ =	shalt  }
0x5b: {  	_ =	shalt  }
0x5c: {  	_ =	shalt  }
0x5d: {  	_ =	shalt  }
0x5e: {  	_ =	shalt  }
0x5f: {  	_ =	shalt  }
0x60: {  	_ =	shalt  }
0x61: {  	_ =	shalt  }
0x62: {  	_ =	shalt  }
0x63: {  	_ =	shalt  }
0x64: {  	_ =	shalt  }
0x65: {  	_ =	shalt  }
0x66: {  	_ =	shalt  }
0x67: {  	_ =	shalt  }
0x68: {  	_ =	shalt  }
0x69: {  	_ =	shalt  }
0x6a: {  	_ =	shalt  }
0x6b: {  	_ =	shalt  }
0x6c: {  	_ =	shalt  }
0x6d: {  	_ =	shalt  }
0x6e: {  	_ =	shalt  }
0x6f: {  	_ =	shalt  }
0x70: {  	_ =	shalt  }
0x71: {  	_ =	shalt  }
0x72: {  	_ =	shalt  }
0x73: {  	_ =	shalt  }
0x74: {  	_ =	shalt  }
0x75: {  	_ =	shalt  }
0x76: {  	_ =	shalt  }
0x77: {  	_ =	shalt  }
0x78: {  	_ =	shalt  }
0x79: {  	_ =	shalt  }
0x7a: {  	_ =	shalt  }
0x7b: {  	_ =	shalt  }
0x7c: {  	_ =	shalt  }
0x7d: {  	_ =	shalt  }
0x7e: {  	_ =	shalt  }
0x7f: {  	_ =	shalt  }
0x80: {  	_ =	shalt  }
0x81: {  	_ =	shalt  }
0x82: {  	_ =	shalt  }
0x83: {  	_ =	shalt  }
0x84: {  	_ =	shalt  }
0x85: {  	_ =	shalt  }
0x86: {  	_ =	shalt  }
0x87: {  	_ =	shalt  }
.Lfunc_end0:
.L_simem_size_0:
called_computation.1_lowered:
.L_overlay_start_0:
0x88: {  	s2 =	sld [smem:$0x3FD9]  }
0x89: {  	s3 =	sld [smem:$0x3FFE];
	_ =	sdelay $0x1  }
0x8a: {  	s1 =	srdreg.scid  }
0x8b: {  	s0 =	sand.u32 $0x1, s1  }
0x8c: {  	s16 =	sshll.u32 s0, $0xA;
	s2 =	sadd.s32 s3, s2  }
0x8d: {  	s2 =	sadd.s32 s2, s16  }
0x8e: {  	[smem:$0x3FC0] =	sst s2  }
0x8f: {  	_ = 	snop  }
0x90: {  	(tm) =	ssettm $0x1  }
0x91: {  	s17 =	sld [smem:$0x3FFB];
	_ =	sdelay $0x3  }
0x92: {  	_ =	strace s17  }
0x93: {  	s2 =	sld [smem:$0x3FFC];
	_ =	sdelay $0x3  }
0x94: {  	_ =	strace s2  }
0x95: {  	s2 =	sld [smem:$0x3FFD];
	_ =	sdelay $0x3  }
0x96: {  	_ =	strace s2  }
0x97: {  	_ =	strace $0x8FFFFFFF  }
0x98: {  	s18 =	sld [smem:$0x3FDB];
	_ =	sdelay $0x1  }
0x99: {  	s19 =	simm.s32 $_scs_section_size  }
0x9a: {  	s4 =	simm.s32 $_size__tile_overlayer_lowered;
	s5 =	simm.s32 $_tile_overlayer_lowered  }
0x9b: {  	s22 =	simm.s32 $0x1BFF;
	s21 =	sshll.u32 s5, $0x1;
	s2 =	sadd.s32 s19, s18  }
0x9c: {  	s6 =	simm.s32 $0x0;
	s20 =	sshll.u32 s4, $0x1;
	s4 =	sadd.s32 s21, s2  }
0x9d: {  	[timem:s6], [sflag:s22] =	dma.local [hbm:s4], s20  }
0x9e: {  	_ =	swait.ge [sflag:s22], s20  }
0x9f: {  	s3 =	ssub.s32 $0x0, s20;
	[sflag:s22] =	ssyncset.done $0x0  }
0xa0: {  	[sflag:s22] =	ssyncadd.s32 s3;
	_ =	sdelay $0x1  }
0xa1: {  	s23 =	simm.s32 $0x1B8B  }
0xa2: {  	_ =	swait.ge [sflag:s23], $0x1  }
0xa3: {  	[sflag:s23] =	ssyncset.done $0x0  }
0xa4: {  	s25 =	simm.s32 $0x1B8E;
	s24 =	sld [smem:$0x3FFE];
	[sflag:s23] =	ssyncadd.s32 $0xFFFFFFFF  }
0xa5: {  	s26 =	simm.s32 $execute0_lowered;
	[smem:$0x3FD2] =	sst s25  }
0xa6: {  	s4 =	sshll.u32 s26, $0x1;
	_ =	strace $0x80000046;
	[dreg:$0x1] =	wrdreg $0xFFFFFFFF  }
0xa7: {  	s28 =	simm.s32 $_size_execute0_lowered;
	s2 =	sadd.s32 s2, s4;
	[dreg:$0x0] =	wrdreg $0x0  }
0xa8: {  	s4 =	sshll.u32 s28, $0x1;
	[dreg:$0x2] =	wrdreg s2  }
0xa9: {  	[dreg:$0x3] =	wrdreg s4  }
0xaa: {  	[dreg:$0x4] =	wrdreg $0xC0  }
0xab: {  	_ =	task [dreg:s6], $0x5FFFF  }
0xac: {  	[dreg:$0x1] =	wrdreg $0xFFFFFFFF  }
0xad: {  	[dreg:$0x0] =	wrdreg $0x60  }
0xae: {  	[dreg:$0x2] =	wrdreg s24  }
0xaf: {  	[dreg:$0x3] =	wrdreg $0x82000  }
0xb0: {  	[dreg:$0x4] =	wrdreg $0xA  }
0xb1: {  	_ =	task.clear_ibuf [dreg:s6], $0x5FFFF;
	_ =	strace $0x90000046  }
0xb2: {  	s29 =	simm.s32 $0xA;
	_ =	strace $0x80000048  }
0xb3: {  	_ =	swait.ge [sflag:s29], $0x1  }
0xb4: {  	[sflag:s29] =	ssyncadd.s32 $0xFFFFFFFF  }
0xb5: {  	_ =	strace $0x90000048  }
0xb6: {  	_ =	sfence  }
0xb7: {  	s30 =	sld [smem:$0x0];
	_ =	sdelay $0x2  }
0xb8: {  	s31 =	sshll.u32 s1, $0xD;
	s1 =	sshrl.u32 s1, $0x2  }
0xb9: {  	s3 =	sand.u32 $0x4000, s31;
	s1 =	sadd.s32 s1, s30  }
0xba: {  	s0 =	sor.u32 s3, s0;
	s1 =	sshll.u32 s1, $0x11  }
0xbb: {  	s0 =	sor.u32 s1, s0  }
0xbc: {  	s0 =	sadd.s32 $0x8F2B, s0  }
0xbd: {  	[sflag:s0] =	ssyncadd.remote.s32 $0x1  }
0xbe: {  	_ =	sfence.sel $0xFFFF  }
0xbf: {  	[dreg:$0x0] =	wrdreg $0xFFFFFFFF;
	(pc) =	sbr.abs _section_cstart, $3  }
0xc0: {  	[dreg:$0x1] =	wrdreg $0xFFFFFFFF  }
0xc1: {  	_ =	task.clear_ibuf [dreg:s6], $0x2FFFF;
	_ =	strace $0x9FFFFFFF  }
0xc2: {  	(tm) =	ssettm $0x7FFFFFFF  }
0xc3: {  	_ =	shalt  }
tec
execute0_lowered:
.L_overlay_start_1:
0x0: {  	(tag) =	ssettag $0x1  }
0x1: {  	s0 =	rddreg [dreg:$0x0]  }
0x2: {  	s1 =	rddreg [dreg:$0x1];
	s11 =	stileid.u32  }
0x3: {  	s3 =	simm.s32 $0x0;
	s2 =	srdreg.scid;
	s7 =	smul.u32 $0x14000, s11  }
0x4: {  	[smem:$0x7FF] =	sst s3;
	s2 =	sand.u32 $0x1, s2;
	s26 =	smul.u32 $0x50000, s11  }
0x5: {  	s4 =	sadd.s32 $0xC200, s0;
	s5 =	sadd.s32 $0x2400, s0;
	s15 =	smul.u32 $0x2780, s11  }
0x6: {  	s6 =	smul.u32 $0x140000, s2;
	_ =	strace $0x80000047;
	s8 =	sshll.u32 s2, $0x4  }
0x7: {  	s10 =	ssub.s32 $0x2, s2;
	s2 =	smul.u32 $0x27800, s2;
	s8 =	sor.u32 s11, s8  }
0x8: {  	s28 =	sshrl.u32 s10, $0x1;
	s11 =	simm.s32 $0x100;
	s6 =	sadd.s32 s7, s6  }
0x9: {  	s8 =	smul.u32 $0x2780, s8;
	s7 =	sshrl.u32 s26, $0x2;
	s2 =	sadd.s32 s15, s2  }
0xa: {  	s15 =	simm.s32 $0x4200;
	s9 =	sshrl.u32 s6, $0x3;
	s7 =	sadd.s32 s7, s1  }
0xb: {  	s6 =	sadd.s32 $0x16000, s0;
	s23 =	sadd.s32 $0x80, s2;
	s12 =	sadd.s32 $0x1000, s7  }
0xc: {  	s0 =	sadd.s32 s9, s0;
	s13 =	sadd.s32 $0x2000, s7;
	[dreg:$0x6] =	wrdreg s12  }
0xd: {  	s9 =	ssub.s32 s10, s28;
	s14 =	sadd.s32 $0x3000, s7;
	[dreg:$0x7] =	wrdreg s13  }
0xe: {  	s8 =	sshrl.u32 s8, $0x3;
	s16 =	sadd.s32 $0x4000, s7;
	[dreg:$0x8] =	wrdreg s14  }
0xf: {  	s17 =	sadd.s32 $0x5000, s7;
	s18 =	sadd.s32 $0x6000, s7;
	[dreg:$0x9] =	wrdreg s16  }
0x10: {  	s19 =	sadd.s32 $0x7000, s7;
	s20 =	sadd.s32 $0x8000, s7;
	[dreg:$0xa] =	wrdreg s17  }
0x11: {  	s21 =	sadd.s32 $0x9000, s7;
	s22 =	sadd.s32 $0xA000, s7;
	[dreg:$0xb] =	wrdreg s18  }
0x12: {  	s24 =	sadd.s32 $0xB000, s7;
	s25 =	sshrl.u32 s23, $0x3;
	[dreg:$0xc] =	wrdreg s19  }
0x13: {  	s26 =	sadd.s32 $0xC000, s7;
	s28 =	sadd.s32 $0xD000, s7;
	[dreg:$0xd] =	wrdreg s20  }
0x14: {  	s30 =	sadd.s32 $0xF000, s7;
	s31 =	sadd.s32 $0x10000, s7;
	[dreg:$0xe] =	wrdreg s21  }
0x15: {  	s29 =	sadd.s32 s4, s8;
	s8 =	sadd.s32 s5, s8;
	[dreg:$0xf] =	wrdreg s22  }
0x16: {  	s10 =	smax.u32 s9, $0x1;
	[dreg:$0x10] =	wrdreg s24;
	s22 =	sadd.s32 $0x100, s2  }
0x17: {  	s23 =	sadd.s32 s25, s5;
	s24 =	sadd.s32 s25, s4;
	[dreg:$0x11] =	wrdreg s26  }
0x18: {  	s25 =	sadd.s32 $0x3E000, s0;
	[dreg:$0x12] =	wrdreg s28;
	s0 =	sadd.s32 $0x11000, s7  }
0x19: {  	s2 =	sadd.s32 $0x12000, s7;
	s9 =	simm.s32 $0x200;
	s12 =	simm.s32 $0x80  }
0x1a: {  	s13 =	simm.s32 $0x4;
	s14 =	simm.s32 $0x180;
	[dreg:$0x3] =	wrdreg s29  }
0x1b: {  	s16 =	simm.s32 $0x1;
	s17 =	simm.s32 $0x2;
	[dreg:$0x4] =	wrdreg s8  }
0x1c: {  	s18 =	simm.s32 $0x0;
	[dreg:$0x5] =	wrdreg s10;
	s29 =	sadd.s32 $0xE000, s7  }
0x1d: {  	v0 =	vimm.f32 $0.0e+00;
	s8 =	sadd.s32 $0x13000, s7;
	s10 =	simm.s32 $0x3;
	[dreg:$0x13] =	wrdreg s29  }
.LBB2_1:
0x1e: {  	s19 =	simm.s32 $0x0;
	s20 =	simm.s32 $0x200  }
.LBB2_2:
0x1f: {  	p0 =	sne.s32 s20, $0x3E00;
	[tilespmem:s19+$0x270] =	vst v0  }
0x20: {  	[tilespmem:s19+$0x200] =	vst v0  }
0x21: {  	[tilespmem:s19+$0x210] =	vst v0  }
.Ltmp0:
0x22: {  	[tilespmem:s19+$0x220] =	vst v0;
	(pc) =	sbr.rel @p0 .LBB2_2-.Ltmp0, $4  }
0x23: {  	[tilespmem:s19+$0x230] =	vst v0  }
0x24: {  	[tilespmem:s19+$0x240] =	vst v0  }
0x25: {  	[tilespmem:s19+$0x250] =	vst v0  }
0x26: {  	[tilespmem:s19+$0x260] =	vst v0;
	s19 =	sshra.s32 s20, $0x2;
	s20 =	sadd.s32 $0x200, s20  }
0x27: {  	[tilespmem:s19+$0x270] =	vst v0  }
0x28: {  	[tilespmem:s19+$0x200] =	vst v0  }
0x29: {  	[tilespmem:s19+$0x210] =	vst v0  }
0x2a: {  	[tilespmem:s19+$0x220] =	vst v0  }
0x2b: {  	[tilespmem:s19+$0x230] =	vst v0  }
0x2c: {  	[tilespmem:s19+$0x240] =	vst v0  }
0x2d: {  	[tilespmem:s19+$0x250] =	vst v0  }
0x2e: {  	[tilespmem:s19+$0x260] =	vst v0  }
0x2f: {  	[spmem:s7] =	stream.linear.scatter [tilespmem:s9], [sflag:$0x3], $0x1000, $0x38;
	[tilespmem:$0x1C200] =	vst v63  }
0x30: {  	_ =	swait.ge [sflag:s10], $0x1000  }
0x31: {  	[sflag:s10] =	ssyncset.done $0x0  }
0x32: {  	s29 =	rddreg [dreg:$0x6];
	[sflag:s10] =	ssyncadd.s32 $0xFFFFF000  }
0x33: {  	[spmem:s29] =	stream.linear.scatter [tilespmem:s9], [sflag:$0x3], $0x1000, $0x38;
	[tilespmem:$0x1C200] =	vst v63  }
0x34: {  	_ =	swait.ge [sflag:s10], $0x1000  }
0x35: {  	[sflag:s10] =	ssyncset.done $0x0  }
0x36: {  	s20 =	rddreg [dreg:$0x7];
	[sflag:s10] =	ssyncadd.s32 $0xFFFFF000  }
0x37: {  	[spmem:s20] =	stream.linear.scatter [tilespmem:s9], [sflag:$0x3], $0x1000, $0x38;
	[tilespmem:$0x1C200] =	vst v63  }
0x38: {  	_ =	swait.ge [sflag:s10], $0x1000  }
0x39: {  	[sflag:s10] =	ssyncset.done $0x0  }
0x3a: {  	s21 =	rddreg [dreg:$0x8];
	[sflag:s10] =	ssyncadd.s32 $0xFFFFF000  }
0x3b: {  	[spmem:s21] =	stream.linear.scatter [tilespmem:s9], [sflag:$0x3], $0x1000, $0x38;
	[tilespmem:$0x1C200] =	vst v63  }
0x3c: {  	_ =	swait.ge [sflag:s10], $0x1000  }
0x3d: {  	[sflag:s10] =	ssyncset.done $0x0  }
0x3e: {  	s26 =	rddreg [dreg:$0x9];
	[sflag:s10] =	ssyncadd.s32 $0xFFFFF000  }
0x3f: {  	[spmem:s26] =	stream.linear.scatter [tilespmem:s9], [sflag:$0x3], $0x1000, $0x38;
	[tilespmem:$0x1C200] =	vst v63  }
0x40: {  	_ =	swait.ge [sflag:s10], $0x1000  }
0x41: {  	[sflag:s10] =	ssyncset.done $0x0  }
0x42: {  	s28 =	rddreg [dreg:$0xa];
	[sflag:s10] =	ssyncadd.s32 $0xFFFFF000  }
0x43: {  	[spmem:s28] =	stream.linear.scatter [tilespmem:s9], [sflag:$0x3], $0x1000, $0x38;
	[tilespmem:$0x1C200] =	vst v63  }
0x44: {  	_ =	swait.ge [sflag:s10], $0x1000  }
0x45: {  	[sflag:s10] =	ssyncset.done $0x0  }
0x46: {  	s29 =	rddreg [dreg:$0xb];
	[sflag:s10] =	ssyncadd.s32 $0xFFFFF000  }
0x47: {  	[spmem:s29] =	stream.linear.scatter [tilespmem:s9], [sflag:$0x3], $0x1000, $0x38;
	[tilespmem:$0x1C200] =	vst v63  }
0x48: {  	_ =	swait.ge [sflag:s10], $0x1000  }
0x49: {  	[sflag:s10] =	ssyncset.done $0x0  }
0x4a: {  	s20 =	rddreg [dreg:$0xc];
	[sflag:s10] =	ssyncadd.s32 $0xFFFFF000  }
0x4b: {  	[spmem:s20] =	stream.linear.scatter [tilespmem:s9], [sflag:$0x3], $0x1000, $0x38;
	[tilespmem:$0x1C200] =	vst v63  }
0x4c: {  	_ =	swait.ge [sflag:s10], $0x1000  }
0x4d: {  	[sflag:s10] =	ssyncset.done $0x0  }
0x4e: {  	s21 =	rddreg [dreg:$0xd];
	[sflag:s10] =	ssyncadd.s32 $0xFFFFF000  }
0x4f: {  	[spmem:s21] =	stream.linear.scatter [tilespmem:s9], [sflag:$0x3], $0x1000, $0x38;
	[tilespmem:$0x1C200] =	vst v63  }
0x50: {  	_ =	swait.ge [sflag:s10], $0x1000  }
0x51: {  	[sflag:s10] =	ssyncset.done $0x0  }
0x52: {  	s26 =	rddreg [dreg:$0xe];
	[sflag:s10] =	ssyncadd.s32 $0xFFFFF000  }
0x53: {  	[spmem:s26] =	stream.linear.scatter [tilespmem:s9], [sflag:$0x3], $0x1000, $0x38;
	[tilespmem:$0x1C200] =	vst v63  }
0x54: {  	_ =	swait.ge [sflag:s10], $0x1000  }
0x55: {  	[sflag:s10] =	ssyncset.done $0x0  }
0x56: {  	s28 =	rddreg [dreg:$0xf];
	[sflag:s10] =	ssyncadd.s32 $0xFFFFF000  }
0x57: {  	[spmem:s28] =	stream.linear.scatter [tilespmem:s9], [sflag:$0x3], $0x1000, $0x38;
	[tilespmem:$0x1C200] =	vst v63  }
0x58: {  	_ =	swait.ge [sflag:s10], $0x1000  }
0x59: {  	[sflag:s10] =	ssyncset.done $0x0  }
0x5a: {  	s29 =	rddreg [dreg:$0x10];
	[sflag:s10] =	ssyncadd.s32 $0xFFFFF000  }
0x5b: {  	[spmem:s29] =	stream.linear.scatter [tilespmem:s9], [sflag:$0x3], $0x1000, $0x38;
	[tilespmem:$0x1C200] =	vst v63  }
0x5c: {  	_ =	swait.ge [sflag:s10], $0x1000  }
0x5d: {  	[sflag:s10] =	ssyncset.done $0x0  }
0x5e: {  	s20 =	rddreg [dreg:$0x11];
	[sflag:s10] =	ssyncadd.s32 $0xFFFFF000  }
0x5f: {  	[spmem:s20] =	stream.linear.scatter [tilespmem:s9], [sflag:$0x3], $0x1000, $0x38;
	[tilespmem:$0x1C200] =	vst v63  }
0x60: {  	_ =	swait.ge [sflag:s10], $0x1000  }
0x61: {  	[sflag:s10] =	ssyncset.done $0x0  }
0x62: {  	s21 =	rddreg [dreg:$0x12];
	[sflag:s10] =	ssyncadd.s32 $0xFFFFF000  }
0x63: {  	[spmem:s21] =	stream.linear.scatter [tilespmem:s9], [sflag:$0x3], $0x1000, $0x38;
	[tilespmem:$0x1C200] =	vst v63  }
0x64: {  	_ =	swait.ge [sflag:s10], $0x1000  }
0x65: {  	[sflag:s10] =	ssyncset.done $0x0  }
0x66: {  	s26 =	rddreg [dreg:$0x13];
	[sflag:s10] =	ssyncadd.s32 $0xFFFFF000  }
0x67: {  	[spmem:s26] =	stream.linear.scatter [tilespmem:s9], [sflag:$0x3], $0x1000, $0x38;
	[tilespmem:$0x1C200] =	vst v63  }
0x68: {  	_ =	swait.ge [sflag:s10], $0x1000  }
0x69: {  	[sflag:s10] =	ssyncset.done $0x0  }
0x6a: {  	[sflag:s10] =	ssyncadd.s32 $0xFFFFF000  }
0x6b: {  	[spmem:s30] =	stream.linear.scatter [tilespmem:s9], [sflag:$0x3], $0x1000, $0x38;
	[tilespmem:$0x1C200] =	vst v63  }
0x6c: {  	_ =	swait.ge [sflag:s10], $0x1000  }
0x6d: {  	[sflag:s10] =	ssyncset.done $0x0  }
0x6e: {  	[sflag:s10] =	ssyncadd.s32 $0xFFFFF000  }
0x6f: {  	[spmem:s31] =	stream.linear.scatter [tilespmem:s9], [sflag:$0x3], $0x1000, $0x38;
	[tilespmem:$0x1C200] =	vst v63  }
0x70: {  	_ =	swait.ge [sflag:s10], $0x1000  }
0x71: {  	[sflag:s10] =	ssyncset.done $0x0  }
0x72: {  	[sflag:s10] =	ssyncadd.s32 $0xFFFFF000  }
0x73: {  	[spmem:s0] =	stream.linear.scatter [tilespmem:s9], [sflag:$0x3], $0x1000, $0x38;
	[tilespmem:$0x1C200] =	vst v63  }
0x74: {  	_ =	swait.ge [sflag:s10], $0x1000  }
0x75: {  	[sflag:s10] =	ssyncset.done $0x0  }
0x76: {  	[sflag:s10] =	ssyncadd.s32 $0xFFFFF000  }
0x77: {  	[spmem:s2] =	stream.linear.scatter [tilespmem:s9], [sflag:$0x3], $0x1000, $0x38;
	[tilespmem:$0x1C200] =	vst v63  }
0x78: {  	_ =	swait.ge [sflag:s10], $0x1000  }
0x79: {  	[sflag:s10] =	ssyncset.done $0x0  }
0x7a: {  	[sflag:s10] =	ssyncadd.s32 $0xFFFFF000  }
0x7b: {  	[spmem:s8] =	stream.linear.scatter [tilespmem:s9], [sflag:$0x3], $0x1000, $0x38;
	[tilespmem:$0x1C200] =	vst v63  }
0x7c: {  	_ =	swait.ge [sflag:s10], $0x1000  }
0x7d: {  	[sflag:s10] =	ssyncset.done $0x0  }
0x7e: {  	s28 =	simm.s32 $0x0;
	s20 =	rddreg [dreg:$0x3];
	[sflag:s10] =	ssyncadd.s32 $0xFFFFF000  }
0x7f: {  	[tilespmem:s28], [sflag:$0x3] =	stream.linear.gather [hbm4b:s20+s28], $0x80, $0x38;
	[tilespmem:$0x1C200] =	vst v63  }
0x80: {  	_ =	swait.ge [sflag:s10], $0x80  }
0x81: {  	[sflag:s10] =	ssyncset.done $0x0  }
0x82: {  	s29 =	rddreg [dreg:$0x4];
	[sflag:s10] =	ssyncadd.s32 $0xFFFFFF80  }
0x83: {  	[tilespmem:s11], [sflag:$0x3] =	stream.linear.gather [hbm4b:s29+s28], $0x80, $0x38;
	[tilespmem:$0x1C200] =	vst v63  }
0x84: {  	_ =	swait.ge [sflag:s10], $0x80  }
0x85: {  	[sflag:s10] =	ssyncset.done $0x0  }
0x86: {  	[sflag:s10] =	ssyncadd.s32 $0xFFFFFF80  }
0x87: {  	[tilespmem:s9], [sflag:$0x1] =	stream.indirect.gather [hbm4b:s6+s12], $0x80, s28, s12, $0xb8;
	[tilespmem:$0x1C200] =	vst v63  }
0x88: {  	s21 =	sadd.s32 $0x0, s24;
	[bflag:$0x0] =	sbarrier.arrive $0xFFFF  }
0x89: {  	[tilespmem:s12], [sflag:$0x4] =	stream.linear.gather [hbm4b:s21+s3], $0x80, $0x38;
	[tilespmem:$0x1C200] =	vst v63  }
0x8a: {  	_ =	swait.ge [sflag:s13], $0x80  }
0x8b: {  	[sflag:s13] =	ssyncset.done $0x0  }
0x8c: {  	s26 =	sadd.s32 $0x0, s23;
	[sflag:s13] =	ssyncadd.s32 $0xFFFFFF80  }
0x8d: {  	[tilespmem:s14], [sflag:$0x4] =	stream.linear.gather [hbm4b:s26+s3], $0x80, $0x38;
	[tilespmem:$0x1C200] =	vst v63  }
0x8e: {  	_ =	swait.ge [sflag:s13], $0x80  }
0x8f: {  	[sflag:s13] =	ssyncset.done $0x0  }
0x90: {  	[sflag:s13] =	ssyncadd.s32 $0xFFFFFF80  }
0x91: {  	[tilespmem:s15], [sflag:$0x2] =	stream.indirect.gather [hbm4b:s6+s12], $0x80, s12, s12, $0xb8;
	[tilespmem:$0x1C200] =	vst v63  }
0x92: {  	_ =	swait.ge [sflag:s16], $0x4000  }
0x93: {  	[sflag:s16] =	ssyncset.done $0x0  }
0x94: {  	[sflag:s16] =	ssyncadd.s32 $0xFFFFC000  }
0x95: {  	[spmem:s1] =	stream.indirect.scatter.add.f32 [tilespmem:s9], [sflag:$0x4], $0x80, s11, s12, $0xb8;
	[tilespmem:$0x1C200] =	vst v63  }
0x96: {  	_ =	swait.ge [sflag:s13], $0x4000  }
0x97: {  	s28 =	sshrl.u32 s22, $0x3;
	[sflag:s13] =	ssyncset.done $0x0  }
0x98: {  	s29 =	sadd.s32 s4, s28;
	[sflag:s13] =	ssyncadd.s32 $0xFFFFC000  }
0x99: {  	[tilespmem:s3], [sflag:$0x4] =	stream.linear.gather [hbm4b:s29+s3], $0x80, $0x38;
	[tilespmem:$0x1C200] =	vst v63  }
0x9a: {  	_ =	swait.ge [sflag:s13], $0x80  }
0x9b: {  	[sflag:s13] =	ssyncset.done $0x0  }
0x9c: {  	s19 =	sadd.s32 s5, s28;
	[sflag:s13] =	ssyncadd.s32 $0xFFFFFF80  }
0x9d: {  	[tilespmem:s11], [sflag:$0x4] =	stream.linear.gather [hbm4b:s19+s3], $0x80, $0x38;
	[tilespmem:$0x1C200] =	vst v63  }
0x9e: {  	_ =	swait.ge [sflag:s13], $0x80  }
0x9f: {  	[sflag:s13] =	ssyncset.done $0x0  }
0xa0: {  	[sflag:s13] =	ssyncadd.s32 $0xFFFFFF80  }
0xa1: {  	[tilespmem:s9], [sflag:$0x1] =	stream.indirect.gather [hbm4b:s6+s12], $0x80, s3, s12, $0xb8;
	[tilespmem:$0x1C200] =	vst v63  }
0xa2: {  	_ =	swait.ge [sflag:s17], $0x4000  }
0xa3: {  	[sflag:s17] =	ssyncset.done $0x0  }
0xa4: {  	[sflag:s17] =	ssyncadd.s32 $0xFFFFC000  }
0xa5: {  	[spmem:s1] =	stream.indirect.scatter.add.f32 [tilespmem:s15], [sflag:$0x3], $0x80, s14, s12, $0xb8;
	[tilespmem:$0x1C200] =	vst v63  }
0xa6: {  	s20 =	simm.s32 $0x20;
	_ =	swait.ge [sflag:s10], $0x4000  }
0xa7: {  	s21 =	simm.s32 $0x40;
	s19 =	sadd.s32 $0x100, s22;
	[sflag:s10] =	ssyncset.done $0x0  }
.LBB2_4:
0xa8: {  	s28 =	sadd.s32 s20, s24  }
0xa9: {  	[sflag:s10] =	ssyncadd.s32 $0xFFFFC000;
	s29 =	smov.u32 s21;
	s26 =	sadd.s32 $0x20, s21  }
0xaa: {  	[tilespmem:s12], [sflag:$0x4] =	stream.linear.gather [hbm4b:s28+s3], $0x80, $0x38;
	[tilespmem:$0x1C200] =	vst v63  }
0xab: {  	p0 =	sne.s32 s21, $0x4C0;
	_ =	swait.ge [sflag:s13], $0x80  }
0xac: {  	[sflag:s13] =	ssyncset.done $0x0  }
0xad: {  	s21 =	sadd.s32 s20, s23;
	s20 =	smov.u32 s29;
	[sflag:s13] =	ssyncadd.s32 $0xFFFFFF80  }
0xae: {  	[tilespmem:s14], [sflag:$0x4] =	stream.linear.gather [hbm4b:s21+s3], $0x80, $0x38;
	[tilespmem:$0x1C200] =	vst v63  }
0xaf: {  	_ =	swait.ge [sflag:s13], $0x80  }
0xb0: {  	[sflag:s13] =	ssyncset.done $0x0  }
0xb1: {  	[sflag:s13] =	ssyncadd.s32 $0xFFFFFF80  }
0xb2: {  	[tilespmem:s15], [sflag:$0x2] =	stream.indirect.gather [hbm4b:s6+s12], $0x80, s12, s12, $0xb8;
	[tilespmem:$0x1C200] =	vst v63  }
0xb3: {  	_ =	swait.ge [sflag:s16], $0x4000  }
0xb4: {  	[sflag:s16] =	ssyncset.done $0x0  }
0xb5: {  	[sflag:s16] =	ssyncadd.s32 $0xFFFFC000  }
0xb6: {  	[spmem:s1] =	stream.indirect.scatter.add.f32 [tilespmem:s9], [sflag:$0x4], $0x80, s11, s12, $0xb8;
	[tilespmem:$0x1C200] =	vst v63  }
0xb7: {  	_ =	swait.ge [sflag:s13], $0x4000  }
0xb8: {  	s21 =	sshrl.u32 s19, $0x3;
	[sflag:s13] =	ssyncset.done $0x0  }
0xb9: {  	s28 =	sadd.s32 s4, s21;
	[sflag:s13] =	ssyncadd.s32 $0xFFFFC000  }
0xba: {  	[tilespmem:s3], [sflag:$0x4] =	stream.linear.gather [hbm4b:s28+s3], $0x80, $0x38;
	[tilespmem:$0x1C200] =	vst v63  }
0xbb: {  	_ =	swait.ge [sflag:s13], $0x80  }
0xbc: {  	[sflag:s13] =	ssyncset.done $0x0  }
0xbd: {  	s21 =	sadd.s32 s5, s21;
	[sflag:s13] =	ssyncadd.s32 $0xFFFFFF80  }
0xbe: {  	[tilespmem:s11], [sflag:$0x4] =	stream.linear.gather [hbm4b:s21+s3], $0x80, $0x38;
	[tilespmem:$0x1C200] =	vst v63  }
0xbf: {  	_ =	swait.ge [sflag:s13], $0x80  }
0xc0: {  	[sflag:s13] =	ssyncset.done $0x0  }
0xc1: {  	[sflag:s13] =	ssyncadd.s32 $0xFFFFFF80  }
0xc2: {  	[tilespmem:s9], [sflag:$0x1] =	stream.indirect.gather [hbm4b:s6+s12], $0x80, s3, s12, $0xb8;
	[tilespmem:$0x1C200] =	vst v63  }
0xc3: {  	_ =	swait.ge [sflag:s17], $0x4000  }
.Ltmp1:
0xc4: {  	[sflag:s17] =	ssyncset.done $0x0;
	(pc) =	sbr.rel @p0 .LBB2_4-.Ltmp1, $4  }
0xc5: {  	[sflag:s17] =	ssyncadd.s32 $0xFFFFC000  }
0xc6: {  	[spmem:s1] =	stream.indirect.scatter.add.f32 [tilespmem:s15], [sflag:$0x3], $0x80, s14, s12, $0xb8;
	[tilespmem:$0x1C200] =	vst v63  }
0xc7: {  	_ =	swait.ge [sflag:s10], $0x4000  }
0xc8: {  	s19 =	sadd.s32 $0x100, s19;
	s21 =	smov.u32 s26;
	[sflag:s10] =	ssyncset.done $0x0  }
0xc9: {  	s21 =	sadd.s32 s20, s24;
	[sflag:s10] =	ssyncadd.s32 $0xFFFFC000  }
0xca: {  	[tilespmem:s12], [sflag:$0x4] =	stream.linear.gather [hbm4b:s21+s3], $0x80, $0x38;
	[tilespmem:$0x1C200] =	vst v63  }
0xcb: {  	_ =	swait.ge [sflag:s13], $0x80  }
0xcc: {  	[sflag:s13] =	ssyncset.done $0x0  }
0xcd: {  	s26 =	sadd.s32 s20, s23;
	[sflag:s13] =	ssyncadd.s32 $0xFFFFFF80  }
0xce: {  	[tilespmem:s14], [sflag:$0x4] =	stream.linear.gather [hbm4b:s26+s3], $0x80, $0x38;
	[tilespmem:$0x1C200] =	vst v63  }
0xcf: {  	_ =	swait.ge [sflag:s13], $0x80  }
0xd0: {  	[sflag:s13] =	ssyncset.done $0x0  }
0xd1: {  	[sflag:s13] =	ssyncadd.s32 $0xFFFFFF80  }
0xd2: {  	[tilespmem:s15], [sflag:$0x2] =	stream.indirect.gather [hbm4b:s6+s12], $0x80, s12, s12, $0xb8;
	[tilespmem:$0x1C200] =	vst v63  }
0xd3: {  	_ =	swait.ge [sflag:s16], $0x4000  }
0xd4: {  	[sflag:s16] =	ssyncset.done $0x0  }
0xd5: {  	[sflag:s16] =	ssyncadd.s32 $0xFFFFC000  }
0xd6: {  	[spmem:s1] =	stream.indirect.scatter.add.f32 [tilespmem:s9], [sflag:$0x4], $0x80, s11, s12, $0xb8;
	[tilespmem:$0x1C200] =	vst v63  }
0xd7: {  	_ =	swait.ge [sflag:s13], $0x4000  }
0xd8: {  	s19 =	sshrl.u32 s19, $0x3;
	[sflag:s13] =	ssyncset.done $0x0  }
0xd9: {  	s28 =	sadd.s32 s4, s19;
	[sflag:s13] =	ssyncadd.s32 $0xFFFFC000  }
0xda: {  	[tilespmem:s3], [sflag:$0x4] =	stream.linear.gather [hbm4b:s28+s3], $0x80, $0x38;
	[tilespmem:$0x1C200] =	vst v63  }
0xdb: {  	_ =	swait.ge [sflag:s13], $0x80  }
0xdc: {  	[sflag:s13] =	ssyncset.done $0x0  }
0xdd: {  	s19 =	sadd.s32 s5, s19;
	[sflag:s13] =	ssyncadd.s32 $0xFFFFFF80  }
0xde: {  	[tilespmem:s11], [sflag:$0x4] =	stream.linear.gather [hbm4b:s19+s3], $0x80, $0x38;
	[tilespmem:$0x1C200] =	vst v63  }
0xdf: {  	_ =	swait.ge [sflag:s13], $0x80  }
0xe0: {  	[sflag:s13] =	ssyncset.done $0x0  }
0xe1: {  	[sflag:s13] =	ssyncadd.s32 $0xFFFFFF80  }
0xe2: {  	[tilespmem:s9], [sflag:$0x1] =	stream.indirect.gather [hbm4b:s6+s12], $0x80, s3, s12, $0xb8;
	[tilespmem:$0x1C200] =	vst v63  }
0xe3: {  	_ =	swait.ge [sflag:s17], $0x4000  }
0xe4: {  	[sflag:s17] =	ssyncset.done $0x0  }
0xe5: {  	[sflag:s17] =	ssyncadd.s32 $0xFFFFC000  }
0xe6: {  	[spmem:s1] =	stream.indirect.scatter.add.f32 [tilespmem:s15], [sflag:$0x3], $0x80, s14, s12, $0xb8;
	[tilespmem:$0x1C200] =	vst v63  }
0xe7: {  	_ =	swait.ge [sflag:s10], $0x4000  }
0xe8: {  	[sflag:s10] =	ssyncset.done $0x0  }
0xe9: {  	[sflag:s10] =	ssyncadd.s32 $0xFFFFC000  }
0xea: {  	_ =	swait.ge [sflag:s16], $0x4000  }
0xeb: {  	[sflag:s16] =	ssyncset.done $0x0  }
0xec: {  	[sflag:s16] =	ssyncadd.s32 $0xFFFFC000  }
0xed: {  	[spmem:s1] =	stream.indirect.scatter.add.f32 [tilespmem:s9], [sflag:$0x4], $0x80, s11, s12, $0xb8;
	[tilespmem:$0x1C200] =	vst v63  }
0xee: {  	_ =	swait.ge [sflag:s13], $0x4000  }
0xef: {  	[sflag:s13] =	ssyncset.done $0x0  }
0xf0: {  	[sflag:s13] =	ssyncadd.s32 $0xFFFFC000  }
0xf1: {  	[bflag:$0x0] =	sbarrier.arrive $0xFFFF  }
0xf2: {  	[tilespmem:s9], [sflag:$0x3] =	stream.linear.gather [spmem:s7], $0x1000, $0x38;
	[tilespmem:$0x1C200] =	vst v63  }
0xf3: {  	_ =	swait.ge [sflag:s10], $0x1000  }
0xf4: {  	[sflag:s10] =	ssyncset.done $0x0  }
0xf5: {  	s29 =	sadd.s32 $0x0, s25;
	[sflag:s10] =	ssyncadd.s32 $0xFFFFF000  }
0xf6: {  	[hbm4b:s29+s3] =	stream.linear.scatter [tilespmem:s9], [sflag:$0x3], $0x1000, $0x38;
	[tilespmem:$0x1C200] =	vst v63  }
0xf7: {  	_ =	swait.ge [sflag:s10], $0x1000  }
0xf8: {  	s20 =	smov.u32 s7;
	s19 =	simm.s32 $0x200;
	[sflag:s10] =	ssyncset.done $0x0  }
.LBB2_6:
0xf9: {  	p0 =	sne.s32 s19, $0x2600;
	[sflag:s10] =	ssyncadd.s32 $0xFFFFF000;
	s20 =	sadd.s32 $0x1000, s20  }
0xfa: {  	[tilespmem:s9], [sflag:$0x3] =	stream.linear.gather [spmem:s20], $0x1000, $0x38;
	[tilespmem:$0x1C200] =	vst v63  }
0xfb: {  	s21 =	smov.u32 s19;
	s19 =	sadd.s32 $0x200, s19;
	_ =	swait.ge [sflag:s10], $0x1000  }
.Ltmp2:
0xfc: {  	[sflag:s10] =	ssyncset.done $0x0;
	(pc) =	sbr.rel @p0 .LBB2_6-.Ltmp2, $4  }
0xfd: {  	s21 =	sadd.s32 s21, s25;
	[sflag:s10] =	ssyncadd.s32 $0xFFFFF000  }
0xfe: {  	[hbm4b:s21+s3] =	stream.linear.scatter [tilespmem:s9], [sflag:$0x3], $0x1000, $0x38;
	[tilespmem:$0x1C200] =	vst v63  }
0xff: {  	_ =	swait.ge [sflag:s10], $0x1000  }
0x100: {  	[sflag:s10] =	ssyncset.done $0x0  }
0x101: {  	s18 =	sadd.s32 $0x1, s18;
	s19 =	rddreg [dreg:$0x5]  }
0x102: {  	p0 =	sne.s32 s18, s19  }
.Ltmp3:
0x103: {  	_ = 	snop;
	(pc) =	sbr.rel @p0 .LBB2_1-.Ltmp3, $2  }
0x104: {  	_ =	sdelay $0x2  }
0x105: {  	[sflag:s10] =	ssyncadd.s32 $0xFFFFF000  }
0x106: {  	_ =	sfence.sel $0x180000  }
0x107: {  	[bflag:$0x0] =	sbarrier.arrive $0xFFFF  }
0x108: {  	_ =	strace $0x90000047  }
0x109: {  	s0 =	stileid.u32;
	[bflag:$0x2] =	sbarrier.arrive $0xFFFF  }
0x10a: {  	p0 =	sne.s32 s0, $0x0;
	s0 =	rddreg [dreg:$0x2]  }
0x10b: {  	s0 =	sadd.s32 @!p0 $0x100000, s0  }
0x10c: {  	[sflag:s0] =	ssyncadd.tile.s32 @!p0 $0x1;
	_ =	shalt  }
.Lfunc_end2:
_tile_overlayer_lowered:
.L_overlay_start_2:
0x10d: {  	(tag) =	ssettag $0x2  }
0x10e: {  	s0 =	rddreg [dreg:$0x0];
	s2 =	stileid.u32  }
0x10f: {  	s1 =	rddreg [dreg:$0x1];
	p0 =	sne.s32 s2, $0x0  }
0x110: {  	s3 =	rddreg [dreg:$0x2];
	[bflag:$0x3] =	sbarrier.arrive $0xFFFF;
	s2 =	simm.s32 @!p0 $0x1C03  }
0x111: {  	[timem:s3], [sflag:s2] =	dma.local @!p0 [hbm:s0], s1  }
0x112: {  	s0 =	simm.s32 @!p0 $0x3  }
0x113: {  	_ =	swait.ge @!p0 [sflag:s0], s1  }
0x114: {  	s1 =	ssub.s32 @!p0 $0x0, s1;
	[sflag:s0] =	ssyncset.done @!p0 $0x0  }
0x115: {  	[sflag:s0] =	ssyncadd.s32 @!p0 s1  }
0x116: {  	[bflag:$0x3] =	sbarrier.arrive $0xFFFF  }
0x117: {  	_ =	shalt  }

// kernel: kernel.16.cloned.1.call-start
scs
__scs_entry_jumppad:
0x0: {  	(pc) =	sbr.rel $0x88, $3  }
0x1: {  	(tag) =	ssettag $0x0;
	lr =	simm.s32 $0x1  }
0x2: {  	[smem:$0x3F99] =	sst lr;
	_ =	strace $0xD0000000  }
0x3: {  	_ = 	snop  }
0x4: {  	_ = 	snop  }
0x5: {  	_ = 	snop  }
0x6: {  	_ = 	snop  }
0x7: {  	_ = 	snop  }
__scs_overlays_trampoline_lowered:
0x8: {  	[smem:$0x3FA8] =	sst s0  }
0x9: {  	[smem:$0x3FA9] =	sst s1  }
0xa: {  	[smem:$0x3FAA] =	sst s2  }
0xb: {  	[smem:$0x3FAB] =	sst s3  }
0xc: {  	[smem:$0x3FAC] =	sst s4  }
0xd: {  	[smem:$0x3FAD] =	sst s5  }
0xe: {  	[smem:$0x3FAE] =	sst s6  }
0xf: {  	[smem:$0x3FAF] =	sst s7  }
0x10: {  	[smem:$0x3FB0] =	sst s8  }
0x11: {  	[smem:$0x3FB1] =	sst s9;
	s0 =	simm.s32 @!p0 $0x0  }
0x12: {  	s1 =	sld [smem:$0x3F97];
	s0 =	simm.s32 @p0 $0x1  }
0x13: {  	[smem:$0x3FB2] =	sst s0;
	s0 =	simm.s32 @!p1 $0x0  }
0x14: {  	s2 =	sld [smem:$0x3F96];
	s0 =	simm.s32 @p1 $0x1  }
0x15: {  	[smem:$0x3FB3] =	sst s0;
	s0 =	simm.s32 @!p2 $0x0  }
0x16: {  	s3 =	sld [smem:$0x3FDB];
	s0 =	simm.s32 @p2 $0x1  }
0x17: {  	s4 =	simm.s32 $0x1BF5;
	[smem:$0x3FB5] =	sst s0  }
0x18: {  	s0 =	sld [smem:$0x3F98];
	_ =	swait.ge [sflag:s4], $0x0  }
0x19: {  	s7 =	sld [smem:$0x3F99]  }
0x1a: {  	s8 =	sadd.s32 $0xFFFFE003, lr  }
0x1b: {  	s9 =	sadd.s32 $0xFFFFFEF7, lr;
	s5 =	simm.s32 $0xFFFFFFFF;
	p2 =	slt.u32 s8, $0xFFFFF086  }
0x1c: {  	p1 =	slt.u32 s9, $0xF7A;
	s5 =	simm.s32 @!p2 $0x0  }
0x1d: {  	s5 =	simm.s32 @p1 $0x1;
	p0 =	seq.s32 s7, s2  }
0x1e: {  	s7 =	smul.u32 @!p0 $0xF7A, s2;
	p2 =	seq.s32 @!p0 s5, $0x0  }
0x1f: {  	s9 =	smul.u32 $0xF7A, s1;
	s8 =	simm.s32 @!p0 $0x1BF5;
	p2 =	por !p2, p0  }
0x20: {  	[sflag:s8] =	ssyncset.s32 @!p0 $0xFFFFF086;
	s6 =	sadd.s32 @!p0 s3, s7;
	s7 =	simm.s32 @!p0 $0x108  }
0x21: {  	s3 =	sadd.s32 s3, s9;
	s6 =	sadd.s32 @!p0 $0x88, s6;
	s7 =	simm.s32 @p2 $0x1082  }
0x22: {  	[simem:s7], [sflag:s8] =	dma.local @!p0 [hbm:s6], $0xF7A  }
0x23: {  	s9 =	sor.u32 $0xD0000000, s2;
	s6 =	simm.s32 $0x108;
	_ =	swait.ge @!p0 [sflag:s8], $0x0  }
0x24: {  	s3 =	sadd.s32 $0x88, s3;
	s6 =	simm.s32 @!p1 $0x1082;
	[sflag:s4] =	ssyncset.s32 $0xFFFFF086  }
0x25: {  	[simem:s6], [sflag:s4] =	dma.local [hbm:s3], $0xF7A  }
0x26: {  	[smem:$0x3F99] =	sst s1;
	(tag) =	ssettag s2;
	_ =	strace s9  }
0x27: {  	s1 =	sld [smem:$0x3FA9]  }
0x28: {  	s2 =	sld [smem:$0x3FAA]  }
0x29: {  	s4 =	sld [smem:$0x3FAC]  }
0x2a: {  	p0 =	seq.s32 s5, $0x0;
	s5 =	sld [smem:$0x3FAD]  }
0x2b: {  	s6 =	sld [smem:$0x3FAE]  }
0x2c: {  	s7 =	sld [smem:$0x3FAF]  }
0x2d: {  	s3 =	simm.s32 $0x108;
	s8 =	sld [smem:$0x3FB0]  }
0x2e: {  	s3 =	simm.s32 @!p0 $0x1082;
	s9 =	sld [smem:$0x3FB1]  }
0x2f: {  	lr =	sadd.s32 s0, s3;
	s0 =	sld [smem:$0x3FA8]  }
0x30: {  	s3 =	sld [smem:$0x3FAB]  }
0x31: {  	[smem:$0x3FB4] =	sst s10  }
0x32: {  	s10 =	sld [smem:$0x3FB2];
	_ =	sdelay $0x3  }
0x33: {  	p0 =	seq.s32 s10, $0x1;
	s10 =	sld [smem:$0x3FB4];
	_ =	sdelay $0x3  }
0x34: {  	[smem:$0x3FB4] =	sst s10  }
0x35: {  	s10 =	sld [smem:$0x3FB3];
	_ =	sdelay $0x3  }
0x36: {  	p1 =	seq.s32 s10, $0x1;
	s10 =	sld [smem:$0x3FB4];
	_ =	sdelay $0x3  }
0x37: {  	[smem:$0x3FB4] =	sst s10  }
0x38: {  	s10 =	sld [smem:$0x3FB5]  }
0x39: {  	_ = 	snop;
	(pc) =	sbr.ind lr, $3  }
0x3a: {  	_ = 	snop  }
0x3b: {  	_ = 	snop  }
0x3c: {  	p2 =	seq.s32 s10, $0x1;
	s10 =	sld [smem:$0x3FB4]  }
0x3d: {  	_ =	shalt  }
0x3e: {  	_ =	shalt  }
0x3f: {  	_ =	shalt  }
0x40: {  	_ =	shalt  }
0x41: {  	_ =	shalt  }
0x42: {  	_ =	shalt  }
0x43: {  	_ =	shalt  }
0x44: {  	_ =	shalt  }
0x45: {  	_ =	shalt  }
0x46: {  	_ =	shalt  }
0x47: {  	_ =	shalt  }
0x48: {  	_ =	shalt  }
0x49: {  	_ =	shalt  }
0x4a: {  	_ =	shalt  }
0x4b: {  	_ =	shalt  }
0x4c: {  	_ =	shalt  }
0x4d: {  	_ =	shalt  }
0x4e: {  	_ =	shalt  }
0x4f: {  	_ =	shalt  }
0x50: {  	_ =	shalt  }
0x51: {  	_ =	shalt  }
0x52: {  	_ =	shalt  }
0x53: {  	_ =	shalt  }
0x54: {  	_ =	shalt  }
0x55: {  	_ =	shalt  }
0x56: {  	_ =	shalt  }
0x57: {  	_ =	shalt  }
0x58: {  	_ =	shalt  }
0x59: {  	_ =	shalt  }
0x5a: {  	_ =	shalt  }
0x5b: {  	_ =	shalt  }
0x5c: {  	_ =	shalt  }
0x5d: {  	_ =	shalt  }
0x5e: {  	_ =	shalt  }
0x5f: {  	_ =	shalt  }
0x60: {  	_ =	shalt  }
0x61: {  	_ =	shalt  }
0x62: {  	_ =	shalt  }
0x63: {  	_ =	shalt  }
0x64: {  	_ =	shalt  }
0x65: {  	_ =	shalt  }
0x66: {  	_ =	shalt  }
0x67: {  	_ =	shalt  }
0x68: {  	_ =	shalt  }
0x69: {  	_ =	shalt  }
0x6a: {  	_ =	shalt  }
0x6b: {  	_ =	shalt  }
0x6c: {  	_ =	shalt  }
0x6d: {  	_ =	shalt  }
0x6e: {  	_ =	shalt  }
0x6f: {  	_ =	shalt  }
0x70: {  	_ =	shalt  }
0x71: {  	_ =	shalt  }
0x72: {  	_ =	shalt  }
0x73: {  	_ =	shalt  }
0x74: {  	_ =	shalt  }
0x75: {  	_ =	shalt  }
0x76: {  	_ =	shalt  }
0x77: {  	_ =	shalt  }
0x78: {  	_ =	shalt  }
0x79: {  	_ =	shalt  }
0x7a: {  	_ =	shalt  }
0x7b: {  	_ =	shalt  }
0x7c: {  	_ =	shalt  }
0x7d: {  	_ =	shalt  }
0x7e: {  	_ =	shalt  }
0x7f: {  	_ =	shalt  }
0x80: {  	_ =	shalt  }
0x81: {  	_ =	shalt  }
0x82: {  	_ =	shalt  }
0x83: {  	_ =	shalt  }
0x84: {  	_ =	shalt  }
0x85: {  	_ =	shalt  }
0x86: {  	_ =	shalt  }
0x87: {  	_ =	shalt  }
.Lfunc_end0:
.L_simem_size_0:
called_computation.2_lowered:
.L_overlay_start_0:
0x88: {  	s2 =	sld [smem:$0x3FD9]  }
0x89: {  	s3 =	sld [smem:$0x3FFE];
	_ =	sdelay $0x1  }
0x8a: {  	s1 =	srdreg.scid  }
0x8b: {  	s0 =	sand.u32 $0x1, s1  }
0x8c: {  	s16 =	sshll.u32 s0, $0xA;
	s2 =	sadd.s32 s3, s2  }
0x8d: {  	s2 =	sadd.s32 s2, s16  }
0x8e: {  	[smem:$0x3FC0] =	sst s2  }
0x8f: {  	_ = 	snop  }
0x90: {  	(tm) =	ssettm $0x1  }
0x91: {  	s17 =	sld [smem:$0x3FFB];
	_ =	sdelay $0x3  }
0x92: {  	_ =	strace s17  }
0x93: {  	s2 =	sld [smem:$0x3FFC];
	_ =	sdelay $0x3  }
0x94: {  	_ =	strace s2  }
0x95: {  	s2 =	sld [smem:$0x3FFD];
	_ =	sdelay $0x3  }
0x96: {  	_ =	strace s2  }
0x97: {  	_ =	strace $0x8FFFFFFF  }
0x98: {  	s18 =	sld [smem:$0x3FDB];
	_ =	sdelay $0x1  }
0x99: {  	s19 =	simm.s32 $_scs_section_size  }
0x9a: {  	s4 =	simm.s32 $_size__tile_overlayer_lowered;
	s5 =	simm.s32 $_tile_overlayer_lowered  }
0x9b: {  	s22 =	simm.s32 $0x1BFF;
	s21 =	sshll.u32 s5, $0x1;
	s2 =	sadd.s32 s19, s18  }
0x9c: {  	s6 =	simm.s32 $0x0;
	s20 =	sshll.u32 s4, $0x1;
	s4 =	sadd.s32 s21, s2  }
0x9d: {  	[timem:s6], [sflag:s22] =	dma.local [hbm:s4], s20  }
0x9e: {  	_ =	swait.ge [sflag:s22], s20  }
0x9f: {  	s3 =	ssub.s32 $0x0, s20;
	[sflag:s22] =	ssyncset.done $0x0  }
0xa0: {  	[sflag:s22] =	ssyncadd.s32 s3;
	_ =	sdelay $0x1  }
0xa1: {  	s23 =	simm.s32 $0x1B8B  }
0xa2: {  	_ =	swait.ge [sflag:s23], $0x1  }
0xa3: {  	[sflag:s23] =	ssyncset.done $0x0  }
0xa4: {  	s25 =	simm.s32 $0x1B8E;
	s24 =	sld [smem:$0x3FFE];
	[sflag:s23] =	ssyncadd.s32 $0xFFFFFFFF  }
0xa5: {  	s26 =	simm.s32 $execute0_lowered;
	[smem:$0x3FD2] =	sst s25  }
0xa6: {  	s4 =	sshll.u32 s26, $0x1;
	_ =	strace $0x8000004C;
	[dreg:$0x1] =	wrdreg $0xFFFFFFFF  }
0xa7: {  	s28 =	simm.s32 $_size_execute0_lowered;
	s2 =	sadd.s32 s2, s4;
	[dreg:$0x0] =	wrdreg $0x0  }
0xa8: {  	s4 =	sshll.u32 s28, $0x1;
	[dreg:$0x2] =	wrdreg s2  }
0xa9: {  	[dreg:$0x3] =	wrdreg s4  }
0xaa: {  	[dreg:$0x4] =	wrdreg $0xC0  }
0xab: {  	_ =	task [dreg:s6], $0x5FFFF  }
0xac: {  	[dreg:$0x1] =	wrdreg $0xFFFFFFFF  }
0xad: {  	[dreg:$0x0] =	wrdreg $0x60  }
0xae: {  	[dreg:$0x2] =	wrdreg s24  }
0xaf: {  	[dreg:$0x3] =	wrdreg $0x82000  }
0xb0: {  	[dreg:$0x4] =	wrdreg $0x9  }
0xb1: {  	_ =	task.clear_ibuf [dreg:s6], $0x5FFFF;
	_ =	strace $0x9000004C  }
0xb2: {  	s29 =	simm.s32 $0x9;
	_ =	strace $0x8000004E  }
0xb3: {  	_ =	swait.ge [sflag:s29], $0x1  }
0xb4: {  	[sflag:s29] =	ssyncadd.s32 $0xFFFFFFFF  }
0xb5: {  	_ =	strace $0x9000004E  }
0xb6: {  	_ =	sfence  }
0xb7: {  	s30 =	sld [smem:$0x0];
	_ =	sdelay $0x2  }
0xb8: {  	s31 =	sshll.u32 s1, $0xD;
	s1 =	sshrl.u32 s1, $0x2  }
0xb9: {  	s3 =	sand.u32 $0x4000, s31;
	s1 =	sadd.s32 s1, s30  }
0xba: {  	s0 =	sor.u32 s3, s0;
	s1 =	sshll.u32 s1, $0x11  }
0xbb: {  	s0 =	sor.u32 s1, s0  }
0xbc: {  	s0 =	sadd.s32 $0x8F2B, s0  }
0xbd: {  	[sflag:s0] =	ssyncadd.remote.s32 $0x1  }
0xbe: {  	_ =	sfence.sel $0xFFFF  }
0xbf: {  	[dreg:$0x0] =	wrdreg $0xFFFFFFFF;
	(pc) =	sbr.abs _section_cstart, $3  }
0xc0: {  	[dreg:$0x1] =	wrdreg $0xFFFFFFFF  }
0xc1: {  	_ =	task.clear_ibuf [dreg:s6], $0x2FFFF;
	_ =	strace $0x9FFFFFFF  }
0xc2: {  	(tm) =	ssettm $0x7FFFFFFF  }
0xc3: {  	_ =	shalt  }
tec
execute0_lowered:
.L_overlay_start_1:
0x0: {  	(tag) =	ssettag $0x1  }
0x1: {  	s0 =	rddreg [dreg:$0x0]  }
0x2: {  	s1 =	rddreg [dreg:$0x1];
	s11 =	stileid.u32  }
0x3: {  	s3 =	simm.s32 $0x0;
	s2 =	srdreg.scid;
	s7 =	smul.u32 $0x14000, s11  }
0x4: {  	[smem:$0x7FF] =	sst s3;
	s2 =	sand.u32 $0x1, s2;
	s26 =	smul.u32 $0x50000, s11  }
0x5: {  	s4 =	sadd.s32 $0xC200, s0;
	s5 =	sadd.s32 $0x2400, s0;
	s15 =	smul.u32 $0x2780, s11  }
0x6: {  	s6 =	smul.u32 $0x140000, s2;
	_ =	strace $0x8000004D;
	s8 =	sshll.u32 s2, $0x4  }
0x7: {  	s10 =	ssub.s32 $0x2, s2;
	s2 =	smul.u32 $0x27800, s2;
	s8 =	sor.u32 s11, s8  }
0x8: {  	s28 =	sshrl.u32 s10, $0x1;
	s11 =	simm.s32 $0x100;
	s6 =	sadd.s32 s7, s6  }
0x9: {  	s8 =	smul.u32 $0x2780, s8;
	s7 =	sshrl.u32 s26, $0x2;
	s2 =	sadd.s32 s15, s2  }
0xa: {  	s15 =	simm.s32 $0x4200;
	s9 =	sshrl.u32 s6, $0x3;
	s7 =	sadd.s32 s7, s1  }
0xb: {  	s6 =	sadd.s32 $0x16000, s0;
	s23 =	sadd.s32 $0x80, s2;
	s12 =	sadd.s32 $0x1000, s7  }
0xc: {  	s0 =	sadd.s32 s9, s0;
	s13 =	sadd.s32 $0x2000, s7;
	[dreg:$0x6] =	wrdreg s12  }
0xd: {  	s9 =	ssub.s32 s10, s28;
	s14 =	sadd.s32 $0x3000, s7;
	[dreg:$0x7] =	wrdreg s13  }
0xe: {  	s8 =	sshrl.u32 s8, $0x3;
	s16 =	sadd.s32 $0x4000, s7;
	[dreg:$0x8] =	wrdreg s14  }
0xf: {  	s17 =	sadd.s32 $0x5000, s7;
	s18 =	sadd.s32 $0x6000, s7;
	[dreg:$0x9] =	wrdreg s16  }
0x10: {  	s19 =	sadd.s32 $0x7000, s7;
	s20 =	sadd.s32 $0x8000, s7;
	[dreg:$0xa] =	wrdreg s17  }
0x11: {  	s21 =	sadd.s32 $0x9000, s7;
	s22 =	sadd.s32 $0xA000, s7;
	[dreg:$0xb] =	wrdreg s18  }
0x12: {  	s24 =	sadd.s32 $0xB000, s7;
	s25 =	sshrl.u32 s23, $0x3;
	[dreg:$0xc] =	wrdreg s19  }
0x13: {  	s26 =	sadd.s32 $0xC000, s7;
	s28 =	sadd.s32 $0xD000, s7;
	[dreg:$0xd] =	wrdreg s20  }
0x14: {  	s30 =	sadd.s32 $0xF000, s7;
	s31 =	sadd.s32 $0x10000, s7;
	[dreg:$0xe] =	wrdreg s21  }
0x15: {  	s29 =	sadd.s32 s4, s8;
	s8 =	sadd.s32 s5, s8;
	[dreg:$0xf] =	wrdreg s22  }
0x16: {  	s10 =	smax.u32 s9, $0x1;
	[dreg:$0x10] =	wrdreg s24;
	s22 =	sadd.s32 $0x100, s2  }
0x17: {  	s23 =	sadd.s32 s25, s5;
	s24 =	sadd.s32 s25, s4;
	[dreg:$0x11] =	wrdreg s26  }
0x18: {  	s25 =	sadd.s32 $0x3E000, s0;
	[dreg:$0x12] =	wrdreg s28;
	s0 =	sadd.s32 $0x11000, s7  }
0x19: {  	s2 =	sadd.s32 $0x12000, s7;
	s9 =	simm.s32 $0x200;
	s12 =	simm.s32 $0x80  }
0x1a: {  	s13 =	simm.s32 $0x4;
	s14 =	simm.s32 $0x180;
	[dreg:$0x3] =	wrdreg s29  }
0x1b: {  	s16 =	simm.s32 $0x1;
	s17 =	simm.s32 $0x2;
	[dreg:$0x4] =	wrdreg s8  }
0x1c: {  	s18 =	simm.s32 $0x0;
	[dreg:$0x5] =	wrdreg s10;
	s29 =	sadd.s32 $0xE000, s7  }
0x1d: {  	v0 =	vimm.f32 $0.0e+00;
	s8 =	sadd.s32 $0x13000, s7;
	s10 =	simm.s32 $0x3;
	[dreg:$0x13] =	wrdreg s29  }
.LBB2_1:
0x1e: {  	s19 =	simm.s32 $0x0;
	s20 =	simm.s32 $0x200  }
.LBB2_2:
0x1f: {  	p0 =	sne.s32 s20, $0x3E00;
	[tilespmem:s19+$0x270] =	vst v0  }
0x20: {  	[tilespmem:s19+$0x200] =	vst v0  }
0x21: {  	[tilespmem:s19+$0x210] =	vst v0  }
.Ltmp0:
0x22: {  	[tilespmem:s19+$0x220] =	vst v0;
	(pc) =	sbr.rel @p0 .LBB2_2-.Ltmp0, $4  }
0x23: {  	[tilespmem:s19+$0x230] =	vst v0  }
0x24: {  	[tilespmem:s19+$0x240] =	vst v0  }
0x25: {  	[tilespmem:s19+$0x250] =	vst v0  }
0x26: {  	[tilespmem:s19+$0x260] =	vst v0;
	s19 =	sshra.s32 s20, $0x2;
	s20 =	sadd.s32 $0x200, s20  }
0x27: {  	[tilespmem:s19+$0x270] =	vst v0  }
0x28: {  	[tilespmem:s19+$0x200] =	vst v0  }
0x29: {  	[tilespmem:s19+$0x210] =	vst v0  }
0x2a: {  	[tilespmem:s19+$0x220] =	vst v0  }
0x2b: {  	[tilespmem:s19+$0x230] =	vst v0  }
0x2c: {  	[tilespmem:s19+$0x240] =	vst v0  }
0x2d: {  	[tilespmem:s19+$0x250] =	vst v0  }
0x2e: {  	[tilespmem:s19+$0x260] =	vst v0  }
0x2f: {  	[spmem:s7] =	stream.linear.scatter [tilespmem:s9], [sflag:$0x3], $0x1000, $0x38;
	[tilespmem:$0x1C200] =	vst v63  }
0x30: {  	_ =	swait.ge [sflag:s10], $0x1000  }
0x31: {  	[sflag:s10] =	ssyncset.done $0x0  }
0x32: {  	s29 =	rddreg [dreg:$0x6];
	[sflag:s10] =	ssyncadd.s32 $0xFFFFF000  }
0x33: {  	[spmem:s29] =	stream.linear.scatter [tilespmem:s9], [sflag:$0x3], $0x1000, $0x38;
	[tilespmem:$0x1C200] =	vst v63  }
0x34: {  	_ =	swait.ge [sflag:s10], $0x1000  }
0x35: {  	[sflag:s10] =	ssyncset.done $0x0  }
0x36: {  	s20 =	rddreg [dreg:$0x7];
	[sflag:s10] =	ssyncadd.s32 $0xFFFFF000  }
0x37: {  	[spmem:s20] =	stream.linear.scatter [tilespmem:s9], [sflag:$0x3], $0x1000, $0x38;
	[tilespmem:$0x1C200] =	vst v63  }
0x38: {  	_ =	swait.ge [sflag:s10], $0x1000  }
0x39: {  	[sflag:s10] =	ssyncset.done $0x0  }
0x3a: {  	s21 =	rddreg [dreg:$0x8];
	[sflag:s10] =	ssyncadd.s32 $0xFFFFF000  }
0x3b: {  	[spmem:s21] =	stream.linear.scatter [tilespmem:s9], [sflag:$0x3], $0x1000, $0x38;
	[tilespmem:$0x1C200] =	vst v63  }
0x3c: {  	_ =	swait.ge [sflag:s10], $0x1000  }
0x3d: {  	[sflag:s10] =	ssyncset.done $0x0  }
0x3e: {  	s26 =	rddreg [dreg:$0x9];
	[sflag:s10] =	ssyncadd.s32 $0xFFFFF000  }
0x3f: {  	[spmem:s26] =	stream.linear.scatter [tilespmem:s9], [sflag:$0x3], $0x1000, $0x38;
	[tilespmem:$0x1C200] =	vst v63  }
0x40: {  	_ =	swait.ge [sflag:s10], $0x1000  }
0x41: {  	[sflag:s10] =	ssyncset.done $0x0  }
0x42: {  	s28 =	rddreg [dreg:$0xa];
	[sflag:s10] =	ssyncadd.s32 $0xFFFFF000  }
0x43: {  	[spmem:s28] =	stream.linear.scatter [tilespmem:s9], [sflag:$0x3], $0x1000, $0x38;
	[tilespmem:$0x1C200] =	vst v63  }
0x44: {  	_ =	swait.ge [sflag:s10], $0x1000  }
0x45: {  	[sflag:s10] =	ssyncset.done $0x0  }
0x46: {  	s29 =	rddreg [dreg:$0xb];
	[sflag:s10] =	ssyncadd.s32 $0xFFFFF000  }
0x47: {  	[spmem:s29] =	stream.linear.scatter [tilespmem:s9], [sflag:$0x3], $0x1000, $0x38;
	[tilespmem:$0x1C200] =	vst v63  }
0x48: {  	_ =	swait.ge [sflag:s10], $0x1000  }
0x49: {  	[sflag:s10] =	ssyncset.done $0x0  }
0x4a: {  	s20 =	rddreg [dreg:$0xc];
	[sflag:s10] =	ssyncadd.s32 $0xFFFFF000  }
0x4b: {  	[spmem:s20] =	stream.linear.scatter [tilespmem:s9], [sflag:$0x3], $0x1000, $0x38;
	[tilespmem:$0x1C200] =	vst v63  }
0x4c: {  	_ =	swait.ge [sflag:s10], $0x1000  }
0x4d: {  	[sflag:s10] =	ssyncset.done $0x0  }
0x4e: {  	s21 =	rddreg [dreg:$0xd];
	[sflag:s10] =	ssyncadd.s32 $0xFFFFF000  }
0x4f: {  	[spmem:s21] =	stream.linear.scatter [tilespmem:s9], [sflag:$0x3], $0x1000, $0x38;
	[tilespmem:$0x1C200] =	vst v63  }
0x50: {  	_ =	swait.ge [sflag:s10], $0x1000  }
0x51: {  	[sflag:s10] =	ssyncset.done $0x0  }
0x52: {  	s26 =	rddreg [dreg:$0xe];
	[sflag:s10] =	ssyncadd.s32 $0xFFFFF000  }
0x53: {  	[spmem:s26] =	stream.linear.scatter [tilespmem:s9], [sflag:$0x3], $0x1000, $0x38;
	[tilespmem:$0x1C200] =	vst v63  }
0x54: {  	_ =	swait.ge [sflag:s10], $0x1000  }
0x55: {  	[sflag:s10] =	ssyncset.done $0x0  }
0x56: {  	s28 =	rddreg [dreg:$0xf];
	[sflag:s10] =	ssyncadd.s32 $0xFFFFF000  }
0x57: {  	[spmem:s28] =	stream.linear.scatter [tilespmem:s9], [sflag:$0x3], $0x1000, $0x38;
	[tilespmem:$0x1C200] =	vst v63  }
0x58: {  	_ =	swait.ge [sflag:s10], $0x1000  }
0x59: {  	[sflag:s10] =	ssyncset.done $0x0  }
0x5a: {  	s29 =	rddreg [dreg:$0x10];
	[sflag:s10] =	ssyncadd.s32 $0xFFFFF000  }
0x5b: {  	[spmem:s29] =	stream.linear.scatter [tilespmem:s9], [sflag:$0x3], $0x1000, $0x38;
	[tilespmem:$0x1C200] =	vst v63  }
0x5c: {  	_ =	swait.ge [sflag:s10], $0x1000  }
0x5d: {  	[sflag:s10] =	ssyncset.done $0x0  }
0x5e: {  	s20 =	rddreg [dreg:$0x11];
	[sflag:s10] =	ssyncadd.s32 $0xFFFFF000  }
0x5f: {  	[spmem:s20] =	stream.linear.scatter [tilespmem:s9], [sflag:$0x3], $0x1000, $0x38;
	[tilespmem:$0x1C200] =	vst v63  }
0x60: {  	_ =	swait.ge [sflag:s10], $0x1000  }
0x61: {  	[sflag:s10] =	ssyncset.done $0x0  }
0x62: {  	s21 =	rddreg [dreg:$0x12];
	[sflag:s10] =	ssyncadd.s32 $0xFFFFF000  }
0x63: {  	[spmem:s21] =	stream.linear.scatter [tilespmem:s9], [sflag:$0x3], $0x1000, $0x38;
	[tilespmem:$0x1C200] =	vst v63  }
0x64: {  	_ =	swait.ge [sflag:s10], $0x1000  }
0x65: {  	[sflag:s10] =	ssyncset.done $0x0  }
0x66: {  	s26 =	rddreg [dreg:$0x13];
	[sflag:s10] =	ssyncadd.s32 $0xFFFFF000  }
0x67: {  	[spmem:s26] =	stream.linear.scatter [tilespmem:s9], [sflag:$0x3], $0x1000, $0x38;
	[tilespmem:$0x1C200] =	vst v63  }
0x68: {  	_ =	swait.ge [sflag:s10], $0x1000  }
0x69: {  	[sflag:s10] =	ssyncset.done $0x0  }
0x6a: {  	[sflag:s10] =	ssyncadd.s32 $0xFFFFF000  }
0x6b: {  	[spmem:s30] =	stream.linear.scatter [tilespmem:s9], [sflag:$0x3], $0x1000, $0x38;
	[tilespmem:$0x1C200] =	vst v63  }
0x6c: {  	_ =	swait.ge [sflag:s10], $0x1000  }
0x6d: {  	[sflag:s10] =	ssyncset.done $0x0  }
0x6e: {  	[sflag:s10] =	ssyncadd.s32 $0xFFFFF000  }
0x6f: {  	[spmem:s31] =	stream.linear.scatter [tilespmem:s9], [sflag:$0x3], $0x1000, $0x38;
	[tilespmem:$0x1C200] =	vst v63  }
0x70: {  	_ =	swait.ge [sflag:s10], $0x1000  }
0x71: {  	[sflag:s10] =	ssyncset.done $0x0  }
0x72: {  	[sflag:s10] =	ssyncadd.s32 $0xFFFFF000  }
0x73: {  	[spmem:s0] =	stream.linear.scatter [tilespmem:s9], [sflag:$0x3], $0x1000, $0x38;
	[tilespmem:$0x1C200] =	vst v63  }
0x74: {  	_ =	swait.ge [sflag:s10], $0x1000  }
0x75: {  	[sflag:s10] =	ssyncset.done $0x0  }
0x76: {  	[sflag:s10] =	ssyncadd.s32 $0xFFFFF000  }
0x77: {  	[spmem:s2] =	stream.linear.scatter [tilespmem:s9], [sflag:$0x3], $0x1000, $0x38;
	[tilespmem:$0x1C200] =	vst v63  }
0x78: {  	_ =	swait.ge [sflag:s10], $0x1000  }
0x79: {  	[sflag:s10] =	ssyncset.done $0x0  }
0x7a: {  	[sflag:s10] =	ssyncadd.s32 $0xFFFFF000  }
0x7b: {  	[spmem:s8] =	stream.linear.scatter [tilespmem:s9], [sflag:$0x3], $0x1000, $0x38;
	[tilespmem:$0x1C200] =	vst v63  }
0x7c: {  	_ =	swait.ge [sflag:s10], $0x1000  }
0x7d: {  	[sflag:s10] =	ssyncset.done $0x0  }
0x7e: {  	s28 =	simm.s32 $0x0;
	s20 =	rddreg [dreg:$0x3];
	[sflag:s10] =	ssyncadd.s32 $0xFFFFF000  }
0x7f: {  	[tilespmem:s28], [sflag:$0x3] =	stream.linear.gather [hbm4b:s20+s28], $0x80, $0x38;
	[tilespmem:$0x1C200] =	vst v63  }
0x80: {  	_ =	swait.ge [sflag:s10], $0x80  }
0x81: {  	[sflag:s10] =	ssyncset.done $0x0  }
0x82: {  	s29 =	rddreg [dreg:$0x4];
	[sflag:s10] =	ssyncadd.s32 $0xFFFFFF80  }
0x83: {  	[tilespmem:s11], [sflag:$0x3] =	stream.linear.gather [hbm4b:s29+s28], $0x80, $0x38;
	[tilespmem:$0x1C200] =	vst v63  }
0x84: {  	_ =	swait.ge [sflag:s10], $0x80  }
0x85: {  	[sflag:s10] =	ssyncset.done $0x0  }
0x86: {  	[sflag:s10] =	ssyncadd.s32 $0xFFFFFF80  }
0x87: {  	[tilespmem:s9], [sflag:$0x1] =	stream.indirect.gather [hbm4b:s6+s12], $0x80, s28, s12, $0xb8;
	[tilespmem:$0x1C200] =	vst v63  }
0x88: {  	s21 =	sadd.s32 $0x0, s24;
	[bflag:$0x0] =	sbarrier.arrive $0xFFFF  }
0x89: {  	[tilespmem:s12], [sflag:$0x4] =	stream.linear.gather [hbm4b:s21+s3], $0x80, $0x38;
	[tilespmem:$0x1C200] =	vst v63  }
0x8a: {  	_ =	swait.ge [sflag:s13], $0x80  }
0x8b: {  	[sflag:s13] =	ssyncset.done $0x0  }
0x8c: {  	s26 =	sadd.s32 $0x0, s23;
	[sflag:s13] =	ssyncadd.s32 $0xFFFFFF80  }
0x8d: {  	[tilespmem:s14], [sflag:$0x4] =	stream.linear.gather [hbm4b:s26+s3], $0x80, $0x38;
	[tilespmem:$0x1C200] =	vst v63  }
0x8e: {  	_ =	swait.ge [sflag:s13], $0x80  }
0x8f: {  	[sflag:s13] =	ssyncset.done $0x0  }
0x90: {  	[sflag:s13] =	ssyncadd.s32 $0xFFFFFF80  }
0x91: {  	[tilespmem:s15], [sflag:$0x2] =	stream.indirect.gather [hbm4b:s6+s12], $0x80, s12, s12, $0xb8;
	[tilespmem:$0x1C200] =	vst v63  }
0x92: {  	_ =	swait.ge [sflag:s16], $0x4000  }
0x93: {  	[sflag:s16] =	ssyncset.done $0x0  }
0x94: {  	[sflag:s16] =	ssyncadd.s32 $0xFFFFC000  }
0x95: {  	[spmem:s1] =	stream.indirect.scatter.add.f32 [tilespmem:s9], [sflag:$0x4], $0x80, s11, s12, $0xb8;
	[tilespmem:$0x1C200] =	vst v63  }
0x96: {  	_ =	swait.ge [sflag:s13], $0x4000  }
0x97: {  	s28 =	sshrl.u32 s22, $0x3;
	[sflag:s13] =	ssyncset.done $0x0  }
0x98: {  	s29 =	sadd.s32 s4, s28;
	[sflag:s13] =	ssyncadd.s32 $0xFFFFC000  }
0x99: {  	[tilespmem:s3], [sflag:$0x4] =	stream.linear.gather [hbm4b:s29+s3], $0x80, $0x38;
	[tilespmem:$0x1C200] =	vst v63  }
0x9a: {  	_ =	swait.ge [sflag:s13], $0x80  }
0x9b: {  	[sflag:s13] =	ssyncset.done $0x0  }
0x9c: {  	s19 =	sadd.s32 s5, s28;
	[sflag:s13] =	ssyncadd.s32 $0xFFFFFF80  }
0x9d: {  	[tilespmem:s11], [sflag:$0x4] =	stream.linear.gather [hbm4b:s19+s3], $0x80, $0x38;
	[tilespmem:$0x1C200] =	vst v63  }
0x9e: {  	_ =	swait.ge [sflag:s13], $0x80  }
0x9f: {  	[sflag:s13] =	ssyncset.done $0x0  }
0xa0: {  	[sflag:s13] =	ssyncadd.s32 $0xFFFFFF80  }
0xa1: {  	[tilespmem:s9], [sflag:$0x1] =	stream.indirect.gather [hbm4b:s6+s12], $0x80, s3, s12, $0xb8;
	[tilespmem:$0x1C200] =	vst v63  }
0xa2: {  	_ =	swait.ge [sflag:s17], $0x4000  }
0xa3: {  	[sflag:s17] =	ssyncset.done $0x0  }
0xa4: {  	[sflag:s17] =	ssyncadd.s32 $0xFFFFC000  }
0xa5: {  	[spmem:s1] =	stream.indirect.scatter.add.f32 [tilespmem:s15], [sflag:$0x3], $0x80, s14, s12, $0xb8;
	[tilespmem:$0x1C200] =	vst v63  }
0xa6: {  	s20 =	simm.s32 $0x20;
	_ =	swait.ge [sflag:s10], $0x4000  }
0xa7: {  	s21 =	simm.s32 $0x40;
	s19 =	sadd.s32 $0x100, s22;
	[sflag:s10] =	ssyncset.done $0x0  }
.LBB2_4:
0xa8: {  	s28 =	sadd.s32 s20, s24  }
0xa9: {  	[sflag:s10] =	ssyncadd.s32 $0xFFFFC000;
	s29 =	smov.u32 s21;
	s26 =	sadd.s32 $0x20, s21  }
0xaa: {  	[tilespmem:s12], [sflag:$0x4] =	stream.linear.gather [hbm4b:s28+s3], $0x80, $0x38;
	[tilespmem:$0x1C200] =	vst v63  }
0xab: {  	p0 =	sne.s32 s21, $0x4C0;
	_ =	swait.ge [sflag:s13], $0x80  }
0xac: {  	[sflag:s13] =	ssyncset.done $0x0  }
0xad: {  	s21 =	sadd.s32 s20, s23;
	s20 =	smov.u32 s29;
	[sflag:s13] =	ssyncadd.s32 $0xFFFFFF80  }
0xae: {  	[tilespmem:s14], [sflag:$0x4] =	stream.linear.gather [hbm4b:s21+s3], $0x80, $0x38;
	[tilespmem:$0x1C200] =	vst v63  }
0xaf: {  	_ =	swait.ge [sflag:s13], $0x80  }
0xb0: {  	[sflag:s13] =	ssyncset.done $0x0  }
0xb1: {  	[sflag:s13] =	ssyncadd.s32 $0xFFFFFF80  }
0xb2: {  	[tilespmem:s15], [sflag:$0x2] =	stream.indirect.gather [hbm4b:s6+s12], $0x80, s12, s12, $0xb8;
	[tilespmem:$0x1C200] =	vst v63  }
0xb3: {  	_ =	swait.ge [sflag:s16], $0x4000  }
0xb4: {  	[sflag:s16] =	ssyncset.done $0x0  }
0xb5: {  	[sflag:s16] =	ssyncadd.s32 $0xFFFFC000  }
0xb6: {  	[spmem:s1] =	stream.indirect.scatter.add.f32 [tilespmem:s9], [sflag:$0x4], $0x80, s11, s12, $0xb8;
	[tilespmem:$0x1C200] =	vst v63  }
0xb7: {  	_ =	swait.ge [sflag:s13], $0x4000  }
0xb8: {  	s21 =	sshrl.u32 s19, $0x3;
	[sflag:s13] =	ssyncset.done $0x0  }
0xb9: {  	s28 =	sadd.s32 s4, s21;
	[sflag:s13] =	ssyncadd.s32 $0xFFFFC000  }
0xba: {  	[tilespmem:s3], [sflag:$0x4] =	stream.linear.gather [hbm4b:s28+s3], $0x80, $0x38;
	[tilespmem:$0x1C200] =	vst v63  }
0xbb: {  	_ =	swait.ge [sflag:s13], $0x80  }
0xbc: {  	[sflag:s13] =	ssyncset.done $0x0  }
0xbd: {  	s21 =	sadd.s32 s5, s21;
	[sflag:s13] =	ssyncadd.s32 $0xFFFFFF80  }
0xbe: {  	[tilespmem:s11], [sflag:$0x4] =	stream.linear.gather [hbm4b:s21+s3], $0x80, $0x38;
	[tilespmem:$0x1C200] =	vst v63  }
0xbf: {  	_ =	swait.ge [sflag:s13], $0x80  }
0xc0: {  	[sflag:s13] =	ssyncset.done $0x0  }
0xc1: {  	[sflag:s13] =	ssyncadd.s32 $0xFFFFFF80  }
0xc2: {  	[tilespmem:s9], [sflag:$0x1] =	stream.indirect.gather [hbm4b:s6+s12], $0x80, s3, s12, $0xb8;
	[tilespmem:$0x1C200] =	vst v63  }
0xc3: {  	_ =	swait.ge [sflag:s17], $0x4000  }
.Ltmp1:
0xc4: {  	[sflag:s17] =	ssyncset.done $0x0;
	(pc) =	sbr.rel @p0 .LBB2_4-.Ltmp1, $4  }
0xc5: {  	[sflag:s17] =	ssyncadd.s32 $0xFFFFC000  }
0xc6: {  	[spmem:s1] =	stream.indirect.scatter.add.f32 [tilespmem:s15], [sflag:$0x3], $0x80, s14, s12, $0xb8;
	[tilespmem:$0x1C200] =	vst v63  }
0xc7: {  	_ =	swait.ge [sflag:s10], $0x4000  }
0xc8: {  	s19 =	sadd.s32 $0x100, s19;
	s21 =	smov.u32 s26;
	[sflag:s10] =	ssyncset.done $0x0  }
0xc9: {  	s21 =	sadd.s32 s20, s24;
	[sflag:s10] =	ssyncadd.s32 $0xFFFFC000  }
0xca: {  	[tilespmem:s12], [sflag:$0x4] =	stream.linear.gather [hbm4b:s21+s3], $0x80, $0x38;
	[tilespmem:$0x1C200] =	vst v63  }
0xcb: {  	_ =	swait.ge [sflag:s13], $0x80  }
0xcc: {  	[sflag:s13] =	ssyncset.done $0x0  }
0xcd: {  	s26 =	sadd.s32 s20, s23;
	[sflag:s13] =	ssyncadd.s32 $0xFFFFFF80  }
0xce: {  	[tilespmem:s14], [sflag:$0x4] =	stream.linear.gather [hbm4b:s26+s3], $0x80, $0x38;
	[tilespmem:$0x1C200] =	vst v63  }
0xcf: {  	_ =	swait.ge [sflag:s13], $0x80  }
0xd0: {  	[sflag:s13] =	ssyncset.done $0x0  }
0xd1: {  	[sflag:s13] =	ssyncadd.s32 $0xFFFFFF80  }
0xd2: {  	[tilespmem:s15], [sflag:$0x2] =	stream.indirect.gather [hbm4b:s6+s12], $0x80, s12, s12, $0xb8;
	[tilespmem:$0x1C200] =	vst v63  }
0xd3: {  	_ =	swait.ge [sflag:s16], $0x4000  }
0xd4: {  	[sflag:s16] =	ssyncset.done $0x0  }
0xd5: {  	[sflag:s16] =	ssyncadd.s32 $0xFFFFC000  }
0xd6: {  	[spmem:s1] =	stream.indirect.scatter.add.f32 [tilespmem:s9], [sflag:$0x4], $0x80, s11, s12, $0xb8;
	[tilespmem:$0x1C200] =	vst v63  }
0xd7: {  	_ =	swait.ge [sflag:s13], $0x4000  }
0xd8: {  	s19 =	sshrl.u32 s19, $0x3;
	[sflag:s13] =	ssyncset.done $0x0  }
0xd9: {  	s28 =	sadd.s32 s4, s19;
	[sflag:s13] =	ssyncadd.s32 $0xFFFFC000  }
0xda: {  	[tilespmem:s3], [sflag:$0x4] =	stream.linear.gather [hbm4b:s28+s3], $0x80, $0x38;
	[tilespmem:$0x1C200] =	vst v63  }
0xdb: {  	_ =	swait.ge [sflag:s13], $0x80  }
0xdc: {  	[sflag:s13] =	ssyncset.done $0x0  }
0xdd: {  	s19 =	sadd.s32 s5, s19;
	[sflag:s13] =	ssyncadd.s32 $0xFFFFFF80  }
0xde: {  	[tilespmem:s11], [sflag:$0x4] =	stream.linear.gather [hbm4b:s19+s3], $0x80, $0x38;
	[tilespmem:$0x1C200] =	vst v63  }
0xdf: {  	_ =	swait.ge [sflag:s13], $0x80  }
0xe0: {  	[sflag:s13] =	ssyncset.done $0x0  }
0xe1: {  	[sflag:s13] =	ssyncadd.s32 $0xFFFFFF80  }
0xe2: {  	[tilespmem:s9], [sflag:$0x1] =	stream.indirect.gather [hbm4b:s6+s12], $0x80, s3, s12, $0xb8;
	[tilespmem:$0x1C200] =	vst v63  }
0xe3: {  	_ =	swait.ge [sflag:s17], $0x4000  }
0xe4: {  	[sflag:s17] =	ssyncset.done $0x0  }
0xe5: {  	[sflag:s17] =	ssyncadd.s32 $0xFFFFC000  }
0xe6: {  	[spmem:s1] =	stream.indirect.scatter.add.f32 [tilespmem:s15], [sflag:$0x3], $0x80, s14, s12, $0xb8;
	[tilespmem:$0x1C200] =	vst v63  }
0xe7: {  	_ =	swait.ge [sflag:s10], $0x4000  }
0xe8: {  	[sflag:s10] =	ssyncset.done $0x0  }
0xe9: {  	[sflag:s10] =	ssyncadd.s32 $0xFFFFC000  }
0xea: {  	_ =	swait.ge [sflag:s16], $0x4000  }
0xeb: {  	[sflag:s16] =	ssyncset.done $0x0  }
0xec: {  	[sflag:s16] =	ssyncadd.s32 $0xFFFFC000  }
0xed: {  	[spmem:s1] =	stream.indirect.scatter.add.f32 [tilespmem:s9], [sflag:$0x4], $0x80, s11, s12, $0xb8;
	[tilespmem:$0x1C200] =	vst v63  }
0xee: {  	_ =	swait.ge [sflag:s13], $0x4000  }
0xef: {  	[sflag:s13] =	ssyncset.done $0x0  }
0xf0: {  	[sflag:s13] =	ssyncadd.s32 $0xFFFFC000  }
0xf1: {  	[bflag:$0x0] =	sbarrier.arrive $0xFFFF  }
0xf2: {  	[tilespmem:s9], [sflag:$0x3] =	stream.linear.gather [spmem:s7], $0x1000, $0x38;
	[tilespmem:$0x1C200] =	vst v63  }
0xf3: {  	_ =	swait.ge [sflag:s10], $0x1000  }
0xf4: {  	[sflag:s10] =	ssyncset.done $0x0  }
0xf5: {  	s29 =	sadd.s32 $0x0, s25;
	[sflag:s10] =	ssyncadd.s32 $0xFFFFF000  }
0xf6: {  	[hbm4b:s29+s3] =	stream.linear.scatter [tilespmem:s9], [sflag:$0x3], $0x1000, $0x38;
	[tilespmem:$0x1C200] =	vst v63  }
0xf7: {  	_ =	swait.ge [sflag:s10], $0x1000  }
0xf8: {  	s20 =	smov.u32 s7;
	s19 =	simm.s32 $0x200;
	[sflag:s10] =	ssyncset.done $0x0  }
.LBB2_6:
0xf9: {  	p0 =	sne.s32 s19, $0x2600;
	[sflag:s10] =	ssyncadd.s32 $0xFFFFF000;
	s20 =	sadd.s32 $0x1000, s20  }
0xfa: {  	[tilespmem:s9], [sflag:$0x3] =	stream.linear.gather [spmem:s20], $0x1000, $0x38;
	[tilespmem:$0x1C200] =	vst v63  }
0xfb: {  	s21 =	smov.u32 s19;
	s19 =	sadd.s32 $0x200, s19;
	_ =	swait.ge [sflag:s10], $0x1000  }
.Ltmp2:
0xfc: {  	[sflag:s10] =	ssyncset.done $0x0;
	(pc) =	sbr.rel @p0 .LBB2_6-.Ltmp2, $4  }
0xfd: {  	s21 =	sadd.s32 s21, s25;
	[sflag:s10] =	ssyncadd.s32 $0xFFFFF000  }
0xfe: {  	[hbm4b:s21+s3] =	stream.linear.scatter [tilespmem:s9], [sflag:$0x3], $0x1000, $0x38;
	[tilespmem:$0x1C200] =	vst v63  }
0xff: {  	_ =	swait.ge [sflag:s10], $0x1000  }
0x100: {  	[sflag:s10] =	ssyncset.done $0x0  }
0x101: {  	s18 =	sadd.s32 $0x1, s18;
	s19 =	rddreg [dreg:$0x5]  }
0x102: {  	p0 =	sne.s32 s18, s19  }
.Ltmp3:
0x103: {  	_ = 	snop;
	(pc) =	sbr.rel @p0 .LBB2_1-.Ltmp3, $2  }
0x104: {  	_ =	sdelay $0x2  }
0x105: {  	[sflag:s10] =	ssyncadd.s32 $0xFFFFF000  }
0x106: {  	_ =	sfence.sel $0x180000  }
0x107: {  	[bflag:$0x0] =	sbarrier.arrive $0xFFFF  }
0x108: {  	_ =	strace $0x9000004D  }
0x109: {  	s0 =	stileid.u32;
	[bflag:$0x2] =	sbarrier.arrive $0xFFFF  }
0x10a: {  	p0 =	sne.s32 s0, $0x0;
	s0 =	rddreg [dreg:$0x2]  }
0x10b: {  	s0 =	sadd.s32 @!p0 $0x100000, s0  }
0x10c: {  	[sflag:s0] =	ssyncadd.tile.s32 @!p0 $0x1;
	_ =	shalt  }
.Lfunc_end2:
_tile_overlayer_lowered:
.L_overlay_start_2:
0x10d: {  	(tag) =	ssettag $0x2  }
0x10e: {  	s0 =	rddreg [dreg:$0x0];
	s2 =	stileid.u32  }
0x10f: {  	s1 =	rddreg [dreg:$0x1];
	p0 =	sne.s32 s2, $0x0  }
0x110: {  	s3 =	rddreg [dreg:$0x2];
	[bflag:$0x3] =	sbarrier.arrive $0xFFFF;
	s2 =	simm.s32 @!p0 $0x1C03  }
0x111: {  	[timem:s3], [sflag:s2] =	dma.local @!p0 [hbm:s0], s1  }
0x112: {  	s0 =	simm.s32 @!p0 $0x3  }
0x113: {  	_ =	swait.ge @!p0 [sflag:s0], s1  }
0x114: {  	s1 =	ssub.s32 @!p0 $0x0, s1;
	[sflag:s0] =	ssyncset.done @!p0 $0x0  }
0x115: {  	[sflag:s0] =	ssyncadd.s32 @!p0 s1  }
0x116: {  	[bflag:$0x3] =	sbarrier.arrive $0xFFFF  }
0x117: {  	_ =	shalt  }

// kernel: kernel.19.cloned.1.call-start
scs
__scs_entry_jumppad:
0x0: {  	(pc) =	sbr.rel $0x88, $3  }
0x1: {  	(tag) =	ssettag $0x0;
	lr =	simm.s32 $0x1  }
0x2: {  	[smem:$0x3F99] =	sst lr;
	_ =	strace $0xD0000000  }
0x3: {  	_ = 	snop  }
0x4: {  	_ = 	snop  }
0x5: {  	_ = 	snop  }
0x6: {  	_ = 	snop  }
0x7: {  	_ = 	snop  }
__scs_overlays_trampoline_lowered:
0x8: {  	[smem:$0x3FA8] =	sst s0  }
0x9: {  	[smem:$0x3FA9] =	sst s1  }
0xa: {  	[smem:$0x3FAA] =	sst s2  }
0xb: {  	[smem:$0x3FAB] =	sst s3  }
0xc: {  	[smem:$0x3FAC] =	sst s4  }
0xd: {  	[smem:$0x3FAD] =	sst s5  }
0xe: {  	[smem:$0x3FAE] =	sst s6  }
0xf: {  	[smem:$0x3FAF] =	sst s7  }
0x10: {  	[smem:$0x3FB0] =	sst s8  }
0x11: {  	[smem:$0x3FB1] =	sst s9;
	s0 =	simm.s32 @!p0 $0x0  }
0x12: {  	s1 =	sld [smem:$0x3F97];
	s0 =	simm.s32 @p0 $0x1  }
0x13: {  	[smem:$0x3FB2] =	sst s0;
	s0 =	simm.s32 @!p1 $0x0  }
0x14: {  	s2 =	sld [smem:$0x3F96];
	s0 =	simm.s32 @p1 $0x1  }
0x15: {  	[smem:$0x3FB3] =	sst s0;
	s0 =	simm.s32 @!p2 $0x0  }
0x16: {  	s3 =	sld [smem:$0x3FDB];
	s0 =	simm.s32 @p2 $0x1  }
0x17: {  	s4 =	simm.s32 $0x1BF5;
	[smem:$0x3FB5] =	sst s0  }
0x18: {  	s0 =	sld [smem:$0x3F98];
	_ =	swait.ge [sflag:s4], $0x0  }
0x19: {  	s7 =	sld [smem:$0x3F99]  }
0x1a: {  	s8 =	sadd.s32 $0xFFFFE003, lr  }
0x1b: {  	s9 =	sadd.s32 $0xFFFFFEF7, lr;
	s5 =	simm.s32 $0xFFFFFFFF;
	p2 =	slt.u32 s8, $0xFFFFF086  }
0x1c: {  	p1 =	slt.u32 s9, $0xF7A;
	s5 =	simm.s32 @!p2 $0x0  }
0x1d: {  	s5 =	simm.s32 @p1 $0x1;
	p0 =	seq.s32 s7, s2  }
0x1e: {  	s7 =	smul.u32 @!p0 $0xF7A, s2;
	p2 =	seq.s32 @!p0 s5, $0x0  }
0x1f: {  	s9 =	smul.u32 $0xF7A, s1;
	s8 =	simm.s32 @!p0 $0x1BF5;
	p2 =	por !p2, p0  }
0x20: {  	[sflag:s8] =	ssyncset.s32 @!p0 $0xFFFFF086;
	s6 =	sadd.s32 @!p0 s3, s7;
	s7 =	simm.s32 @!p0 $0x108  }
0x21: {  	s3 =	sadd.s32 s3, s9;
	s6 =	sadd.s32 @!p0 $0x88, s6;
	s7 =	simm.s32 @p2 $0x1082  }
0x22: {  	[simem:s7], [sflag:s8] =	dma.local @!p0 [hbm:s6], $0xF7A  }
0x23: {  	s9 =	sor.u32 $0xD0000000, s2;
	s6 =	simm.s32 $0x108;
	_ =	swait.ge @!p0 [sflag:s8], $0x0  }
0x24: {  	s3 =	sadd.s32 $0x88, s3;
	s6 =	simm.s32 @!p1 $0x1082;
	[sflag:s4] =	ssyncset.s32 $0xFFFFF086  }
0x25: {  	[simem:s6], [sflag:s4] =	dma.local [hbm:s3], $0xF7A  }
0x26: {  	[smem:$0x3F99] =	sst s1;
	(tag) =	ssettag s2;
	_ =	strace s9  }
0x27: {  	s1 =	sld [smem:$0x3FA9]  }
0x28: {  	s2 =	sld [smem:$0x3FAA]  }
0x29: {  	s4 =	sld [smem:$0x3FAC]  }
0x2a: {  	p0 =	seq.s32 s5, $0x0;
	s5 =	sld [smem:$0x3FAD]  }
0x2b: {  	s6 =	sld [smem:$0x3FAE]  }
0x2c: {  	s7 =	sld [smem:$0x3FAF]  }
0x2d: {  	s3 =	simm.s32 $0x108;
	s8 =	sld [smem:$0x3FB0]  }
0x2e: {  	s3 =	simm.s32 @!p0 $0x1082;
	s9 =	sld [smem:$0x3FB1]  }
0x2f: {  	lr =	sadd.s32 s0, s3;
	s0 =	sld [smem:$0x3FA8]  }
0x30: {  	s3 =	sld [smem:$0x3FAB]  }
0x31: {  	[smem:$0x3FB4] =	sst s10  }
0x32: {  	s10 =	sld [smem:$0x3FB2];
	_ =	sdelay $0x3  }
0x33: {  	p0 =	seq.s32 s10, $0x1;
	s10 =	sld [smem:$0x3FB4];
	_ =	sdelay $0x3  }
0x34: {  	[smem:$0x3FB4] =	sst s10  }
0x35: {  	s10 =	sld [smem:$0x3FB3];
	_ =	sdelay $0x3  }
0x36: {  	p1 =	seq.s32 s10, $0x1;
	s10 =	sld [smem:$0x3FB4];
	_ =	sdelay $0x3  }
0x37: {  	[smem:$0x3FB4] =	sst s10  }
0x38: {  	s10 =	sld [smem:$0x3FB5]  }
0x39: {  	_ = 	snop;
	(pc) =	sbr.ind lr, $3  }
0x3a: {  	_ = 	snop  }
0x3b: {  	_ = 	snop  }
0x3c: {  	p2 =	seq.s32 s10, $0x1;
	s10 =	sld [smem:$0x3FB4]  }
0x3d: {  	_ =	shalt  }
0x3e: {  	_ =	shalt  }
0x3f: {  	_ =	shalt  }
0x40: {  	_ =	shalt  }
0x41: {  	_ =	shalt  }
0x42: {  	_ =	shalt  }
0x43: {  	_ =	shalt  }
0x44: {  	_ =	shalt  }
0x45: {  	_ =	shalt  }
0x46: {  	_ =	shalt  }
0x47: {  	_ =	shalt  }
0x48: {  	_ =	shalt  }
0x49: {  	_ =	shalt  }
0x4a: {  	_ =	shalt  }
0x4b: {  	_ =	shalt  }
0x4c: {  	_ =	shalt  }
0x4d: {  	_ =	shalt  }
0x4e: {  	_ =	shalt  }
0x4f: {  	_ =	shalt  }
0x50: {  	_ =	shalt  }
0x51: {  	_ =	shalt  }
0x52: {  	_ =	shalt  }
0x53: {  	_ =	shalt  }
0x54: {  	_ =	shalt  }
0x55: {  	_ =	shalt  }
0x56: {  	_ =	shalt  }
0x57: {  	_ =	shalt  }
0x58: {  	_ =	shalt  }
0x59: {  	_ =	shalt  }
0x5a: {  	_ =	shalt  }
0x5b: {  	_ =	shalt  }
0x5c: {  	_ =	shalt  }
0x5d: {  	_ =	shalt  }
0x5e: {  	_ =	shalt  }
0x5f: {  	_ =	shalt  }
0x60: {  	_ =	shalt  }
0x61: {  	_ =	shalt  }
0x62: {  	_ =	shalt  }
0x63: {  	_ =	shalt  }
0x64: {  	_ =	shalt  }
0x65: {  	_ =	shalt  }
0x66: {  	_ =	shalt  }
0x67: {  	_ =	shalt  }
0x68: {  	_ =	shalt  }
0x69: {  	_ =	shalt  }
0x6a: {  	_ =	shalt  }
0x6b: {  	_ =	shalt  }
0x6c: {  	_ =	shalt  }
0x6d: {  	_ =	shalt  }
0x6e: {  	_ =	shalt  }
0x6f: {  	_ =	shalt  }
0x70: {  	_ =	shalt  }
0x71: {  	_ =	shalt  }
0x72: {  	_ =	shalt  }
0x73: {  	_ =	shalt  }
0x74: {  	_ =	shalt  }
0x75: {  	_ =	shalt  }
0x76: {  	_ =	shalt  }
0x77: {  	_ =	shalt  }
0x78: {  	_ =	shalt  }
0x79: {  	_ =	shalt  }
0x7a: {  	_ =	shalt  }
0x7b: {  	_ =	shalt  }
0x7c: {  	_ =	shalt  }
0x7d: {  	_ =	shalt  }
0x7e: {  	_ =	shalt  }
0x7f: {  	_ =	shalt  }
0x80: {  	_ =	shalt  }
0x81: {  	_ =	shalt  }
0x82: {  	_ =	shalt  }
0x83: {  	_ =	shalt  }
0x84: {  	_ =	shalt  }
0x85: {  	_ =	shalt  }
0x86: {  	_ =	shalt  }
0x87: {  	_ =	shalt  }
.Lfunc_end0:
.L_simem_size_0:
called_computation.3_lowered:
.L_overlay_start_0:
0x88: {  	s2 =	sld [smem:$0x3FD9]  }
0x89: {  	s3 =	sld [smem:$0x3FFE];
	_ =	sdelay $0x1  }
0x8a: {  	s1 =	srdreg.scid  }
0x8b: {  	s0 =	sand.u32 $0x1, s1  }
0x8c: {  	s16 =	sshll.u32 s0, $0xA;
	s2 =	sadd.s32 s3, s2  }
0x8d: {  	s2 =	sadd.s32 s2, s16  }
0x8e: {  	[smem:$0x3FC0] =	sst s2  }
0x8f: {  	_ = 	snop  }
0x90: {  	(tm) =	ssettm $0x1  }
0x91: {  	s17 =	sld [smem:$0x3FFB];
	_ =	sdelay $0x3  }
0x92: {  	_ =	strace s17  }
0x93: {  	s2 =	sld [smem:$0x3FFC];
	_ =	sdelay $0x3  }
0x94: {  	_ =	strace s2  }
0x95: {  	s2 =	sld [smem:$0x3FFD];
	_ =	sdelay $0x3  }
0x96: {  	_ =	strace s2  }
0x97: {  	_ =	strace $0x8FFFFFFF  }
0x98: {  	s18 =	sld [smem:$0x3FDB];
	_ =	sdelay $0x1  }
0x99: {  	s19 =	simm.s32 $_scs_section_size  }
0x9a: {  	s4 =	simm.s32 $_size__tile_overlayer_lowered;
	s5 =	simm.s32 $_tile_overlayer_lowered  }
0x9b: {  	s22 =	simm.s32 $0x1BFF;
	s21 =	sshll.u32 s5, $0x1;
	s2 =	sadd.s32 s19, s18  }
0x9c: {  	s6 =	simm.s32 $0x0;
	s20 =	sshll.u32 s4, $0x1;
	s4 =	sadd.s32 s21, s2  }
0x9d: {  	[timem:s6], [sflag:s22] =	dma.local [hbm:s4], s20  }
0x9e: {  	_ =	swait.ge [sflag:s22], s20  }
0x9f: {  	s3 =	ssub.s32 $0x0, s20;
	[sflag:s22] =	ssyncset.done $0x0  }
0xa0: {  	[sflag:s22] =	ssyncadd.s32 s3;
	_ =	sdelay $0x1  }
0xa1: {  	s23 =	simm.s32 $0x1B8B  }
0xa2: {  	_ =	swait.ge [sflag:s23], $0x1  }
0xa3: {  	[sflag:s23] =	ssyncset.done $0x0  }
0xa4: {  	s25 =	simm.s32 $0x1B8E;
	s24 =	sld [smem:$0x3FFE];
	[sflag:s23] =	ssyncadd.s32 $0xFFFFFFFF  }
0xa5: {  	s26 =	simm.s32 $execute0_lowered;
	[smem:$0x3FD2] =	sst s25  }
0xa6: {  	s4 =	sshll.u32 s26, $0x1;
	_ =	strace $0x8000004F;
	[dreg:$0x1] =	wrdreg $0xFFFFFFFF  }
0xa7: {  	s28 =	simm.s32 $_size_execute0_lowered;
	s2 =	sadd.s32 s2, s4;
	[dreg:$0x0] =	wrdreg $0x0  }
0xa8: {  	s4 =	sshll.u32 s28, $0x1;
	[dreg:$0x2] =	wrdreg s2  }
0xa9: {  	[dreg:$0x3] =	wrdreg s4  }
0xaa: {  	[dreg:$0x4] =	wrdreg $0xC0  }
0xab: {  	_ =	task [dreg:s6], $0x5FFFF  }
0xac: {  	[dreg:$0x1] =	wrdreg $0xFFFFFFFF  }
0xad: {  	[dreg:$0x0] =	wrdreg $0x60  }
0xae: {  	[dreg:$0x2] =	wrdreg s24  }
0xaf: {  	[dreg:$0x3] =	wrdreg $0x82000  }
0xb0: {  	[dreg:$0x4] =	wrdreg $0x9  }
0xb1: {  	_ =	task.clear_ibuf [dreg:s6], $0x5FFFF;
	_ =	strace $0x9000004F  }
0xb2: {  	s29 =	simm.s32 $0x9;
	_ =	strace $0x80000051  }
0xb3: {  	_ =	swait.ge [sflag:s29], $0x1  }
0xb4: {  	[sflag:s29] =	ssyncadd.s32 $0xFFFFFFFF  }
0xb5: {  	_ =	strace $0x90000051  }
0xb6: {  	_ =	sfence  }
0xb7: {  	s30 =	sld [smem:$0x0];
	_ =	sdelay $0x2  }
0xb8: {  	s31 =	sshll.u32 s1, $0xD;
	s1 =	sshrl.u32 s1, $0x2  }
0xb9: {  	s3 =	sand.u32 $0x4000, s31;
	s1 =	sadd.s32 s1, s30  }
0xba: {  	s0 =	sor.u32 s3, s0;
	s1 =	sshll.u32 s1, $0x11  }
0xbb: {  	s0 =	sor.u32 s1, s0  }
0xbc: {  	s0 =	sadd.s32 $0x8F2B, s0  }
0xbd: {  	[sflag:s0] =	ssyncadd.remote.s32 $0x1  }
0xbe: {  	_ =	sfence.sel $0xFFFF  }
0xbf: {  	[dreg:$0x0] =	wrdreg $0xFFFFFFFF;
	(pc) =	sbr.abs _section_cstart, $3  }
0xc0: {  	[dreg:$0x1] =	wrdreg $0xFFFFFFFF  }
0xc1: {  	_ =	task.clear_ibuf [dreg:s6], $0x2FFFF;
	_ =	strace $0x9FFFFFFF  }
0xc2: {  	(tm) =	ssettm $0x7FFFFFFF  }
0xc3: {  	_ =	shalt  }
tec
execute0_lowered:
.L_overlay_start_1:
0x0: {  	(tag) =	ssettag $0x1  }
0x1: {  	s0 =	rddreg [dreg:$0x0]  }
0x2: {  	s1 =	rddreg [dreg:$0x1];
	s11 =	stileid.u32  }
0x3: {  	s3 =	simm.s32 $0x0;
	s2 =	srdreg.scid;
	s7 =	smul.u32 $0x14000, s11  }
0x4: {  	[smem:$0x7FF] =	sst s3;
	s2 =	sand.u32 $0x1, s2;
	s26 =	smul.u32 $0x50000, s11  }
0x5: {  	s4 =	sadd.s32 $0xC200, s0;
	s5 =	sadd.s32 $0x2400, s0;
	s15 =	smul.u32 $0x2780, s11  }
0x6: {  	s6 =	smul.u32 $0x140000, s2;
	_ =	strace $0x80000050;
	s8 =	sshll.u32 s2, $0x4  }
0x7: {  	s10 =	ssub.s32 $0x2, s2;
	s2 =	smul.u32 $0x27800, s2;
	s8 =	sor.u32 s11, s8  }
0x8: {  	s28 =	sshrl.u32 s10, $0x1;
	s11 =	simm.s32 $0x100;
	s6 =	sadd.s32 s7, s6  }
0x9: {  	s8 =	smul.u32 $0x2780, s8;
	s7 =	sshrl.u32 s26, $0x2;
	s2 =	sadd.s32 s15, s2  }
0xa: {  	s15 =	simm.s32 $0x4200;
	s9 =	sshrl.u32 s6, $0x3;
	s7 =	sadd.s32 s7, s1  }
0xb: {  	s6 =	sadd.s32 $0x16000, s0;
	s23 =	sadd.s32 $0x80, s2;
	s12 =	sadd.s32 $0x1000, s7  }
0xc: {  	s0 =	sadd.s32 s9, s0;
	s13 =	sadd.s32 $0x2000, s7;
	[dreg:$0x6] =	wrdreg s12  }
0xd: {  	s9 =	ssub.s32 s10, s28;
	s14 =	sadd.s32 $0x3000, s7;
	[dreg:$0x7] =	wrdreg s13  }
0xe: {  	s8 =	sshrl.u32 s8, $0x3;
	s16 =	sadd.s32 $0x4000, s7;
	[dreg:$0x8] =	wrdreg s14  }
0xf: {  	s17 =	sadd.s32 $0x5000, s7;
	s18 =	sadd.s32 $0x6000, s7;
	[dreg:$0x9] =	wrdreg s16  }
0x10: {  	s19 =	sadd.s32 $0x7000, s7;
	s20 =	sadd.s32 $0x8000, s7;
	[dreg:$0xa] =	wrdreg s17  }
0x11: {  	s21 =	sadd.s32 $0x9000, s7;
	s22 =	sadd.s32 $0xA000, s7;
	[dreg:$0xb] =	wrdreg s18  }
0x12: {  	s24 =	sadd.s32 $0xB000, s7;
	s25 =	sshrl.u32 s23, $0x3;
	[dreg:$0xc] =	wrdreg s19  }
0x13: {  	s26 =	sadd.s32 $0xC000, s7;
	s28 =	sadd.s32 $0xD000, s7;
	[dreg:$0xd] =	wrdreg s20  }
0x14: {  	s30 =	sadd.s32 $0xF000, s7;
	s31 =	sadd.s32 $0x10000, s7;
	[dreg:$0xe] =	wrdreg s21  }
0x15: {  	s29 =	sadd.s32 s4, s8;
	s8 =	sadd.s32 s5, s8;
	[dreg:$0xf] =	wrdreg s22  }
0x16: {  	s10 =	smax.u32 s9, $0x1;
	[dreg:$0x10] =	wrdreg s24;
	s22 =	sadd.s32 $0x100, s2  }
0x17: {  	s23 =	sadd.s32 s25, s5;
	s24 =	sadd.s32 s25, s4;
	[dreg:$0x11] =	wrdreg s26  }
0x18: {  	s25 =	sadd.s32 $0x3E000, s0;
	[dreg:$0x12] =	wrdreg s28;
	s0 =	sadd.s32 $0x11000, s7  }
0x19: {  	s2 =	sadd.s32 $0x12000, s7;
	s9 =	simm.s32 $0x200;
	s12 =	simm.s32 $0x80  }
0x1a: {  	s13 =	simm.s32 $0x4;
	s14 =	simm.s32 $0x180;
	[dreg:$0x3] =	wrdreg s29  }
0x1b: {  	s16 =	simm.s32 $0x1;
	s17 =	simm.s32 $0x2;
	[dreg:$0x4] =	wrdreg s8  }
0x1c: {  	s18 =	simm.s32 $0x0;
	[dreg:$0x5] =	wrdreg s10;
	s29 =	sadd.s32 $0xE000, s7  }
0x1d: {  	v0 =	vimm.f32 $0.0e+00;
	s8 =	sadd.s32 $0x13000, s7;
	s10 =	simm.s32 $0x3;
	[dreg:$0x13] =	wrdreg s29  }
.LBB2_1:
0x1e: {  	s19 =	simm.s32 $0x0;
	s20 =	simm.s32 $0x200  }
.LBB2_2:
0x1f: {  	p0 =	sne.s32 s20, $0x3E00;
	[tilespmem:s19+$0x270] =	vst v0  }
0x20: {  	[tilespmem:s19+$0x200] =	vst v0  }
0x21: {  	[tilespmem:s19+$0x210] =	vst v0  }
.Ltmp0:
0x22: {  	[tilespmem:s19+$0x220] =	vst v0;
	(pc) =	sbr.rel @p0 .LBB2_2-.Ltmp0, $4  }
0x23: {  	[tilespmem:s19+$0x230] =	vst v0  }
0x24: {  	[tilespmem:s19+$0x240] =	vst v0  }
0x25: {  	[tilespmem:s19+$0x250] =	vst v0  }
0x26: {  	[tilespmem:s19+$0x260] =	vst v0;
	s19 =	sshra.s32 s20, $0x2;
	s20 =	sadd.s32 $0x200, s20  }
0x27: {  	[tilespmem:s19+$0x270] =	vst v0  }
0x28: {  	[tilespmem:s19+$0x200] =	vst v0  }
0x29: {  	[tilespmem:s19+$0x210] =	vst v0  }
0x2a: {  	[tilespmem:s19+$0x220] =	vst v0  }
0x2b: {  	[tilespmem:s19+$0x230] =	vst v0  }
0x2c: {  	[tilespmem:s19+$0x240] =	vst v0  }
0x2d: {  	[tilespmem:s19+$0x250] =	vst v0  }
0x2e: {  	[tilespmem:s19+$0x260] =	vst v0  }
0x2f: {  	[spmem:s7] =	stream.linear.scatter [tilespmem:s9], [sflag:$0x3], $0x1000, $0x38;
	[tilespmem:$0x1C200] =	vst v63  }
0x30: {  	_ =	swait.ge [sflag:s10], $0x1000  }
0x31: {  	[sflag:s10] =	ssyncset.done $0x0  }
0x32: {  	s29 =	rddreg [dreg:$0x6];
	[sflag:s10] =	ssyncadd.s32 $0xFFFFF000  }
0x33: {  	[spmem:s29] =	stream.linear.scatter [tilespmem:s9], [sflag:$0x3], $0x1000, $0x38;
	[tilespmem:$0x1C200] =	vst v63  }
0x34: {  	_ =	swait.ge [sflag:s10], $0x1000  }
0x35: {  	[sflag:s10] =	ssyncset.done $0x0  }
0x36: {  	s20 =	rddreg [dreg:$0x7];
	[sflag:s10] =	ssyncadd.s32 $0xFFFFF000  }
0x37: {  	[spmem:s20] =	stream.linear.scatter [tilespmem:s9], [sflag:$0x3], $0x1000, $0x38;
	[tilespmem:$0x1C200] =	vst v63  }
0x38: {  	_ =	swait.ge [sflag:s10], $0x1000  }
0x39: {  	[sflag:s10] =	ssyncset.done $0x0  }
0x3a: {  	s21 =	rddreg [dreg:$0x8];
	[sflag:s10] =	ssyncadd.s32 $0xFFFFF000  }
0x3b: {  	[spmem:s21] =	stream.linear.scatter [tilespmem:s9], [sflag:$0x3], $0x1000, $0x38;
	[tilespmem:$0x1C200] =	vst v63  }
0x3c: {  	_ =	swait.ge [sflag:s10], $0x1000  }
0x3d: {  	[sflag:s10] =	ssyncset.done $0x0  }
0x3e: {  	s26 =	rddreg [dreg:$0x9];
	[sflag:s10] =	ssyncadd.s32 $0xFFFFF000  }
0x3f: {  	[spmem:s26] =	stream.linear.scatter [tilespmem:s9], [sflag:$0x3], $0x1000, $0x38;
	[tilespmem:$0x1C200] =	vst v63  }
0x40: {  	_ =	swait.ge [sflag:s10], $0x1000  }
0x41: {  	[sflag:s10] =	ssyncset.done $0x0  }
0x42: {  	s28 =	rddreg [dreg:$0xa];
	[sflag:s10] =	ssyncadd.s32 $0xFFFFF000  }
0x43: {  	[spmem:s28] =	stream.linear.scatter [tilespmem:s9], [sflag:$0x3], $0x1000, $0x38;
	[tilespmem:$0x1C200] =	vst v63  }
0x44: {  	_ =	swait.ge [sflag:s10], $0x1000  }
0x45: {  	[sflag:s10] =	ssyncset.done $0x0  }
0x46: {  	s29 =	rddreg [dreg:$0xb];
	[sflag:s10] =	ssyncadd.s32 $0xFFFFF000  }
0x47: {  	[spmem:s29] =	stream.linear.scatter [tilespmem:s9], [sflag:$0x3], $0x1000, $0x38;
	[tilespmem:$0x1C200] =	vst v63  }
0x48: {  	_ =	swait.ge [sflag:s10], $0x1000  }
0x49: {  	[sflag:s10] =	ssyncset.done $0x0  }
0x4a: {  	s20 =	rddreg [dreg:$0xc];
	[sflag:s10] =	ssyncadd.s32 $0xFFFFF000  }
0x4b: {  	[spmem:s20] =	stream.linear.scatter [tilespmem:s9], [sflag:$0x3], $0x1000, $0x38;
	[tilespmem:$0x1C200] =	vst v63  }
0x4c: {  	_ =	swait.ge [sflag:s10], $0x1000  }
0x4d: {  	[sflag:s10] =	ssyncset.done $0x0  }
0x4e: {  	s21 =	rddreg [dreg:$0xd];
	[sflag:s10] =	ssyncadd.s32 $0xFFFFF000  }
0x4f: {  	[spmem:s21] =	stream.linear.scatter [tilespmem:s9], [sflag:$0x3], $0x1000, $0x38;
	[tilespmem:$0x1C200] =	vst v63  }
0x50: {  	_ =	swait.ge [sflag:s10], $0x1000  }
0x51: {  	[sflag:s10] =	ssyncset.done $0x0  }
0x52: {  	s26 =	rddreg [dreg:$0xe];
	[sflag:s10] =	ssyncadd.s32 $0xFFFFF000  }
0x53: {  	[spmem:s26] =	stream.linear.scatter [tilespmem:s9], [sflag:$0x3], $0x1000, $0x38;
	[tilespmem:$0x1C200] =	vst v63  }
0x54: {  	_ =	swait.ge [sflag:s10], $0x1000  }
0x55: {  	[sflag:s10] =	ssyncset.done $0x0  }
0x56: {  	s28 =	rddreg [dreg:$0xf];
	[sflag:s10] =	ssyncadd.s32 $0xFFFFF000  }
0x57: {  	[spmem:s28] =	stream.linear.scatter [tilespmem:s9], [sflag:$0x3], $0x1000, $0x38;
	[tilespmem:$0x1C200] =	vst v63  }
0x58: {  	_ =	swait.ge [sflag:s10], $0x1000  }
0x59: {  	[sflag:s10] =	ssyncset.done $0x0  }
0x5a: {  	s29 =	rddreg [dreg:$0x10];
	[sflag:s10] =	ssyncadd.s32 $0xFFFFF000  }
0x5b: {  	[spmem:s29] =	stream.linear.scatter [tilespmem:s9], [sflag:$0x3], $0x1000, $0x38;
	[tilespmem:$0x1C200] =	vst v63  }
0x5c: {  	_ =	swait.ge [sflag:s10], $0x1000  }
0x5d: {  	[sflag:s10] =	ssyncset.done $0x0  }
0x5e: {  	s20 =	rddreg [dreg:$0x11];
	[sflag:s10] =	ssyncadd.s32 $0xFFFFF000  }
0x5f: {  	[spmem:s20] =	stream.linear.scatter [tilespmem:s9], [sflag:$0x3], $0x1000, $0x38;
	[tilespmem:$0x1C200] =	vst v63  }
0x60: {  	_ =	swait.ge [sflag:s10], $0x1000  }
0x61: {  	[sflag:s10] =	ssyncset.done $0x0  }
0x62: {  	s21 =	rddreg [dreg:$0x12];
	[sflag:s10] =	ssyncadd.s32 $0xFFFFF000  }
0x63: {  	[spmem:s21] =	stream.linear.scatter [tilespmem:s9], [sflag:$0x3], $0x1000, $0x38;
	[tilespmem:$0x1C200] =	vst v63  }
0x64: {  	_ =	swait.ge [sflag:s10], $0x1000  }
0x65: {  	[sflag:s10] =	ssyncset.done $0x0  }
0x66: {  	s26 =	rddreg [dreg:$0x13];
	[sflag:s10] =	ssyncadd.s32 $0xFFFFF000  }
0x67: {  	[spmem:s26] =	stream.linear.scatter [tilespmem:s9], [sflag:$0x3], $0x1000, $0x38;
	[tilespmem:$0x1C200] =	vst v63  }
0x68: {  	_ =	swait.ge [sflag:s10], $0x1000  }
0x69: {  	[sflag:s10] =	ssyncset.done $0x0  }
0x6a: {  	[sflag:s10] =	ssyncadd.s32 $0xFFFFF000  }
0x6b: {  	[spmem:s30] =	stream.linear.scatter [tilespmem:s9], [sflag:$0x3], $0x1000, $0x38;
	[tilespmem:$0x1C200] =	vst v63  }
0x6c: {  	_ =	swait.ge [sflag:s10], $0x1000  }
0x6d: {  	[sflag:s10] =	ssyncset.done $0x0  }
0x6e: {  	[sflag:s10] =	ssyncadd.s32 $0xFFFFF000  }
0x6f: {  	[spmem:s31] =	stream.linear.scatter [tilespmem:s9], [sflag:$0x3], $0x1000, $0x38;
	[tilespmem:$0x1C200] =	vst v63  }
0x70: {  	_ =	swait.ge [sflag:s10], $0x1000  }
0x71: {  	[sflag:s10] =	ssyncset.done $0x0  }
0x72: {  	[sflag:s10] =	ssyncadd.s32 $0xFFFFF000  }
0x73: {  	[spmem:s0] =	stream.linear.scatter [tilespmem:s9], [sflag:$0x3], $0x1000, $0x38;
	[tilespmem:$0x1C200] =	vst v63  }
0x74: {  	_ =	swait.ge [sflag:s10], $0x1000  }
0x75: {  	[sflag:s10] =	ssyncset.done $0x0  }
0x76: {  	[sflag:s10] =	ssyncadd.s32 $0xFFFFF000  }
0x77: {  	[spmem:s2] =	stream.linear.scatter [tilespmem:s9], [sflag:$0x3], $0x1000, $0x38;
	[tilespmem:$0x1C200] =	vst v63  }
0x78: {  	_ =	swait.ge [sflag:s10], $0x1000  }
0x79: {  	[sflag:s10] =	ssyncset.done $0x0  }
0x7a: {  	[sflag:s10] =	ssyncadd.s32 $0xFFFFF000  }
0x7b: {  	[spmem:s8] =	stream.linear.scatter [tilespmem:s9], [sflag:$0x3], $0x1000, $0x38;
	[tilespmem:$0x1C200] =	vst v63  }
0x7c: {  	_ =	swait.ge [sflag:s10], $0x1000  }
0x7d: {  	[sflag:s10] =	ssyncset.done $0x0  }
0x7e: {  	s28 =	simm.s32 $0x0;
	s20 =	rddreg [dreg:$0x3];
	[sflag:s10] =	ssyncadd.s32 $0xFFFFF000  }
0x7f: {  	[tilespmem:s28], [sflag:$0x3] =	stream.linear.gather [hbm4b:s20+s28], $0x80, $0x38;
	[tilespmem:$0x1C200] =	vst v63  }
0x80: {  	_ =	swait.ge [sflag:s10], $0x80  }
0x81: {  	[sflag:s10] =	ssyncset.done $0x0  }
0x82: {  	s29 =	rddreg [dreg:$0x4];
	[sflag:s10] =	ssyncadd.s32 $0xFFFFFF80  }
0x83: {  	[tilespmem:s11], [sflag:$0x3] =	stream.linear.gather [hbm4b:s29+s28], $0x80, $0x38;
	[tilespmem:$0x1C200] =	vst v63  }
0x84: {  	_ =	swait.ge [sflag:s10], $0x80  }
0x85: {  	[sflag:s10] =	ssyncset.done $0x0  }
0x86: {  	[sflag:s10] =	ssyncadd.s32 $0xFFFFFF80  }
0x87: {  	[tilespmem:s9], [sflag:$0x1] =	stream.indirect.gather [hbm4b:s6+s12], $0x80, s28, s12, $0xb8;
	[tilespmem:$0x1C200] =	vst v63  }
0x88: {  	s21 =	sadd.s32 $0x0, s24;
	[bflag:$0x0] =	sbarrier.arrive $0xFFFF  }
0x89: {  	[tilespmem:s12], [sflag:$0x4] =	stream.linear.gather [hbm4b:s21+s3], $0x80, $0x38;
	[tilespmem:$0x1C200] =	vst v63  }
0x8a: {  	_ =	swait.ge [sflag:s13], $0x80  }
0x8b: {  	[sflag:s13] =	ssyncset.done $0x0  }
0x8c: {  	s26 =	sadd.s32 $0x0, s23;
	[sflag:s13] =	ssyncadd.s32 $0xFFFFFF80  }
0x8d: {  	[tilespmem:s14], [sflag:$0x4] =	stream.linear.gather [hbm4b:s26+s3], $0x80, $0x38;
	[tilespmem:$0x1C200] =	vst v63  }
0x8e: {  	_ =	swait.ge [sflag:s13], $0x80  }
0x8f: {  	[sflag:s13] =	ssyncset.done $0x0  }
0x90: {  	[sflag:s13] =	ssyncadd.s32 $0xFFFFFF80  }
0x91: {  	[tilespmem:s15], [sflag:$0x2] =	stream.indirect.gather [hbm4b:s6+s12], $0x80, s12, s12, $0xb8;
	[tilespmem:$0x1C200] =	vst v63  }
0x92: {  	_ =	swait.ge [sflag:s16], $0x4000  }
0x93: {  	[sflag:s16] =	ssyncset.done $0x0  }
0x94: {  	[sflag:s16] =	ssyncadd.s32 $0xFFFFC000  }
0x95: {  	[spmem:s1] =	stream.indirect.scatter.add.f32 [tilespmem:s9], [sflag:$0x4], $0x80, s11, s12, $0xb8;
	[tilespmem:$0x1C200] =	vst v63  }
0x96: {  	_ =	swait.ge [sflag:s13], $0x4000  }
0x97: {  	s28 =	sshrl.u32 s22, $0x3;
	[sflag:s13] =	ssyncset.done $0x0  }
0x98: {  	s29 =	sadd.s32 s4, s28;
	[sflag:s13] =	ssyncadd.s32 $0xFFFFC000  }
0x99: {  	[tilespmem:s3], [sflag:$0x4] =	stream.linear.gather [hbm4b:s29+s3], $0x80, $0x38;
	[tilespmem:$0x1C200] =	vst v63  }
0x9a: {  	_ =	swait.ge [sflag:s13], $0x80  }
0x9b: {  	[sflag:s13] =	ssyncset.done $0x0  }
0x9c: {  	s19 =	sadd.s32 s5, s28;
	[sflag:s13] =	ssyncadd.s32 $0xFFFFFF80  }
0x9d: {  	[tilespmem:s11], [sflag:$0x4] =	stream.linear.gather [hbm4b:s19+s3], $0x80, $0x38;
	[tilespmem:$0x1C200] =	vst v63  }
0x9e: {  	_ =	swait.ge [sflag:s13], $0x80  }
0x9f: {  	[sflag:s13] =	ssyncset.done $0x0  }
0xa0: {  	[sflag:s13] =	ssyncadd.s32 $0xFFFFFF80  }
0xa1: {  	[tilespmem:s9], [sflag:$0x1] =	stream.indirect.gather [hbm4b:s6+s12], $0x80, s3, s12, $0xb8;
	[tilespmem:$0x1C200] =	vst v63  }
0xa2: {  	_ =	swait.ge [sflag:s17], $0x4000  }
0xa3: {  	[sflag:s17] =	ssyncset.done $0x0  }
0xa4: {  	[sflag:s17] =	ssyncadd.s32 $0xFFFFC000  }
0xa5: {  	[spmem:s1] =	stream.indirect.scatter.add.f32 [tilespmem:s15], [sflag:$0x3], $0x80, s14, s12, $0xb8;
	[tilespmem:$0x1C200] =	vst v63  }
0xa6: {  	s20 =	simm.s32 $0x20;
	_ =	swait.ge [sflag:s10], $0x4000  }
0xa7: {  	s21 =	simm.s32 $0x40;
	s19 =	sadd.s32 $0x100, s22;
	[sflag:s10] =	ssyncset.done $0x0  }
.LBB2_4:
0xa8: {  	s28 =	sadd.s32 s20, s24  }
0xa9: {  	[sflag:s10] =	ssyncadd.s32 $0xFFFFC000;
	s29 =	smov.u32 s21;
	s26 =	sadd.s32 $0x20, s21  }
0xaa: {  	[tilespmem:s12], [sflag:$0x4] =	stream.linear.gather [hbm4b:s28+s3], $0x80, $0x38;
	[tilespmem:$0x1C200] =	vst v63  }
0xab: {  	p0 =	sne.s32 s21, $0x4C0;
	_ =	swait.ge [sflag:s13], $0x80  }
0xac: {  	[sflag:s13] =	ssyncset.done $0x0  }
0xad: {  	s21 =	sadd.s32 s20, s23;
	s20 =	smov.u32 s29;
	[sflag:s13] =	ssyncadd.s32 $0xFFFFFF80  }
0xae: {  	[tilespmem:s14], [sflag:$0x4] =	stream.linear.gather [hbm4b:s21+s3], $0x80, $0x38;
	[tilespmem:$0x1C200] =	vst v63  }
0xaf: {  	_ =	swait.ge [sflag:s13], $0x80  }
0xb0: {  	[sflag:s13] =	ssyncset.done $0x0  }
0xb1: {  	[sflag:s13] =	ssyncadd.s32 $0xFFFFFF80  }
0xb2: {  	[tilespmem:s15], [sflag:$0x2] =	stream.indirect.gather [hbm4b:s6+s12], $0x80, s12, s12, $0xb8;
	[tilespmem:$0x1C200] =	vst v63  }
0xb3: {  	_ =	swait.ge [sflag:s16], $0x4000  }
0xb4: {  	[sflag:s16] =	ssyncset.done $0x0  }
0xb5: {  	[sflag:s16] =	ssyncadd.s32 $0xFFFFC000  }
0xb6: {  	[spmem:s1] =	stream.indirect.scatter.add.f32 [tilespmem:s9], [sflag:$0x4], $0x80, s11, s12, $0xb8;
	[tilespmem:$0x1C200] =	vst v63  }
0xb7: {  	_ =	swait.ge [sflag:s13], $0x4000  }
0xb8: {  	s21 =	sshrl.u32 s19, $0x3;
	[sflag:s13] =	ssyncset.done $0x0  }
0xb9: {  	s28 =	sadd.s32 s4, s21;
	[sflag:s13] =	ssyncadd.s32 $0xFFFFC000  }
0xba: {  	[tilespmem:s3], [sflag:$0x4] =	stream.linear.gather [hbm4b:s28+s3], $0x80, $0x38;
	[tilespmem:$0x1C200] =	vst v63  }
0xbb: {  	_ =	swait.ge [sflag:s13], $0x80  }
0xbc: {  	[sflag:s13] =	ssyncset.done $0x0  }
0xbd: {  	s21 =	sadd.s32 s5, s21;
	[sflag:s13] =	ssyncadd.s32 $0xFFFFFF80  }
0xbe: {  	[tilespmem:s11], [sflag:$0x4] =	stream.linear.gather [hbm4b:s21+s3], $0x80, $0x38;
	[tilespmem:$0x1C200] =	vst v63  }
0xbf: {  	_ =	swait.ge [sflag:s13], $0x80  }
0xc0: {  	[sflag:s13] =	ssyncset.done $0x0  }
0xc1: {  	[sflag:s13] =	ssyncadd.s32 $0xFFFFFF80  }
0xc2: {  	[tilespmem:s9], [sflag:$0x1] =	stream.indirect.gather [hbm4b:s6+s12], $0x80, s3, s12, $0xb8;
	[tilespmem:$0x1C200] =	vst v63  }
0xc3: {  	_ =	swait.ge [sflag:s17], $0x4000  }
.Ltmp1:
0xc4: {  	[sflag:s17] =	ssyncset.done $0x0;
	(pc) =	sbr.rel @p0 .LBB2_4-.Ltmp1, $4  }
0xc5: {  	[sflag:s17] =	ssyncadd.s32 $0xFFFFC000  }
0xc6: {  	[spmem:s1] =	stream.indirect.scatter.add.f32 [tilespmem:s15], [sflag:$0x3], $0x80, s14, s12, $0xb8;
	[tilespmem:$0x1C200] =	vst v63  }
0xc7: {  	_ =	swait.ge [sflag:s10], $0x4000  }
0xc8: {  	s19 =	sadd.s32 $0x100, s19;
	s21 =	smov.u32 s26;
	[sflag:s10] =	ssyncset.done $0x0  }
0xc9: {  	s21 =	sadd.s32 s20, s24;
	[sflag:s10] =	ssyncadd.s32 $0xFFFFC000  }
0xca: {  	[tilespmem:s12], [sflag:$0x4] =	stream.linear.gather [hbm4b:s21+s3], $0x80, $0x38;
	[tilespmem:$0x1C200] =	vst v63  }
0xcb: {  	_ =	swait.ge [sflag:s13], $0x80  }
0xcc: {  	[sflag:s13] =	ssyncset.done $0x0  }
0xcd: {  	s26 =	sadd.s32 s20, s23;
	[sflag:s13] =	ssyncadd.s32 $0xFFFFFF80  }
0xce: {  	[tilespmem:s14], [sflag:$0x4] =	stream.linear.gather [hbm4b:s26+s3], $0x80, $0x38;
	[tilespmem:$0x1C200] =	vst v63  }
0xcf: {  	_ =	swait.ge [sflag:s13], $0x80  }
0xd0: {  	[sflag:s13] =	ssyncset.done $0x0  }
0xd1: {  	[sflag:s13] =	ssyncadd.s32 $0xFFFFFF80  }
0xd2: {  	[tilespmem:s15], [sflag:$0x2] =	stream.indirect.gather [hbm4b:s6+s12], $0x80, s12, s12, $0xb8;
	[tilespmem:$0x1C200] =	vst v63  }
0xd3: {  	_ =	swait.ge [sflag:s16], $0x4000  }
0xd4: {  	[sflag:s16] =	ssyncset.done $0x0  }
0xd5: {  	[sflag:s16] =	ssyncadd.s32 $0xFFFFC000  }
0xd6: {  	[spmem:s1] =	stream.indirect.scatter.add.f32 [tilespmem:s9], [sflag:$0x4], $0x80, s11, s12, $0xb8;
	[tilespmem:$0x1C200] =	vst v63  }
0xd7: {  	_ =	swait.ge [sflag:s13], $0x4000  }
0xd8: {  	s19 =	sshrl.u32 s19, $0x3;
	[sflag:s13] =	ssyncset.done $0x0  }
0xd9: {  	s28 =	sadd.s32 s4, s19;
	[sflag:s13] =	ssyncadd.s32 $0xFFFFC000  }
0xda: {  	[tilespmem:s3], [sflag:$0x4] =	stream.linear.gather [hbm4b:s28+s3], $0x80, $0x38;
	[tilespmem:$0x1C200] =	vst v63  }
0xdb: {  	_ =	swait.ge [sflag:s13], $0x80  }
0xdc: {  	[sflag:s13] =	ssyncset.done $0x0  }
0xdd: {  	s19 =	sadd.s32 s5, s19;
	[sflag:s13] =	ssyncadd.s32 $0xFFFFFF80  }
0xde: {  	[tilespmem:s11], [sflag:$0x4] =	stream.linear.gather [hbm4b:s19+s3], $0x80, $0x38;
	[tilespmem:$0x1C200] =	vst v63  }
0xdf: {  	_ =	swait.ge [sflag:s13], $0x80  }
0xe0: {  	[sflag:s13] =	ssyncset.done $0x0  }
0xe1: {  	[sflag:s13] =	ssyncadd.s32 $0xFFFFFF80  }
0xe2: {  	[tilespmem:s9], [sflag:$0x1] =	stream.indirect.gather [hbm4b:s6+s12], $0x80, s3, s12, $0xb8;
	[tilespmem:$0x1C200] =	vst v63  }
0xe3: {  	_ =	swait.ge [sflag:s17], $0x4000  }
0xe4: {  	[sflag:s17] =	ssyncset.done $0x0  }
0xe5: {  	[sflag:s17] =	ssyncadd.s32 $0xFFFFC000  }
0xe6: {  	[spmem:s1] =	stream.indirect.scatter.add.f32 [tilespmem:s15], [sflag:$0x3], $0x80, s14, s12, $0xb8;
	[tilespmem:$0x1C200] =	vst v63  }
0xe7: {  	_ =	swait.ge [sflag:s10], $0x4000  }
0xe8: {  	[sflag:s10] =	ssyncset.done $0x0  }
0xe9: {  	[sflag:s10] =	ssyncadd.s32 $0xFFFFC000  }
0xea: {  	_ =	swait.ge [sflag:s16], $0x4000  }
0xeb: {  	[sflag:s16] =	ssyncset.done $0x0  }
0xec: {  	[sflag:s16] =	ssyncadd.s32 $0xFFFFC000  }
0xed: {  	[spmem:s1] =	stream.indirect.scatter.add.f32 [tilespmem:s9], [sflag:$0x4], $0x80, s11, s12, $0xb8;
	[tilespmem:$0x1C200] =	vst v63  }
0xee: {  	_ =	swait.ge [sflag:s13], $0x4000  }
0xef: {  	[sflag:s13] =	ssyncset.done $0x0  }
0xf0: {  	[sflag:s13] =	ssyncadd.s32 $0xFFFFC000  }
0xf1: {  	[bflag:$0x0] =	sbarrier.arrive $0xFFFF  }
0xf2: {  	[tilespmem:s9], [sflag:$0x3] =	stream.linear.gather [spmem:s7], $0x1000, $0x38;
	[tilespmem:$0x1C200] =	vst v63  }
0xf3: {  	_ =	swait.ge [sflag:s10], $0x1000  }
0xf4: {  	[sflag:s10] =	ssyncset.done $0x0  }
0xf5: {  	s29 =	sadd.s32 $0x0, s25;
	[sflag:s10] =	ssyncadd.s32 $0xFFFFF000  }
0xf6: {  	[hbm4b:s29+s3] =	stream.linear.scatter [tilespmem:s9], [sflag:$0x3], $0x1000, $0x38;
	[tilespmem:$0x1C200] =	vst v63  }
0xf7: {  	_ =	swait.ge [sflag:s10], $0x1000  }
0xf8: {  	s20 =	smov.u32 s7;
	s19 =	simm.s32 $0x200;
	[sflag:s10] =	ssyncset.done $0x0  }
.LBB2_6:
0xf9: {  	p0 =	sne.s32 s19, $0x2600;
	[sflag:s10] =	ssyncadd.s32 $0xFFFFF000;
	s20 =	sadd.s32 $0x1000, s20  }
0xfa: {  	[tilespmem:s9], [sflag:$0x3] =	stream.linear.gather [spmem:s20], $0x1000, $0x38;
	[tilespmem:$0x1C200] =	vst v63  }
0xfb: {  	s21 =	smov.u32 s19;
	s19 =	sadd.s32 $0x200, s19;
	_ =	swait.ge [sflag:s10], $0x1000  }
.Ltmp2:
0xfc: {  	[sflag:s10] =	ssyncset.done $0x0;
	(pc) =	sbr.rel @p0 .LBB2_6-.Ltmp2, $4  }
0xfd: {  	s21 =	sadd.s32 s21, s25;
	[sflag:s10] =	ssyncadd.s32 $0xFFFFF000  }
0xfe: {  	[hbm4b:s21+s3] =	stream.linear.scatter [tilespmem:s9], [sflag:$0x3], $0x1000, $0x38;
	[tilespmem:$0x1C200] =	vst v63  }
0xff: {  	_ =	swait.ge [sflag:s10], $0x1000  }
0x100: {  	[sflag:s10] =	ssyncset.done $0x0  }
0x101: {  	s18 =	sadd.s32 $0x1, s18;
	s19 =	rddreg [dreg:$0x5]  }
0x102: {  	p0 =	sne.s32 s18, s19  }
.Ltmp3:
0x103: {  	_ = 	snop;
	(pc) =	sbr.rel @p0 .LBB2_1-.Ltmp3, $2  }
0x104: {  	_ =	sdelay $0x2  }
0x105: {  	[sflag:s10] =	ssyncadd.s32 $0xFFFFF000  }
0x106: {  	_ =	sfence.sel $0x180000  }
0x107: {  	[bflag:$0x0] =	sbarrier.arrive $0xFFFF  }
0x108: {  	_ =	strace $0x90000050  }
0x109: {  	s0 =	stileid.u32;
	[bflag:$0x2] =	sbarrier.arrive $0xFFFF  }
0x10a: {  	p0 =	sne.s32 s0, $0x0;
	s0 =	rddreg [dreg:$0x2]  }
0x10b: {  	s0 =	sadd.s32 @!p0 $0x100000, s0  }
0x10c: {  	[sflag:s0] =	ssyncadd.tile.s32 @!p0 $0x1;
	_ =	shalt  }
.Lfunc_end2:
_tile_overlayer_lowered:
.L_overlay_start_2:
0x10d: {  	(tag) =	ssettag $0x2  }
0x10e: {  	s0 =	rddreg [dreg:$0x0];
	s2 =	stileid.u32  }
0x10f: {  	s1 =	rddreg [dreg:$0x1];
	p0 =	sne.s32 s2, $0x0  }
0x110: {  	s3 =	rddreg [dreg:$0x2];
	[bflag:$0x3] =	sbarrier.arrive $0xFFFF;
	s2 =	simm.s32 @!p0 $0x1C03  }
0x111: {  	[timem:s3], [sflag:s2] =	dma.local @!p0 [hbm:s0], s1  }
0x112: {  	s0 =	simm.s32 @!p0 $0x3  }
0x113: {  	_ =	swait.ge @!p0 [sflag:s0], s1  }
0x114: {  	s1 =	ssub.s32 @!p0 $0x0, s1;
	[sflag:s0] =	ssyncset.done @!p0 $0x0  }
0x115: {  	[sflag:s0] =	ssyncadd.s32 @!p0 s1  }
0x116: {  	[bflag:$0x3] =	sbarrier.arrive $0xFFFF  }
0x117: {  	_ =	shalt  }

</sc_bundles>
